<compile_context>
chip_gen: v7x
topology: tpu7x:2x2x1
jax: 0.10.2.dev20260603
libtpu: 0.0.44.dev20260713+nightly
codegen_flags: <defaults>
</compile_context>

<pallas_src>
import functools

import jax
import jax.numpy as jnp
from jax import lax
from jax.experimental import pallas as pl
from jax.experimental.pallas import tpu as pltpu
from jax.experimental.pallas import tpu_sc as plsc

F32 = jnp.float32

NU = 2048
NI = 1536
NC = 5
FD = NU + NI
H0 = 64
H1 = 32
ID = 10
NBASIS = 2
NE = 100000

E_PAD = 100352
KB = 512


def _feat_kernel(x_ref, w_ref, out_ref):
    k = pl.program_id(0)

    @pl.when(k == 0)
    def _():
        out_ref[...] = jnp.zeros_like(out_ref)

    wcat = jnp.concatenate([w_ref[c] for c in range(NC)], axis=1)
    out_ref[...] += jnp.dot(x_ref[...].astype(jnp.bfloat16),
                            wcat.astype(jnp.bfloat16),
                            preferred_element_type=F32)

    @pl.when(k == pl.num_programs(0) - 1)
    def _():
        for c in range(1, NC):
            out_ref[:, c * H0:(c + 1) * H0] += out_ref[:, (c - 1) * H0:c * H0]


def _feat_matmul(x, w_flat):
    m = x.shape[0]
    return pl.pallas_call(
        _feat_kernel,
        grid=(FD // KB,),
        in_specs=[
            pl.BlockSpec((m, KB), lambda k: (0, k)),
            pl.BlockSpec((NC, KB, H0), lambda k: (0, k, 0)),
        ],
        out_specs=pl.BlockSpec((m, NC * H0), lambda k: (0, 0)),
        out_shape=jax.ShapeDtypeStruct((m, NC * H0), F32),
        compiler_params=pltpu.CompilerParams(
            dimension_semantics=("arbitrary",)),
    )(x, w_flat)


def _conv_kernel(sup_ref, tmp_ref, side_ref, w1_ref, b1_ref, w2_ref, wb_ref,
                 out_ref, *, emit_basis):
    acc = None
    for c in range(NC):
        part = jnp.dot(sup_ref[c].astype(jnp.bfloat16),
                       tmp_ref[:, c * H0:(c + 1) * H0].astype(jnp.bfloat16),
                       preferred_element_type=F32)
        acc = part if acc is None else acc + part
    z = jnp.maximum(acc, 0.0)
    f = jnp.maximum(
        jnp.dot(side_ref[...], w1_ref[...], preferred_element_type=F32)
        + b1_ref[...], 0.0)
    h = (jnp.dot(z, w2_ref[:H0, :], preferred_element_type=F32)
         + jnp.dot(f, w2_ref[H0:, :], preferred_element_type=F32))
    if emit_basis:
        out_ref[...] = jnp.dot(h, wb_ref[...], preferred_element_type=F32)
    else:
        out_ref[...] = h


def _conv_side(sup, tmp, side, w1, b1, w2, wb, emit_basis):
    m = sup.shape[1]
    n = sup.shape[2]
    mb = 256
    out_w = NBASIS * H1 if emit_basis else H1
    return pl.pallas_call(
        functools.partial(_conv_kernel, emit_basis=emit_basis),
        grid=(m // mb,),
        in_specs=[
            pl.BlockSpec((NC, mb, n), lambda i: (0, i, 0)),
            pl.BlockSpec((n, NC * H0), lambda i: (0, 0)),
            pl.BlockSpec((mb, 64), lambda i: (i, 0)),
            pl.BlockSpec((64, ID), lambda i: (0, 0)),
            pl.BlockSpec((1, ID), lambda i: (0, 0)),
            pl.BlockSpec((H0 + ID, H1), lambda i: (0, 0)),
            pl.BlockSpec((H1, NBASIS * H1), lambda i: (0, 0)),
        ],
        out_specs=pl.BlockSpec((mb, out_w), lambda i: (i, 0)),
        out_shape=jax.ShapeDtypeStruct((m, out_w), F32),
        compiler_params=pltpu.CompilerParams(
            dimension_semantics=("arbitrary",)),
    )(sup, tmp, side, w1, b1, w2, wb)


SLICE = E_PAD // 32
ECH = 1568
NCHUNK = SLICE // ECH


def _sc_decoder_body(uidx_hbm, vidx_hbm, uh_hbm, vb_hbm, bout_hbm,
                     ut_v, vt_v, uidx_v, vidx_v, b0_v, b1_v):
    wid = lax.axis_index("s") * 2 + lax.axis_index("c")
    pltpu.sync_copy(uh_hbm, ut_v)
    pltpu.sync_copy(vb_hbm, vt_v)

    for ch in range(NCHUNK):
        off = wid * SLICE + ch * ECH
        pltpu.sync_copy(uidx_hbm.at[pl.ds(off, ECH)], uidx_v)
        pltpu.sync_copy(vidx_hbm.at[pl.ds(off, ECH)], vidx_v)

        def grp(g, c2):
            e0 = g * 16
            iu = uidx_v[pl.ds(e0, 16)]
            iv = vidx_v[pl.ds(e0, 16)]
            acc0 = jnp.zeros((16,), F32)
            acc1 = jnp.zeros((16,), F32)
            for fp in range(H1 // 2):
                gup = plsc.load_gather(ut_v, [iu + fp * NU])
                u0, u1 = plsc.unpack(plsc.bitcast(gup, jnp.bfloat16),
                                     format=plsc.PackFormat.INTERLEAVED)
                gp0 = plsc.load_gather(vt_v, [iv + (2 * fp) * NI])
                v00, v10 = plsc.unpack(plsc.bitcast(gp0, jnp.bfloat16),
                                       format=plsc.PackFormat.INTERLEAVED)
                gp1 = plsc.load_gather(vt_v, [iv + (2 * fp + 1) * NI])
                v01, v11 = plsc.unpack(plsc.bitcast(gp1, jnp.bfloat16),
                                       format=plsc.PackFormat.INTERLEAVED)
                acc0 = acc0 + u0 * v00 + u1 * v01
                acc1 = acc1 + u0 * v10 + u1 * v11
            b0_v[pl.ds(e0, 16)] = acc0
            b1_v[pl.ds(e0, 16)] = acc1
            return c2

        lax.fori_loop(0, ECH // 16, grp, 0)
        pltpu.sync_copy(b0_v, bout_hbm.at[pl.ds(off, ECH)])
        pltpu.sync_copy(b1_v, bout_hbm.at[pl.ds(E_PAD + off, ECH)])


@functools.cache
def _sc_decoder_fn():
    return pl.kernel(
        _sc_decoder_body,
        out_type=jax.ShapeDtypeStruct((2 * E_PAD,), F32),
        mesh=plsc.VectorSubcoreMesh(core_axis_name="c", subcore_axis_name="s"),
        compiler_params=pltpu.CompilerParams(needs_layout_passes=False),
        scratch_types=[
            pltpu.VMEM((NU * H1 // 2,), jnp.int32),
            pltpu.VMEM((NI * H1,), jnp.int32),
            pltpu.VMEM((ECH,), jnp.int32),
            pltpu.VMEM((ECH,), jnp.int32),
            pltpu.VMEM((ECH,), F32),
            pltpu.VMEM((ECH,), F32),
        ],
    )


def _sc_decoder(up, vp, uht_flat, vbp_flat):
    bcat = _sc_decoder_fn()(up, vp, uht_flat, vbp_flat)
    return bcat[:E_PAD], bcat[E_PAD:]


def _head_kernel(b0_ref, b1_ref, r_ref, amix_ref, mh_ref, loss_ref, rmse_ref):
    b0 = b0_ref[...]
    b1 = b1_ref[...]
    r = r_ref[...]
    o = [b0 * amix_ref[0, k] + b1 * amix_ref[0, NC + k] for k in range(NC)]
    mx = o[0]
    for k in range(1, NC):
        mx = jnp.maximum(mx, o[k])
    e = [jnp.exp(o[k] - mx) for k in range(NC)]
    s = e[0]
    num = e[0]
    for k in range(1, NC):
        s = s + e[k]
        num = num + e[k] * (k + 1.0)
    mh = num / s
    mh_ref[...] = mh

    rows = b0.shape[0]
    cols = b0.shape[1]
    eid = (lax.broadcasted_iota(jnp.int32, (rows, cols), 0) * cols
           + lax.broadcasted_iota(jnp.int32, (rows, cols), 1))
    valid = eid < NE
    o_r = jnp.zeros_like(b0)
    for k in range(NC):
        o_r = o_r + jnp.where(r == k, o[k], 0.0)
    logp_r = o_r - mx - jnp.log(s)
    loss = -jnp.sum(jnp.where(valid, logp_r, 0.0)) / NE
    sq = jnp.where(valid, (mh - (r.astype(F32) + 1.0)) ** 2, 0.0)
    rmse = jnp.sqrt(jnp.sum(sq) / NE)
    loss_ref[0, 0] = loss
    rmse_ref[0, 0] = rmse


def _head(b0, b1, r2d, amix):
    rows, cols = b0.shape
    return pl.pallas_call(
        _head_kernel,
        in_specs=[
            pl.BlockSpec((rows, cols), lambda: (0, 0)),
            pl.BlockSpec((rows, cols), lambda: (0, 0)),
            pl.BlockSpec((rows, cols), lambda: (0, 0)),
            pl.BlockSpec((1, 2 * NC), lambda: (0, 0)),
        ],
        out_specs=[
            pl.BlockSpec((rows, cols), lambda: (0, 0)),
            pl.BlockSpec(memory_space=pltpu.SMEM),
            pl.BlockSpec(memory_space=pltpu.SMEM),
        ],
        out_shape=[
            jax.ShapeDtypeStruct((rows, cols), F32),
            jax.ShapeDtypeStruct((1, 1), F32),
            jax.ShapeDtypeStruct((1, 1), F32),
        ],
    )(b0, b1, r2d, amix)


def kernel(u, v, r, support, support_t, u_side, v_side, u_features,
           v_features, W_gc, W_u1, b_u1, W_v1, b_v1, W_u2, W_v2, W_bil,
           a_mix):
    tmp_u = _feat_matmul(u_features, W_gc)
    tmp_v = _feat_matmul(v_features, W_gc)

    wbT = jnp.concatenate([W_bil[0].T, W_bil[1].T], axis=1)
    u_h = _conv_side(support, tmp_v, u_side, W_u1, b_u1.reshape(1, ID),
                     W_u2, wbT, emit_basis=False)
    vb = _conv_side(support_t, tmp_u, v_side, W_v1, b_v1.reshape(1, ID),
                    W_v2, wbT, emit_basis=True)
    u3 = u_h.T.reshape(H1 // 2, 2, NU).transpose(0, 2, 1)
    uht_flat = lax.bitcast_convert_type(
        u3.astype(jnp.bfloat16), jnp.int32).reshape(H1 // 2 * NU)
    vb3 = jnp.stack([vb[:, :H1].T, vb[:, H1:].T], axis=-1)
    vbp_flat = lax.bitcast_convert_type(
        vb3.astype(jnp.bfloat16), jnp.int32).reshape(H1 * NI)

    pad = E_PAD - NE
    up = jnp.pad(u.astype(jnp.int32), (0, pad))
    vp = jnp.pad(v.astype(jnp.int32), (0, pad))
    rp = jnp.pad(r.astype(jnp.int32), (0, pad))

    b0, b1 = _sc_decoder(up, vp, uht_flat, vbp_flat)

    mh2, loss11, rmse11 = _head(b0.reshape(784, 128), b1.reshape(784, 128),
                                rp.reshape(784, 128), a_mix.reshape(1, 2 * NC))
    m_hat = mh2.reshape(E_PAD)[:NE]
    return (m_hat, loss11[0, 0], rmse11[0, 0])

# --- scband reference (transcript-rebuilt; emitter-appended) ---
"""Pipeline reference for scband-gae-4286377361472 (READ-ONLY COPY).

The authoritative reference and input builder live on the scoring server;
editing this copy changes nothing except your own understanding.
"""

import jax, jax.numpy as jnp
import numpy as np

NUM_USERS = 2048
NUM_ITEMS = 1536
NUM_CLASSES = 5
FEAT_DIM = NUM_USERS + NUM_ITEMS
HIDDEN0 = 64
HIDDEN1 = 32
INPUT_DIM = 10
SIDE_DIM = 64
NB = 2
NUM_EDGES = 100000


def setup_inputs(seed: int = 0):
    key = jax.random.key(seed)
    ks = jax.random.split(key, 16)
    inp = {}
    inp["u"] = jax.random.randint(ks[0], (NUM_EDGES,), 0, NUM_USERS)
    inp["v"] = jax.random.randint(ks[1], (NUM_EDGES,), 0, NUM_ITEMS)
    inp["r"] = jax.random.randint(ks[2], (NUM_EDGES,), 0, NUM_CLASSES)
    inp["support"] = jax.random.uniform(ks[3], (NUM_CLASSES, NUM_USERS, NUM_ITEMS), dtype=jnp.float32) / NUM_ITEMS
    inp["support_t"] = jax.random.uniform(ks[4], (NUM_CLASSES, NUM_ITEMS, NUM_USERS), dtype=jnp.float32) / NUM_USERS
    inp["u_side"] = jax.random.normal(ks[5], (NUM_USERS, SIDE_DIM), dtype=jnp.float32)
    inp["v_side"] = jax.random.normal(ks[6], (NUM_ITEMS, SIDE_DIM), dtype=jnp.float32)
    inp["u_features"] = jax.random.normal(ks[7], (NUM_USERS, FEAT_DIM), dtype=jnp.float32) * 0.1
    inp["v_features"] = jax.random.normal(ks[8], (NUM_ITEMS, FEAT_DIM), dtype=jnp.float32) * 0.1
    inp["W_gc"] = jax.random.normal(ks[9], (NUM_CLASSES, FEAT_DIM, HIDDEN0), dtype=jnp.float32) * (1.0 / np.sqrt(FEAT_DIM))
    inp["W_u1"] = jax.random.normal(ks[10], (SIDE_DIM, INPUT_DIM), dtype=jnp.float32) * (1.0 / np.sqrt(SIDE_DIM))
    inp["b_u1"] = jnp.zeros((INPUT_DIM,), dtype=jnp.float32)
    inp["W_v1"] = jax.random.normal(ks[11], (SIDE_DIM, INPUT_DIM), dtype=jnp.float32) * (1.0 / np.sqrt(SIDE_DIM))
    inp["b_v1"] = jnp.zeros((INPUT_DIM,), dtype=jnp.float32)
    inp["W_u2"] = jax.random.normal(ks[12], (HIDDEN0 + INPUT_DIM, HIDDEN1), dtype=jnp.float32) * (1.0 / np.sqrt(HIDDEN0 + INPUT_DIM))
    inp["W_v2"] = jax.random.normal(ks[13], (HIDDEN0 + INPUT_DIM, HIDDEN1), dtype=jnp.float32) * (1.0 / np.sqrt(HIDDEN0 + INPUT_DIM))
    inp["W_bil"] = jax.random.normal(ks[14], (NB, HIDDEN1, HIDDEN1), dtype=jnp.float32) * (1.0 / np.sqrt(HIDDEN1))
    inp["a_mix"] = jax.random.normal(ks[15], (NB, NUM_CLASSES), dtype=jnp.float32) * 0.5
    return inp


def reference(u, v, r, support, support_t, u_side, v_side, u_features, v_features, W_gc, W_u1, b_u1, W_v1, b_v1, W_u2, W_v2, W_bil, a_mix):
    # GC-MC graph convolution with ordinal weight sharing (cumulative sum over rating classes).
    # Dropout layers treated as identity (eval mode) for determinism.
    w_cum = jnp.cumsum(W_gc, axis=0)
    u_hid = jnp.zeros((support.shape[1], W_gc.shape[2]), dtype=support.dtype)
    v_hid = jnp.zeros((support.shape[2], W_gc.shape[2]), dtype=support.dtype)
    for c in range(support.shape[0]):
        tmp_u = u_features @ w_cum[c]
        tmp_v = v_features @ w_cum[c]
        u_hid = u_hid + support[c] @ tmp_v
        v_hid = v_hid + support_t[c] @ tmp_u
    u_z = jax.nn.relu(u_hid)
    v_z = jax.nn.relu(v_hid)
    u_f = jax.nn.relu(u_side @ W_u1 + b_u1)
    v_f = jax.nn.relu(v_side @ W_v1 + b_v1)
    u_h = jnp.concatenate([u_z, u_f], axis=1) @ W_u2
    v_h = jnp.concatenate([v_z, v_f], axis=1) @ W_v2
    # Bilinear mixture decoder on rated (user, item) pairs
    ue = u_h[u]
    ve = v_h[v]
    basis = jnp.stack([jnp.sum((ue @ W_bil[b]) * ve, axis=1) for b in range(W_bil.shape[0])], axis=1)
    outputs = basis @ a_mix
    probs = jax.nn.softmax(outputs, axis=1)
    m_hat = jnp.sum(probs * jnp.arange(1, outputs.shape[1] + 1, dtype=outputs.dtype), axis=1)
    logp = jax.nn.log_softmax(outputs, axis=1)
    loss = -jnp.mean(jnp.take_along_axis(logp, r[:, None], axis=1))
    rmse_loss = jnp.sqrt(jnp.mean((m_hat - (r.astype(outputs.dtype) + 1.0)) ** 2))
    return (m_hat, loss, rmse_loss)

if __name__ == "__main__":
    import jax
    _d = setup_inputs()
    print(jax.jit(kernel)(*tuple(_d.values())))

</pallas_src>

<mosaic_0001>
#map = affine_map<(d0, d1) -> (0)>
module attributes {stable_mosaic.version = 14 : i64} {
  func.func @_sc_decoder_body(%arg0: i32, %arg1: i32, %arg2: memref<100352xi32, #tpu.memory_space<hbm>>, %arg3: memref<100352xi32, #tpu.memory_space<hbm>>, %arg4: memref<32768xi32, #tpu.memory_space<hbm>>, %arg5: memref<49152xi32, #tpu.memory_space<hbm>>, %arg6: memref<200704xf32, #tpu.memory_space<hbm>>, %arg7: memref<32768xi32, #tpu.memory_space<vmem>>, %arg8: memref<49152xi32, #tpu.memory_space<vmem>>, %arg9: memref<1568xi32, #tpu.memory_space<vmem>>, %arg10: memref<1568xi32, #tpu.memory_space<vmem>>, %arg11: memref<1568xf32, #tpu.memory_space<vmem>>, %arg12: memref<1568xf32, #tpu.memory_space<vmem>>) attributes {dimension_semantics = [#tpu.dimension_semantics<core_parallel>, #tpu.dimension_semantics<subcore_parallel>], iteration_bounds = array<i64: 2, 16>, scalar_prefetch = 0 : i64, scratch_operands = 6 : i64, tpu.core_type = #tpu.core_type<sc_vector_subcore>, window_params = [{transform_indices = #map}, {transform_indices = #map}, {transform_indices = #map}, {transform_indices = #map}, {transform_indices = #map}]} {
    %mul3A = arith.constant 2 : i32
    %mul3A_0 = arith.muli %arg1, %mul3A : i32
    %add3A = arith.addi %mul3A_0, %arg0 : i32
    "tpu.region"() ({
      %run_scoped3A = tpu.sem_alloc : memref<!tpu.dma_semaphore, #tpu.memory_space<semaphore_mem>>
      tpu.enqueue_dma source(%arg4 : memref<32768xi32, #tpu.memory_space<hbm>>) target(%arg7 : memref<32768xi32, #tpu.memory_space<vmem>>) target_semaphore(%run_scoped3A : memref<!tpu.dma_semaphore, #tpu.memory_space<semaphore_mem>>)
      tpu.wait_dma2 semaphore(%run_scoped3A : memref<!tpu.dma_semaphore, #tpu.memory_space<semaphore_mem>>) src(%arg4 : memref<32768xi32, #tpu.memory_space<hbm>>) dst(%arg7 : memref<32768xi32, #tpu.memory_space<vmem>>)
      tpu.yield
    }) : () -> ()
    "tpu.region"() ({
      %run_scoped3A = tpu.sem_alloc : memref<!tpu.dma_semaphore, #tpu.memory_space<semaphore_mem>>
      tpu.enqueue_dma source(%arg5 : memref<49152xi32, #tpu.memory_space<hbm>>) target(%arg8 : memref<49152xi32, #tpu.memory_space<vmem>>) target_semaphore(%run_scoped3A : memref<!tpu.dma_semaphore, #tpu.memory_space<semaphore_mem>>)
      tpu.wait_dma2 semaphore(%run_scoped3A : memref<!tpu.dma_semaphore, #tpu.memory_space<semaphore_mem>>) src(%arg5 : memref<49152xi32, #tpu.memory_space<hbm>>) dst(%arg8 : memref<49152xi32, #tpu.memory_space<vmem>>)
      tpu.yield
    }) : () -> ()
    %mul3A_1 = arith.constant 3136 : i32
    %mul3A_2 = arith.muli %add3A, %mul3A_1 : i32
    %add3A_3 = arith.constant 0 : i32
    %add3A_4 = arith.addi %mul3A_2, %add3A_3 : i32
    "tpu.region"() ({
      %run_scoped3A = tpu.sem_alloc : memref<!tpu.dma_semaphore, #tpu.memory_space<semaphore_mem>>
      %dma_start3A = tpu.memref_slice %arg2[%add3A_4] : memref<100352xi32, #tpu.memory_space<hbm>> -> memref<1568xi32, #tpu.memory_space<hbm>>
      %dma_start3A_24 = tpu.memref_slice %arg2[%add3A_4] : memref<100352xi32, #tpu.memory_space<hbm>> -> memref<1568xi32, #tpu.memory_space<hbm>>
      tpu.enqueue_dma source(%dma_start3A_24 : memref<1568xi32, #tpu.memory_space<hbm>>) target(%arg9 : memref<1568xi32, #tpu.memory_space<vmem>>) target_semaphore(%run_scoped3A : memref<!tpu.dma_semaphore, #tpu.memory_space<semaphore_mem>>)
      %dma_wait3A = tpu.memref_slice %arg2[%add3A_4] : memref<100352xi32, #tpu.memory_space<hbm>> -> memref<1568xi32, #tpu.memory_space<hbm>>
      %dma_wait3A_25 = tpu.memref_slice %arg2[%add3A_4] : memref<100352xi32, #tpu.memory_space<hbm>> -> memref<1568xi32, #tpu.memory_space<hbm>>
      tpu.wait_dma2 semaphore(%run_scoped3A : memref<!tpu.dma_semaphore, #tpu.memory_space<semaphore_mem>>) src(%dma_wait3A_25 : memref<1568xi32, #tpu.memory_space<hbm>>) dst(%arg9 : memref<1568xi32, #tpu.memory_space<vmem>>)
      tpu.yield
    }) : () -> ()
    "tpu.region"() ({
      %run_scoped3A = tpu.sem_alloc : memref<!tpu.dma_semaphore, #tpu.memory_space<semaphore_mem>>
      %dma_start3A = tpu.memref_slice %arg3[%add3A_4] : memref<100352xi32, #tpu.memory_space<hbm>> -> memref<1568xi32, #tpu.memory_space<hbm>>
      %dma_start3A_24 = tpu.memref_slice %arg3[%add3A_4] : memref<100352xi32, #tpu.memory_space<hbm>> -> memref<1568xi32, #tpu.memory_space<hbm>>
      tpu.enqueue_dma source(%dma_start3A_24 : memref<1568xi32, #tpu.memory_space<hbm>>) target(%arg10 : memref<1568xi32, #tpu.memory_space<vmem>>) target_semaphore(%run_scoped3A : memref<!tpu.dma_semaphore, #tpu.memory_space<semaphore_mem>>)
      %dma_wait3A = tpu.memref_slice %arg3[%add3A_4] : memref<100352xi32, #tpu.memory_space<hbm>> -> memref<1568xi32, #tpu.memory_space<hbm>>
      %dma_wait3A_25 = tpu.memref_slice %arg3[%add3A_4] : memref<100352xi32, #tpu.memory_space<hbm>> -> memref<1568xi32, #tpu.memory_space<hbm>>
      tpu.wait_dma2 semaphore(%run_scoped3A : memref<!tpu.dma_semaphore, #tpu.memory_space<semaphore_mem>>) src(%dma_wait3A_25 : memref<1568xi32, #tpu.memory_space<hbm>>) dst(%arg10 : memref<1568xi32, #tpu.memory_space<vmem>>)
      tpu.yield
    }) : () -> ()
    %scan3A = arith.constant 0 : i32
    %scan3A_5 = arith.constant 0 : i32
    %scan3A_6 = arith.constant 98 : i32
    %scan3A_7 = arith.addi %scan3A_5, %scan3A_6 : i32
    %scan3A_8 = arith.constant 1 : i32
    scf.for %scan3A_24 = %scan3A_5 to %scan3A_7 step %scan3A_8  : i32 {
      %mul3A_25 = arith.constant 16 : i32
      %mul3A_26 = arith.muli %scan3A_24, %mul3A_25 : i32
      %get3A = arith.index_cast %mul3A_26 : i32 to index
      %get3A_27 = tpu.vector_load %arg9[%get3A] {strides = array<i32>} : memref<1568xi32, #tpu.memory_space<vmem>>, vector<16xi32>,
      %get3A_28 = arith.index_cast %mul3A_26 : i32 to index
      %get3A_29 = tpu.vector_load %arg10[%get3A_28] {strides = array<i32>} : memref<1568xi32, #tpu.memory_space<vmem>>, vector<16xi32>,
      %broadcast_in_dim3A = arith.constant 0.000000e+00 : f32
      %broadcast_in_dim3A_30 = vector.broadcast %broadcast_in_dim3A : f32 to vector<16xf32>
      %broadcast_in_dim3A_31 = arith.constant 0.000000e+00 : f32
      %broadcast_in_dim3A_32 = vector.broadcast %broadcast_in_dim3A_31 : f32 to vector<16xf32>
      %add3A_33 = arith.constant 0 : i32
      %add3A_34 = vector.broadcast %add3A_33 : i32 to vector<16xi32>
      %add3A_35 = arith.addi %get3A_27, %add3A_34 : vector<16xi32>
      %gather3A = tpu.vector_load_idx %arg7[%add3A_35] : memref<32768xi32, #tpu.memory_space<vmem>>[vector<16xi32>], vector<16xi32>,
      %bitcast3A = vector.bitcast %gather3A : vector<16xi32> to vector<32xbf16>
      %unpack3A = tpu.unpack_subelements %bitcast3A, 0 {pack_format = #tpu.pack_format<interleaved>} : vector<32xbf16> -> vector<16xf32>
      %unpack3A_36 = tpu.unpack_subelements %bitcast3A, 1 {pack_format = #tpu.pack_format<interleaved>} : vector<32xbf16> -> vector<16xf32>
      %add3A_37 = arith.constant 0 : i32
      %add3A_38 = vector.broadcast %add3A_37 : i32 to vector<16xi32>
      %add3A_39 = arith.addi %get3A_29, %add3A_38 : vector<16xi32>
      %gather3A_40 = tpu.vector_load_idx %arg8[%add3A_39] : memref<49152xi32, #tpu.memory_space<vmem>>[vector<16xi32>], vector<16xi32>,
      %bitcast3A_41 = vector.bitcast %gather3A_40 : vector<16xi32> to vector<32xbf16>
      %unpack3A_42 = tpu.unpack_subelements %bitcast3A_41, 0 {pack_format = #tpu.pack_format<interleaved>} : vector<32xbf16> -> vector<16xf32>
      %unpack3A_43 = tpu.unpack_subelements %bitcast3A_41, 1 {pack_format = #tpu.pack_format<interleaved>} : vector<32xbf16> -> vector<16xf32>
      %add3A_44 = arith.constant 1536 : i32
      %add3A_45 = vector.broadcast %add3A_44 : i32 to vector<16xi32>
      %add3A_46 = arith.addi %get3A_29, %add3A_45 : vector<16xi32>
      %gather3A_47 = tpu.vector_load_idx %arg8[%add3A_46] : memref<49152xi32, #tpu.memory_space<vmem>>[vector<16xi32>], vector<16xi32>,
      %bitcast3A_48 = vector.bitcast %gather3A_47 : vector<16xi32> to vector<32xbf16>
      %unpack3A_49 = tpu.unpack_subelements %bitcast3A_48, 0 {pack_format = #tpu.pack_format<interleaved>} : vector<32xbf16> -> vector<16xf32>
      %unpack3A_50 = tpu.unpack_subelements %bitcast3A_48, 1 {pack_format = #tpu.pack_format<interleaved>} : vector<32xbf16> -> vector<16xf32>
      %mul3A_51 = arith.mulf %unpack3A, %unpack3A_42 : vector<16xf32>
      %add3A_52 = arith.addf %broadcast_in_dim3A_30, %mul3A_51 : vector<16xf32>
      %mul3A_53 = arith.mulf %unpack3A_36, %unpack3A_49 : vector<16xf32>
      %add3A_54 = arith.addf %add3A_52, %mul3A_53 : vector<16xf32>
      %mul3A_55 = arith.mulf %unpack3A, %unpack3A_43 : vector<16xf32>
      %add3A_56 = arith.addf %broadcast_in_dim3A_32, %mul3A_55 : vector<16xf32>
      %mul3A_57 = arith.mulf %unpack3A_36, %unpack3A_50 : vector<16xf32>
      %add3A_58 = arith.addf %add3A_56, %mul3A_57 : vector<16xf32>
      %add3A_59 = arith.constant 2048 : i32
      %add3A_60 = vector.broadcast %add3A_59 : i32 to vector<16xi32>
      %add3A_61 = arith.addi %get3A_27, %add3A_60 : vector<16xi32>
      %gather3A_62 = tpu.vector_load_idx %arg7[%add3A_61] : memref<32768xi32, #tpu.memory_space<vmem>>[vector<16xi32>], vector<16xi32>,
      %bitcast3A_63 = vector.bitcast %gather3A_62 : vector<16xi32> to vector<32xbf16>
      %unpack3A_64 = tpu.unpack_subelements %bitcast3A_63, 0 {pack_format = #tpu.pack_format<interleaved>} : vector<32xbf16> -> vector<16xf32>
      %unpack3A_65 = tpu.unpack_subelements %bitcast3A_63, 1 {pack_format = #tpu.pack_format<interleaved>} : vector<32xbf16> -> vector<16xf32>
      %add3A_66 = arith.constant 3072 : i32
      %add3A_67 = vector.broadcast %add3A_66 : i32 to vector<16xi32>
      %add3A_68 = arith.addi %get3A_29, %add3A_67 : vector<16xi32>
      %gather3A_69 = tpu.vector_load_idx %arg8[%add3A_68] : memref<49152xi32, #tpu.memory_space<vmem>>[vector<16xi32>], vector<16xi32>,
      %bitcast3A_70 = vector.bitcast %gather3A_69 : vector<16xi32> to vector<32xbf16>
      %unpack3A_71 = tpu.unpack_subelements %bitcast3A_70, 0 {pack_format = #tpu.pack_format<interleaved>} : vector<32xbf16> -> vector<16xf32>
      %unpack3A_72 = tpu.unpack_subelements %bitcast3A_70, 1 {pack_format = #tpu.pack_format<interleaved>} : vector<32xbf16> -> vector<16xf32>
      %add3A_73 = arith.constant 4608 : i32
      %add3A_74 = vector.broadcast %add3A_73 : i32 to vector<16xi32>
      %add3A_75 = arith.addi %get3A_29, %add3A_74 : vector<16xi32>
      %gather3A_76 = tpu.vector_load_idx %arg8[%add3A_75] : memref<49152xi32, #tpu.memory_space<vmem>>[vector<16xi32>], vector<16xi32>,
      %bitcast3A_77 = vector.bitcast %gather3A_76 : vector<16xi32> to vector<32xbf16>
      %unpack3A_78 = tpu.unpack_subelements %bitcast3A_77, 0 {pack_format = #tpu.pack_format<interleaved>} : vector<32xbf16> -> vector<16xf32>
      %unpack3A_79 = tpu.unpack_subelements %bitcast3A_77, 1 {pack_format = #tpu.pack_format<interleaved>} : vector<32xbf16> -> vector<16xf32>
      %mul3A_80 = arith.mulf %unpack3A_64, %unpack3A_71 : vector<16xf32>
      %add3A_81 = arith.addf %add3A_54, %mul3A_80 : vector<16xf32>
      %mul3A_82 = arith.mulf %unpack3A_65, %unpack3A_78 : vector<16xf32>
      %add3A_83 = arith.addf %add3A_81, %mul3A_82 : vector<16xf32>
      %mul3A_84 = arith.mulf %unpack3A_64, %unpack3A_72 : vector<16xf32>
      %add3A_85 = arith.addf %add3A_58, %mul3A_84 : vector<16xf32>
      %mul3A_86 = arith.mulf %unpack3A_65, %unpack3A_79 : vector<16xf32>
      %add3A_87 = arith.addf %add3A_85, %mul3A_86 : vector<16xf32>
      %add3A_88 = arith.constant 4096 : i32
      %add3A_89 = vector.broadcast %add3A_88 : i32 to vector<16xi32>
      %add3A_90 = arith.addi %get3A_27, %add3A_89 : vector<16xi32>
      %gather3A_91 = tpu.vector_load_idx %arg7[%add3A_90] : memref<32768xi32, #tpu.memory_space<vmem>>[vector<16xi32>], vector<16xi32>,
      %bitcast3A_92 = vector.bitcast %gather3A_91 : vector<16xi32> to vector<32xbf16>
      %unpack3A_93 = tpu.unpack_subelements %bitcast3A_92, 0 {pack_format = #tpu.pack_format<interleaved>} : vector<32xbf16> -> vector<16xf32>
      %unpack3A_94 = tpu.unpack_subelements %bitcast3A_92, 1 {pack_format = #tpu.pack_format<interleaved>} : vector<32xbf16> -> vector<16xf32>
      %add3A_95 = arith.constant 6144 : i32
      %add3A_96 = vector.broadcast %add3A_95 : i32 to vector<16xi32>
      %add3A_97 = arith.addi %get3A_29, %add3A_96 : vector<16xi32>
      %gather3A_98 = tpu.vector_load_idx %arg8[%add3A_97] : memref<49152xi32, #tpu.memory_space<vmem>>[vector<16xi32>], vector<16xi32>,
      %bitcast3A_99 = vector.bitcast %gather3A_98 : vector<16xi32> to vector<32xbf16>
      %unpack3A_100 = tpu.unpack_subelements %bitcast3A_99, 0 {pack_format = #tpu.pack_format<interleaved>} : vector<32xbf16> -> vector<16xf32>
      %unpack3A_101 = tpu.unpack_subelements %bitcast3A_99, 1 {pack_format = #tpu.pack_format<interleaved>} : vector<32xbf16> -> vector<16xf32>
      %add3A_102 = arith.constant 7680 : i32
      %add3A_103 = vector.broadcast %add3A_102 : i32 to vector<16xi32>
      %add3A_104 = arith.addi %get3A_29, %add3A_103 : vector<16xi32>
      %gather3A_105 = tpu.vector_load_idx %arg8[%add3A_104] : memref<49152xi32, #tpu.memory_space<vmem>>[vector<16xi32>], vector<16xi32>,
      %bitcast3A_106 = vector.bitcast %gather3A_105 : vector<16xi32> to vector<32xbf16>
      %unpack3A_107 = tpu.unpack_subelements %bitcast3A_106, 0 {pack_format = #tpu.pack_format<interleaved>} : vector<32xbf16> -> vector<16xf32>
      %unpack3A_108 = tpu.unpack_subelements %bitcast3A_106, 1 {pack_format = #tpu.pack_format<interleaved>} : vector<32xbf16> -> vector<16xf32>
      %mul3A_109 = arith.mulf %unpack3A_93, %unpack3A_100 : vector<16xf32>
      %add3A_110 = arith.addf %add3A_83, %mul3A_109 : vector<16xf32>
      %mul3A_111 = arith.mulf %unpack3A_94, %unpack3A_107 : vector<16xf32>
      %add3A_112 = arith.addf %add3A_110, %mul3A_111 : vector<16xf32>
      %mul3A_113 = arith.mulf %unpack3A_93, %unpack3A_101 : vector<16xf32>
      %add3A_114 = arith.addf %add3A_87, %mul3A_113 : vector<16xf32>
      %mul3A_115 = arith.mulf %unpack3A_94, %unpack3A_108 : vector<16xf32>
      %add3A_116 = arith.addf %add3A_114, %mul3A_115 : vector<16xf32>
      %add3A_117 = arith.constant 6144 : i32
      %add3A_118 = vector.broadcast %add3A_117 : i32 to vector<16xi32>
      %add3A_119 = arith.addi %get3A_27, %add3A_118 : vector<16xi32>
      %gather3A_120 = tpu.vector_load_idx %arg7[%add3A_119] : memref<32768xi32, #tpu.memory_space<vmem>>[vector<16xi32>], vector<16xi32>,
      %bitcast3A_121 = vector.bitcast %gather3A_120 : vector<16xi32> to vector<32xbf16>
      %unpack3A_122 = tpu.unpack_subelements %bitcast3A_121, 0 {pack_format = #tpu.pack_format<interleaved>} : vector<32xbf16> -> vector<16xf32>
      %unpack3A_123 = tpu.unpack_subelements %bitcast3A_121, 1 {pack_format = #tpu.pack_format<interleaved>} : vector<32xbf16> -> vector<16xf32>
      %add3A_124 = arith.constant 9216 : i32
      %add3A_125 = vector.broadcast %add3A_124 : i32 to vector<16xi32>
      %add3A_126 = arith.addi %get3A_29, %add3A_125 : vector<16xi32>
      %gather3A_127 = tpu.vector_load_idx %arg8[%add3A_126] : memref<49152xi32, #tpu.memory_space<vmem>>[vector<16xi32>], vector<16xi32>,
      %bitcast3A_128 = vector.bitcast %gather3A_127 : vector<16xi32> to vector<32xbf16>
      %unpack3A_129 = tpu.unpack_subelements %bitcast3A_128, 0 {pack_format = #tpu.pack_format<interleaved>} : vector<32xbf16> -> vector<16xf32>
      %unpack3A_130 = tpu.unpack_subelements %bitcast3A_128, 1 {pack_format = #tpu.pack_format<interleaved>} : vector<32xbf16> -> vector<16xf32>
      %add3A_131 = arith.constant 10752 : i32
      %add3A_132 = vector.broadcast %add3A_131 : i32 to vector<16xi32>
      %add3A_133 = arith.addi %get3A_29, %add3A_132 : vector<16xi32>
      %gather3A_134 = tpu.vector_load_idx %arg8[%add3A_133] : memref<49152xi32, #tpu.memory_space<vmem>>[vector<16xi32>], vector<16xi32>,
      %bitcast3A_135 = vector.bitcast %gather3A_134 : vector<16xi32> to vector<32xbf16>
      %unpack3A_136 = tpu.unpack_subelements %bitcast3A_135, 0 {pack_format = #tpu.pack_format<interleaved>} : vector<32xbf16> -> vector<16xf32>
      %unpack3A_137 = tpu.unpack_subelements %bitcast3A_135, 1 {pack_format = #tpu.pack_format<interleaved>} : vector<32xbf16> -> vector<16xf32>
      %mul3A_138 = arith.mulf %unpack3A_122, %unpack3A_129 : vector<16xf32>
      %add3A_139 = arith.addf %add3A_112, %mul3A_138 : vector<16xf32>
      %mul3A_140 = arith.mulf %unpack3A_123, %unpack3A_136 : vector<16xf32>
      %add3A_141 = arith.addf %add3A_139, %mul3A_140 : vector<16xf32>
      %mul3A_142 = arith.mulf %unpack3A_122, %unpack3A_130 : vector<16xf32>
      %add3A_143 = arith.addf %add3A_116, %mul3A_142 : vector<16xf32>
      %mul3A_144 = arith.mulf %unpack3A_123, %unpack3A_137 : vector<16xf32>
      %add3A_145 = arith.addf %add3A_143, %mul3A_144 : vector<16xf32>
      %add3A_146 = arith.constant 8192 : i32
      %add3A_147 = vector.broadcast %add3A_146 : i32 to vector<16xi32>
      %add3A_148 = arith.addi %get3A_27, %add3A_147 : vector<16xi32>
      %gather3A_149 = tpu.vector_load_idx %arg7[%add3A_148] : memref<32768xi32, #tpu.memory_space<vmem>>[vector<16xi32>], vector<16xi32>,
      %bitcast3A_150 = vector.bitcast %gather3A_149 : vector<16xi32> to vector<32xbf16>
      %unpack3A_151 = tpu.unpack_subelements %bitcast3A_150, 0 {pack_format = #tpu.pack_format<interleaved>} : vector<32xbf16> -> vector<16xf32>
      %unpack3A_152 = tpu.unpack_subelements %bitcast3A_150, 1 {pack_format = #tpu.pack_format<interleaved>} : vector<32xbf16> -> vector<16xf32>
      %add3A_153 = arith.constant 12288 : i32
      %add3A_154 = vector.broadcast %add3A_153 : i32 to vector<16xi32>
      %add3A_155 = arith.addi %get3A_29, %add3A_154 : vector<16xi32>
      %gather3A_156 = tpu.vector_load_idx %arg8[%add3A_155] : memref<49152xi32, #tpu.memory_space<vmem>>[vector<16xi32>], vector<16xi32>,
      %bitcast3A_157 = vector.bitcast %gather3A_156 : vector<16xi32> to vector<32xbf16>
      %unpack3A_158 = tpu.unpack_subelements %bitcast3A_157, 0 {pack_format = #tpu.pack_format<interleaved>} : vector<32xbf16> -> vector<16xf32>
      %unpack3A_159 = tpu.unpack_subelements %bitcast3A_157, 1 {pack_format = #tpu.pack_format<interleaved>} : vector<32xbf16> -> vector<16xf32>
      %add3A_160 = arith.constant 13824 : i32
      %add3A_161 = vector.broadcast %add3A_160 : i32 to vector<16xi32>
      %add3A_162 = arith.addi %get3A_29, %add3A_161 : vector<16xi32>
      %gather3A_163 = tpu.vector_load_idx %arg8[%add3A_162] : memref<49152xi32, #tpu.memory_space<vmem>>[vector<16xi32>], vector<16xi32>,
      %bitcast3A_164 = vector.bitcast %gather3A_163 : vector<16xi32> to vector<32xbf16>
      %unpack3A_165 = tpu.unpack_subelements %bitcast3A_164, 0 {pack_format = #tpu.pack_format<interleaved>} : vector<32xbf16> -> vector<16xf32>
      %unpack3A_166 = tpu.unpack_subelements %bitcast3A_164, 1 {pack_format = #tpu.pack_format<interleaved>} : vector<32xbf16> -> vector<16xf32>
      %mul3A_167 = arith.mulf %unpack3A_151, %unpack3A_158 : vector<16xf32>
      %add3A_168 = arith.addf %add3A_141, %mul3A_167 : vector<16xf32>
      %mul3A_169 = arith.mulf %unpack3A_152, %unpack3A_165 : vector<16xf32>
      %add3A_170 = arith.addf %add3A_168, %mul3A_169 : vector<16xf32>
      %mul3A_171 = arith.mulf %unpack3A_151, %unpack3A_159 : vector<16xf32>
      %add3A_172 = arith.addf %add3A_145, %mul3A_171 : vector<16xf32>
      %mul3A_173 = arith.mulf %unpack3A_152, %unpack3A_166 : vector<16xf32>
      %add3A_174 = arith.addf %add3A_172, %mul3A_173 : vector<16xf32>
      %add3A_175 = arith.constant 10240 : i32
      %add3A_176 = vector.broadcast %add3A_175 : i32 to vector<16xi32>
      %add3A_177 = arith.addi %get3A_27, %add3A_176 : vector<16xi32>
      %gather3A_178 = tpu.vector_load_idx %arg7[%add3A_177] : memref<32768xi32, #tpu.memory_space<vmem>>[vector<16xi32>], vector<16xi32>,
      %bitcast3A_179 = vector.bitcast %gather3A_178 : vector<16xi32> to vector<32xbf16>
      %unpack3A_180 = tpu.unpack_subelements %bitcast3A_179, 0 {pack_format = #tpu.pack_format<interleaved>} : vector<32xbf16> -> vector<16xf32>
      %unpack3A_181 = tpu.unpack_subelements %bitcast3A_179, 1 {pack_format = #tpu.pack_format<interleaved>} : vector<32xbf16> -> vector<16xf32>
      %add3A_182 = arith.constant 15360 : i32
      %add3A_183 = vector.broadcast %add3A_182 : i32 to vector<16xi32>
      %add3A_184 = arith.addi %get3A_29, %add3A_183 : vector<16xi32>
      %gather3A_185 = tpu.vector_load_idx %arg8[%add3A_184] : memref<49152xi32, #tpu.memory_space<vmem>>[vector<16xi32>], vector<16xi32>,
      %bitcast3A_186 = vector.bitcast %gather3A_185 : vector<16xi32> to vector<32xbf16>
      %unpack3A_187 = tpu.unpack_subelements %bitcast3A_186, 0 {pack_format = #tpu.pack_format<interleaved>} : vector<32xbf16> -> vector<16xf32>
      %unpack3A_188 = tpu.unpack_subelements %bitcast3A_186, 1 {pack_format = #tpu.pack_format<interleaved>} : vector<32xbf16> -> vector<16xf32>
      %add3A_189 = arith.constant 16896 : i32
      %add3A_190 = vector.broadcast %add3A_189 : i32 to vector<16xi32>
      %add3A_191 = arith.addi %get3A_29, %add3A_190 : vector<16xi32>
      %gather3A_192 = tpu.vector_load_idx %arg8[%add3A_191] : memref<49152xi32, #tpu.memory_space<vmem>>[vector<16xi32>], vector<16xi32>,
      %bitcast3A_193 = vector.bitcast %gather3A_192 : vector<16xi32> to vector<32xbf16>
      %unpack3A_194 = tpu.unpack_subelements %bitcast3A_193, 0 {pack_format = #tpu.pack_format<interleaved>} : vector<32xbf16> -> vector<16xf32>
      %unpack3A_195 = tpu.unpack_subelements %bitcast3A_193, 1 {pack_format = #tpu.pack_format<interleaved>} : vector<32xbf16> -> vector<16xf32>
      %mul3A_196 = arith.mulf %unpack3A_180, %unpack3A_187 : vector<16xf32>
      %add3A_197 = arith.addf %add3A_170, %mul3A_196 : vector<16xf32>
      %mul3A_198 = arith.mulf %unpack3A_181, %unpack3A_194 : vector<16xf32>
      %add3A_199 = arith.addf %add3A_197, %mul3A_198 : vector<16xf32>
      %mul3A_200 = arith.mulf %unpack3A_180, %unpack3A_188 : vector<16xf32>
      %add3A_201 = arith.addf %add3A_174, %mul3A_200 : vector<16xf32>
      %mul3A_202 = arith.mulf %unpack3A_181, %unpack3A_195 : vector<16xf32>
      %add3A_203 = arith.addf %add3A_201, %mul3A_202 : vector<16xf32>
      %add3A_204 = arith.constant 12288 : i32
      %add3A_205 = vector.broadcast %add3A_204 : i32 to vector<16xi32>
      %add3A_206 = arith.addi %get3A_27, %add3A_205 : vector<16xi32>
      %gather3A_207 = tpu.vector_load_idx %arg7[%add3A_206] : memref<32768xi32, #tpu.memory_space<vmem>>[vector<16xi32>], vector<16xi32>,
      %bitcast3A_208 = vector.bitcast %gather3A_207 : vector<16xi32> to vector<32xbf16>
      %unpack3A_209 = tpu.unpack_subelements %bitcast3A_208, 0 {pack_format = #tpu.pack_format<interleaved>} : vector<32xbf16> -> vector<16xf32>
      %unpack3A_210 = tpu.unpack_subelements %bitcast3A_208, 1 {pack_format = #tpu.pack_format<interleaved>} : vector<32xbf16> -> vector<16xf32>
      %add3A_211 = arith.constant 18432 : i32
      %add3A_212 = vector.broadcast %add3A_211 : i32 to vector<16xi32>
      %add3A_213 = arith.addi %get3A_29, %add3A_212 : vector<16xi32>
      %gather3A_214 = tpu.vector_load_idx %arg8[%add3A_213] : memref<49152xi32, #tpu.memory_space<vmem>>[vector<16xi32>], vector<16xi32>,
      %bitcast3A_215 = vector.bitcast %gather3A_214 : vector<16xi32> to vector<32xbf16>
      %unpack3A_216 = tpu.unpack_subelements %bitcast3A_215, 0 {pack_format = #tpu.pack_format<interleaved>} : vector<32xbf16> -> vector<16xf32>
      %unpack3A_217 = tpu.unpack_subelements %bitcast3A_215, 1 {pack_format = #tpu.pack_format<interleaved>} : vector<32xbf16> -> vector<16xf32>
      %add3A_218 = arith.constant 19968 : i32
      %add3A_219 = vector.broadcast %add3A_218 : i32 to vector<16xi32>
      %add3A_220 = arith.addi %get3A_29, %add3A_219 : vector<16xi32>
      %gather3A_221 = tpu.vector_load_idx %arg8[%add3A_220] : memref<49152xi32, #tpu.memory_space<vmem>>[vector<16xi32>], vector<16xi32>,
      %bitcast3A_222 = vector.bitcast %gather3A_221 : vector<16xi32> to vector<32xbf16>
      %unpack3A_223 = tpu.unpack_subelements %bitcast3A_222, 0 {pack_format = #tpu.pack_format<interleaved>} : vector<32xbf16> -> vector<16xf32>
      %unpack3A_224 = tpu.unpack_subelements %bitcast3A_222, 1 {pack_format = #tpu.pack_format<interleaved>} : vector<32xbf16> -> vector<16xf32>
      %mul3A_225 = arith.mulf %unpack3A_209, %unpack3A_216 : vector<16xf32>
      %add3A_226 = arith.addf %add3A_199, %mul3A_225 : vector<16xf32>
      %mul3A_227 = arith.mulf %unpack3A_210, %unpack3A_223 : vector<16xf32>
      %add3A_228 = arith.addf %add3A_226, %mul3A_227 : vector<16xf32>
      %mul3A_229 = arith.mulf %unpack3A_209, %unpack3A_217 : vector<16xf32>
      %add3A_230 = arith.addf %add3A_203, %mul3A_229 : vector<16xf32>
      %mul3A_231 = arith.mulf %unpack3A_210, %unpack3A_224 : vector<16xf32>
      %add3A_232 = arith.addf %add3A_230, %mul3A_231 : vector<16xf32>
      %add3A_233 = arith.constant 14336 : i32
      %add3A_234 = vector.broadcast %add3A_233 : i32 to vector<16xi32>
      %add3A_235 = arith.addi %get3A_27, %add3A_234 : vector<16xi32>
      %gather3A_236 = tpu.vector_load_idx %arg7[%add3A_235] : memref<32768xi32, #tpu.memory_space<vmem>>[vector<16xi32>], vector<16xi32>,
      %bitcast3A_237 = vector.bitcast %gather3A_236 : vector<16xi32> to vector<32xbf16>
      %unpack3A_238 = tpu.unpack_subelements %bitcast3A_237, 0 {pack_format = #tpu.pack_format<interleaved>} : vector<32xbf16> -> vector<16xf32>
      %unpack3A_239 = tpu.unpack_subelements %bitcast3A_237, 1 {pack_format = #tpu.pack_format<interleaved>} : vector<32xbf16> -> vector<16xf32>
      %add3A_240 = arith.constant 21504 : i32
      %add3A_241 = vector.broadcast %add3A_240 : i32 to vector<16xi32>
      %add3A_242 = arith.addi %get3A_29, %add3A_241 : vector<16xi32>
      %gather3A_243 = tpu.vector_load_idx %arg8[%add3A_242] : memref<49152xi32, #tpu.memory_space<vmem>>[vector<16xi32>], vector<16xi32>,
      %bitcast3A_244 = vector.bitcast %gather3A_243 : vector<16xi32> to vector<32xbf16>
      %unpack3A_245 = tpu.unpack_subelements %bitcast3A_244, 0 {pack_format = #tpu.pack_format<interleaved>} : vector<32xbf16> -> vector<16xf32>
      %unpack3A_246 = tpu.unpack_subelements %bitcast3A_244, 1 {pack_format = #tpu.pack_format<interleaved>} : vector<32xbf16> -> vector<16xf32>
      %add3A_247 = arith.constant 23040 : i32
      %add3A_248 = vector.broadcast %add3A_247 : i32 to vector<16xi32>
      %add3A_249 = arith.addi %get3A_29, %add3A_248 : vector<16xi32>
      %gather3A_250 = tpu.vector_load_idx %arg8[%add3A_249] : memref<49152xi32, #tpu.memory_space<vmem>>[vector<16xi32>], vector<16xi32>,
      %bitcast3A_251 = vector.bitcast %gather3A_250 : vector<16xi32> to vector<32xbf16>
      %unpack3A_252 = tpu.unpack_subelements %bitcast3A_251, 0 {pack_format = #tpu.pack_format<interleaved>} : vector<32xbf16> -> vector<16xf32>
      %unpack3A_253 = tpu.unpack_subelements %bitcast3A_251, 1 {pack_format = #tpu.pack_format<interleaved>} : vector<32xbf16> -> vector<16xf32>
      %mul3A_254 = arith.mulf %unpack3A_238, %unpack3A_245 : vector<16xf32>
      %add3A_255 = arith.addf %add3A_228, %mul3A_254 : vector<16xf32>
      %mul3A_256 = arith.mulf %unpack3A_239, %unpack3A_252 : vector<16xf32>
      %add3A_257 = arith.addf %add3A_255, %mul3A_256 : vector<16xf32>
      %mul3A_258 = arith.mulf %unpack3A_238, %unpack3A_246 : vector<16xf32>
      %add3A_259 = arith.addf %add3A_232, %mul3A_258 : vector<16xf32>
      %mul3A_260 = arith.mulf %unpack3A_239, %unpack3A_253 : vector<16xf32>
      %add3A_261 = arith.addf %add3A_259, %mul3A_260 : vector<16xf32>
      %add3A_262 = arith.constant 16384 : i32
      %add3A_263 = vector.broadcast %add3A_262 : i32 to vector<16xi32>
      %add3A_264 = arith.addi %get3A_27, %add3A_263 : vector<16xi32>
      %gather3A_265 = tpu.vector_load_idx %arg7[%add3A_264] : memref<32768xi32, #tpu.memory_space<vmem>>[vector<16xi32>], vector<16xi32>,
      %bitcast3A_266 = vector.bitcast %gather3A_265 : vector<16xi32> to vector<32xbf16>
      %unpack3A_267 = tpu.unpack_subelements %bitcast3A_266, 0 {pack_format = #tpu.pack_format<interleaved>} : vector<32xbf16> -> vector<16xf32>
      %unpack3A_268 = tpu.unpack_subelements %bitcast3A_266, 1 {pack_format = #tpu.pack_format<interleaved>} : vector<32xbf16> -> vector<16xf32>
      %add3A_269 = arith.constant 24576 : i32
      %add3A_270 = vector.broadcast %add3A_269 : i32 to vector<16xi32>
      %add3A_271 = arith.addi %get3A_29, %add3A_270 : vector<16xi32>
      %gather3A_272 = tpu.vector_load_idx %arg8[%add3A_271] : memref<49152xi32, #tpu.memory_space<vmem>>[vector<16xi32>], vector<16xi32>,
      %bitcast3A_273 = vector.bitcast %gather3A_272 : vector<16xi32> to vector<32xbf16>
      %unpack3A_274 = tpu.unpack_subelements %bitcast3A_273, 0 {pack_format = #tpu.pack_format<interleaved>} : vector<32xbf16> -> vector<16xf32>
      %unpack3A_275 = tpu.unpack_subelements %bitcast3A_273, 1 {pack_format = #tpu.pack_format<interleaved>} : vector<32xbf16> -> vector<16xf32>
      %add3A_276 = arith.constant 26112 : i32
      %add3A_277 = vector.broadcast %add3A_276 : i32 to vector<16xi32>
      %add3A_278 = arith.addi %get3A_29, %add3A_277 : vector<16xi32>
      %gather3A_279 = tpu.vector_load_idx %arg8[%add3A_278] : memref<49152xi32, #tpu.memory_space<vmem>>[vector<16xi32>], vector<16xi32>,
      %bitcast3A_280 = vector.bitcast %gather3A_279 : vector<16xi32> to vector<32xbf16>
      %unpack3A_281 = tpu.unpack_subelements %bitcast3A_280, 0 {pack_format = #tpu.pack_format<interleaved>} : vector<32xbf16> -> vector<16xf32>
      %unpack3A_282 = tpu.unpack_subelements %bitcast3A_280, 1 {pack_format = #tpu.pack_format<interleaved>} : vector<32xbf16> -> vector<16xf32>
      %mul3A_283 = arith.mulf %unpack3A_267, %unpack3A_274 : vector<16xf32>
      %add3A_284 = arith.addf %add3A_257, %mul3A_283 : vector<16xf32>
      %mul3A_285 = arith.mulf %unpack3A_268, %unpack3A_281 : vector<16xf32>
      %add3A_286 = arith.addf %add3A_284, %mul3A_285 : vector<16xf32>
      %mul3A_287 = arith.mulf %unpack3A_267, %unpack3A_275 : vector<16xf32>
      %add3A_288 = arith.addf %add3A_261, %mul3A_287 : vector<16xf32>
      %mul3A_289 = arith.mulf %unpack3A_268, %unpack3A_282 : vector<16xf32>
      %add3A_290 = arith.addf %add3A_288, %mul3A_289 : vector<16xf32>
      %add3A_291 = arith.constant 18432 : i32
      %add3A_292 = vector.broadcast %add3A_291 : i32 to vector<16xi32>
      %add3A_293 = arith.addi %get3A_27, %add3A_292 : vector<16xi32>
      %gather3A_294 = tpu.vector_load_idx %arg7[%add3A_293] : memref<32768xi32, #tpu.memory_space<vmem>>[vector<16xi32>], vector<16xi32>,
      %bitcast3A_295 = vector.bitcast %gather3A_294 : vector<16xi32> to vector<32xbf16>
      %unpack3A_296 = tpu.unpack_subelements %bitcast3A_295, 0 {pack_format = #tpu.pack_format<interleaved>} : vector<32xbf16> -> vector<16xf32>
      %unpack3A_297 = tpu.unpack_subelements %bitcast3A_295, 1 {pack_format = #tpu.pack_format<interleaved>} : vector<32xbf16> -> vector<16xf32>
      %add3A_298 = arith.constant 27648 : i32
      %add3A_299 = vector.broadcast %add3A_298 : i32 to vector<16xi32>
      %add3A_300 = arith.addi %get3A_29, %add3A_299 : vector<16xi32>
      %gather3A_301 = tpu.vector_load_idx %arg8[%add3A_300] : memref<49152xi32, #tpu.memory_space<vmem>>[vector<16xi32>], vector<16xi32>,
      %bitcast3A_302 = vector.bitcast %gather3A_301 : vector<16xi32> to vector<32xbf16>
      %unpack3A_303 = tpu.unpack_subelements %bitcast3A_302, 0 {pack_format = #tpu.pack_format<interleaved>} : vector<32xbf16> -> vector<16xf32>
      %unpack3A_304 = tpu.unpack_subelements %bitcast3A_302, 1 {pack_format = #tpu.pack_format<interleaved>} : vector<32xbf16> -> vector<16xf32>
      %add3A_305 = arith.constant 29184 : i32
      %add3A_306 = vector.broadcast %add3A_305 : i32 to vector<16xi32>
      %add3A_307 = arith.addi %get3A_29, %add3A_306 : vector<16xi32>
      %gather3A_308 = tpu.vector_load_idx %arg8[%add3A_307] : memref<49152xi32, #tpu.memory_space<vmem>>[vector<16xi32>], vector<16xi32>,
      %bitcast3A_309 = vector.bitcast %gather3A_308 : vector<16xi32> to vector<32xbf16>
      %unpack3A_310 = tpu.unpack_subelements %bitcast3A_309, 0 {pack_format = #tpu.pack_format<interleaved>} : vector<32xbf16> -> vector<16xf32>
      %unpack3A_311 = tpu.unpack_subelements %bitcast3A_309, 1 {pack_format = #tpu.pack_format<interleaved>} : vector<32xbf16> -> vector<16xf32>
      %mul3A_312 = arith.mulf %unpack3A_296, %unpack3A_303 : vector<16xf32>
      %add3A_313 = arith.addf %add3A_286, %mul3A_312 : vector<16xf32>
      %mul3A_314 = arith.mulf %unpack3A_297, %unpack3A_310 : vector<16xf32>
      %add3A_315 = arith.addf %add3A_313, %mul3A_314 : vector<16xf32>
      %mul3A_316 = arith.mulf %unpack3A_296, %unpack3A_304 : vector<16xf32>
      %add3A_317 = arith.addf %add3A_290, %mul3A_316 : vector<16xf32>
      %mul3A_318 = arith.mulf %unpack3A_297, %unpack3A_311 : vector<16xf32>
      %add3A_319 = arith.addf %add3A_317, %mul3A_318 : vector<16xf32>
      %add3A_320 = arith.constant 20480 : i32
      %add3A_321 = vector.broadcast %add3A_320 : i32 to vector<16xi32>
      %add3A_322 = arith.addi %get3A_27, %add3A_321 : vector<16xi32>
      %gather3A_323 = tpu.vector_load_idx %arg7[%add3A_322] : memref<32768xi32, #tpu.memory_space<vmem>>[vector<16xi32>], vector<16xi32>,
      %bitcast3A_324 = vector.bitcast %gather3A_323 : vector<16xi32> to vector<32xbf16>
      %unpack3A_325 = tpu.unpack_subelements %bitcast3A_324, 0 {pack_format = #tpu.pack_format<interleaved>} : vector<32xbf16> -> vector<16xf32>
      %unpack3A_326 = tpu.unpack_subelements %bitcast3A_324, 1 {pack_format = #tpu.pack_format<interleaved>} : vector<32xbf16> -> vector<16xf32>
      %add3A_327 = arith.constant 30720 : i32
      %add3A_328 = vector.broadcast %add3A_327 : i32 to vector<16xi32>
      %add3A_329 = arith.addi %get3A_29, %add3A_328 : vector<16xi32>
      %gather3A_330 = tpu.vector_load_idx %arg8[%add3A_329] : memref<49152xi32, #tpu.memory_space<vmem>>[vector<16xi32>], vector<16xi32>,
      %bitcast3A_331 = vector.bitcast %gather3A_330 : vector<16xi32> to vector<32xbf16>
      %unpack3A_332 = tpu.unpack_subelements %bitcast3A_331, 0 {pack_format = #tpu.pack_format<interleaved>} : vector<32xbf16> -> vector<16xf32>
      %unpack3A_333 = tpu.unpack_subelements %bitcast3A_331, 1 {pack_format = #tpu.pack_format<interleaved>} : vector<32xbf16> -> vector<16xf32>
      %add3A_334 = arith.constant 32256 : i32
      %add3A_335 = vector.broadcast %add3A_334 : i32 to vector<16xi32>
      %add3A_336 = arith.addi %get3A_29, %add3A_335 : vector<16xi32>
      %gather3A_337 = tpu.vector_load_idx %arg8[%add3A_336] : memref<49152xi32, #tpu.memory_space<vmem>>[vector<16xi32>], vector<16xi32>,
      %bitcast3A_338 = vector.bitcast %gather3A_337 : vector<16xi32> to vector<32xbf16>
      %unpack3A_339 = tpu.unpack_subelements %bitcast3A_338, 0 {pack_format = #tpu.pack_format<interleaved>} : vector<32xbf16> -> vector<16xf32>
      %unpack3A_340 = tpu.unpack_subelements %bitcast3A_338, 1 {pack_format = #tpu.pack_format<interleaved>} : vector<32xbf16> -> vector<16xf32>
      %mul3A_341 = arith.mulf %unpack3A_325, %unpack3A_332 : vector<16xf32>
      %add3A_342 = arith.addf %add3A_315, %mul3A_341 : vector<16xf32>
      %mul3A_343 = arith.mulf %unpack3A_326, %unpack3A_339 : vector<16xf32>
      %add3A_344 = arith.addf %add3A_342, %mul3A_343 : vector<16xf32>
      %mul3A_345 = arith.mulf %unpack3A_325, %unpack3A_333 : vector<16xf32>
      %add3A_346 = arith.addf %add3A_319, %mul3A_345 : vector<16xf32>
      %mul3A_347 = arith.mulf %unpack3A_326, %unpack3A_340 : vector<16xf32>
      %add3A_348 = arith.addf %add3A_346, %mul3A_347 : vector<16xf32>
      %add3A_349 = arith.constant 22528 : i32
      %add3A_350 = vector.broadcast %add3A_349 : i32 to vector<16xi32>
      %add3A_351 = arith.addi %get3A_27, %add3A_350 : vector<16xi32>
      %gather3A_352 = tpu.vector_load_idx %arg7[%add3A_351] : memref<32768xi32, #tpu.memory_space<vmem>>[vector<16xi32>], vector<16xi32>,
      %bitcast3A_353 = vector.bitcast %gather3A_352 : vector<16xi32> to vector<32xbf16>
      %unpack3A_354 = tpu.unpack_subelements %bitcast3A_353, 0 {pack_format = #tpu.pack_format<interleaved>} : vector<32xbf16> -> vector<16xf32>
      %unpack3A_355 = tpu.unpack_subelements %bitcast3A_353, 1 {pack_format = #tpu.pack_format<interleaved>} : vector<32xbf16> -> vector<16xf32>
      %add3A_356 = arith.constant 33792 : i32
      %add3A_357 = vector.broadcast %add3A_356 : i32 to vector<16xi32>
      %add3A_358 = arith.addi %get3A_29, %add3A_357 : vector<16xi32>
      %gather3A_359 = tpu.vector_load_idx %arg8[%add3A_358] : memref<49152xi32, #tpu.memory_space<vmem>>[vector<16xi32>], vector<16xi32>,
      %bitcast3A_360 = vector.bitcast %gather3A_359 : vector<16xi32> to vector<32xbf16>
      %unpack3A_361 = tpu.unpack_subelements %bitcast3A_360, 0 {pack_format = #tpu.pack_format<interleaved>} : vector<32xbf16> -> vector<16xf32>
      %unpack3A_362 = tpu.unpack_subelements %bitcast3A_360, 1 {pack_format = #tpu.pack_format<interleaved>} : vector<32xbf16> -> vector<16xf32>
      %add3A_363 = arith.constant 35328 : i32
      %add3A_364 = vector.broadcast %add3A_363 : i32 to vector<16xi32>
      %add3A_365 = arith.addi %get3A_29, %add3A_364 : vector<16xi32>
      %gather3A_366 = tpu.vector_load_idx %arg8[%add3A_365] : memref<49152xi32, #tpu.memory_space<vmem>>[vector<16xi32>], vector<16xi32>,
      %bitcast3A_367 = vector.bitcast %gather3A_366 : vector<16xi32> to vector<32xbf16>
      %unpack3A_368 = tpu.unpack_subelements %bitcast3A_367, 0 {pack_format = #tpu.pack_format<interleaved>} : vector<32xbf16> -> vector<16xf32>
      %unpack3A_369 = tpu.unpack_subelements %bitcast3A_367, 1 {pack_format = #tpu.pack_format<interleaved>} : vector<32xbf16> -> vector<16xf32>
      %mul3A_370 = arith.mulf %unpack3A_354, %unpack3A_361 : vector<16xf32>
      %add3A_371 = arith.addf %add3A_344, %mul3A_370 : vector<16xf32>
      %mul3A_372 = arith.mulf %unpack3A_355, %unpack3A_368 : vector<16xf32>
      %add3A_373 = arith.addf %add3A_371, %mul3A_372 : vector<16xf32>
      %mul3A_374 = arith.mulf %unpack3A_354, %unpack3A_362 : vector<16xf32>
      %add3A_375 = arith.addf %add3A_348, %mul3A_374 : vector<16xf32>
      %mul3A_376 = arith.mulf %unpack3A_355, %unpack3A_369 : vector<16xf32>
      %add3A_377 = arith.addf %add3A_375, %mul3A_376 : vector<16xf32>
      %add3A_378 = arith.constant 24576 : i32
      %add3A_379 = vector.broadcast %add3A_378 : i32 to vector<16xi32>
      %add3A_380 = arith.addi %get3A_27, %add3A_379 : vector<16xi32>
      %gather3A_381 = tpu.vector_load_idx %arg7[%add3A_380] : memref<32768xi32, #tpu.memory_space<vmem>>[vector<16xi32>], vector<16xi32>,
      %bitcast3A_382 = vector.bitcast %gather3A_381 : vector<16xi32> to vector<32xbf16>
      %unpack3A_383 = tpu.unpack_subelements %bitcast3A_382, 0 {pack_format = #tpu.pack_format<interleaved>} : vector<32xbf16> -> vector<16xf32>
      %unpack3A_384 = tpu.unpack_subelements %bitcast3A_382, 1 {pack_format = #tpu.pack_format<interleaved>} : vector<32xbf16> -> vector<16xf32>
      %add3A_385 = arith.constant 36864 : i32
      %add3A_386 = vector.broadcast %add3A_385 : i32 to vector<16xi32>
      %add3A_387 = arith.addi %get3A_29, %add3A_386 : vector<16xi32>
      %gather3A_388 = tpu.vector_load_idx %arg8[%add3A_387] : memref<49152xi32, #tpu.memory_space<vmem>>[vector<16xi32>], vector<16xi32>,
      %bitcast3A_389 = vector.bitcast %gather3A_388 : vector<16xi32> to vector<32xbf16>
      %unpack3A_390 = tpu.unpack_subelements %bitcast3A_389, 0 {pack_format = #tpu.pack_format<interleaved>} : vector<32xbf16> -> vector<16xf32>
      %unpack3A_391 = tpu.unpack_subelements %bitcast3A_389, 1 {pack_format = #tpu.pack_format<interleaved>} : vector<32xbf16> -> vector<16xf32>
      %add3A_392 = arith.constant 38400 : i32
      %add3A_393 = vector.broadcast %add3A_392 : i32 to vector<16xi32>
      %add3A_394 = arith.addi %get3A_29, %add3A_393 : vector<16xi32>
      %gather3A_395 = tpu.vector_load_idx %arg8[%add3A_394] : memref<49152xi32, #tpu.memory_space<vmem>>[vector<16xi32>], vector<16xi32>,
      %bitcast3A_396 = vector.bitcast %gather3A_395 : vector<16xi32> to vector<32xbf16>
      %unpack3A_397 = tpu.unpack_subelements %bitcast3A_396, 0 {pack_format = #tpu.pack_format<interleaved>} : vector<32xbf16> -> vector<16xf32>
      %unpack3A_398 = tpu.unpack_subelements %bitcast3A_396, 1 {pack_format = #tpu.pack_format<interleaved>} : vector<32xbf16> -> vector<16xf32>
      %mul3A_399 = arith.mulf %unpack3A_383, %unpack3A_390 : vector<16xf32>
      %add3A_400 = arith.addf %add3A_373, %mul3A_399 : vector<16xf32>
      %mul3A_401 = arith.mulf %unpack3A_384, %unpack3A_397 : vector<16xf32>
      %add3A_402 = arith.addf %add3A_400, %mul3A_401 : vector<16xf32>
      %mul3A_403 = arith.mulf %unpack3A_383, %unpack3A_391 : vector<16xf32>
      %add3A_404 = arith.addf %add3A_377, %mul3A_403 : vector<16xf32>
      %mul3A_405 = arith.mulf %unpack3A_384, %unpack3A_398 : vector<16xf32>
      %add3A_406 = arith.addf %add3A_404, %mul3A_405 : vector<16xf32>
      %add3A_407 = arith.constant 26624 : i32
      %add3A_408 = vector.broadcast %add3A_407 : i32 to vector<16xi32>
      %add3A_409 = arith.addi %get3A_27, %add3A_408 : vector<16xi32>
      %gather3A_410 = tpu.vector_load_idx %arg7[%add3A_409] : memref<32768xi32, #tpu.memory_space<vmem>>[vector<16xi32>], vector<16xi32>,
      %bitcast3A_411 = vector.bitcast %gather3A_410 : vector<16xi32> to vector<32xbf16>
      %unpack3A_412 = tpu.unpack_subelements %bitcast3A_411, 0 {pack_format = #tpu.pack_format<interleaved>} : vector<32xbf16> -> vector<16xf32>
      %unpack3A_413 = tpu.unpack_subelements %bitcast3A_411, 1 {pack_format = #tpu.pack_format<interleaved>} : vector<32xbf16> -> vector<16xf32>
      %add3A_414 = arith.constant 39936 : i32
      %add3A_415 = vector.broadcast %add3A_414 : i32 to vector<16xi32>
      %add3A_416 = arith.addi %get3A_29, %add3A_415 : vector<16xi32>
      %gather3A_417 = tpu.vector_load_idx %arg8[%add3A_416] : memref<49152xi32, #tpu.memory_space<vmem>>[vector<16xi32>], vector<16xi32>,
      %bitcast3A_418 = vector.bitcast %gather3A_417 : vector<16xi32> to vector<32xbf16>
      %unpack3A_419 = tpu.unpack_subelements %bitcast3A_418, 0 {pack_format = #tpu.pack_format<interleaved>} : vector<32xbf16> -> vector<16xf32>
      %unpack3A_420 = tpu.unpack_subelements %bitcast3A_418, 1 {pack_format = #tpu.pack_format<interleaved>} : vector<32xbf16> -> vector<16xf32>
      %add3A_421 = arith.constant 41472 : i32
      %add3A_422 = vector.broadcast %add3A_421 : i32 to vector<16xi32>
      %add3A_423 = arith.addi %get3A_29, %add3A_422 : vector<16xi32>
      %gather3A_424 = tpu.vector_load_idx %arg8[%add3A_423] : memref<49152xi32, #tpu.memory_space<vmem>>[vector<16xi32>], vector<16xi32>,
      %bitcast3A_425 = vector.bitcast %gather3A_424 : vector<16xi32> to vector<32xbf16>
      %unpack3A_426 = tpu.unpack_subelements %bitcast3A_425, 0 {pack_format = #tpu.pack_format<interleaved>} : vector<32xbf16> -> vector<16xf32>
      %unpack3A_427 = tpu.unpack_subelements %bitcast3A_425, 1 {pack_format = #tpu.pack_format<interleaved>} : vector<32xbf16> -> vector<16xf32>
      %mul3A_428 = arith.mulf %unpack3A_412, %unpack3A_419 : vector<16xf32>
      %add3A_429 = arith.addf %add3A_402, %mul3A_428 : vector<16xf32>
      %mul3A_430 = arith.mulf %unpack3A_413, %unpack3A_426 : vector<16xf32>
      %add3A_431 = arith.addf %add3A_429, %mul3A_430 : vector<16xf32>
      %mul3A_432 = arith.mulf %unpack3A_412, %unpack3A_420 : vector<16xf32>
      %add3A_433 = arith.addf %add3A_406, %mul3A_432 : vector<16xf32>
      %mul3A_434 = arith.mulf %unpack3A_413, %unpack3A_427 : vector<16xf32>
      %add3A_435 = arith.addf %add3A_433, %mul3A_434 : vector<16xf32>
      %add3A_436 = arith.constant 28672 : i32
      %add3A_437 = vector.broadcast %add3A_436 : i32 to vector<16xi32>
      %add3A_438 = arith.addi %get3A_27, %add3A_437 : vector<16xi32>
      %gather3A_439 = tpu.vector_load_idx %arg7[%add3A_438] : memref<32768xi32, #tpu.memory_space<vmem>>[vector<16xi32>], vector<16xi32>,
      %bitcast3A_440 = vector.bitcast %gather3A_439 : vector<16xi32> to vector<32xbf16>
      %unpack3A_441 = tpu.unpack_subelements %bitcast3A_440, 0 {pack_format = #tpu.pack_format<interleaved>} : vector<32xbf16> -> vector<16xf32>
      %unpack3A_442 = tpu.unpack_subelements %bitcast3A_440, 1 {pack_format = #tpu.pack_format<interleaved>} : vector<32xbf16> -> vector<16xf32>
      %add3A_443 = arith.constant 43008 : i32
      %add3A_444 = vector.broadcast %add3A_443 : i32 to vector<16xi32>
      %add3A_445 = arith.addi %get3A_29, %add3A_444 : vector<16xi32>
      %gather3A_446 = tpu.vector_load_idx %arg8[%add3A_445] : memref<49152xi32, #tpu.memory_space<vmem>>[vector<16xi32>], vector<16xi32>,
      %bitcast3A_447 = vector.bitcast %gather3A_446 : vector<16xi32> to vector<32xbf16>
      %unpack3A_448 = tpu.unpack_subelements %bitcast3A_447, 0 {pack_format = #tpu.pack_format<interleaved>} : vector<32xbf16> -> vector<16xf32>
      %unpack3A_449 = tpu.unpack_subelements %bitcast3A_447, 1 {pack_format = #tpu.pack_format<interleaved>} : vector<32xbf16> -> vector<16xf32>
      %add3A_450 = arith.constant 44544 : i32
      %add3A_451 = vector.broadcast %add3A_450 : i32 to vector<16xi32>
      %add3A_452 = arith.addi %get3A_29, %add3A_451 : vector<16xi32>
      %gather3A_453 = tpu.vector_load_idx %arg8[%add3A_452] : memref<49152xi32, #tpu.memory_space<vmem>>[vector<16xi32>], vector<16xi32>,
      %bitcast3A_454 = vector.bitcast %gather3A_453 : vector<16xi32> to vector<32xbf16>
      %unpack3A_455 = tpu.unpack_subelements %bitcast3A_454, 0 {pack_format = #tpu.pack_format<interleaved>} : vector<32xbf16> -> vector<16xf32>
      %unpack3A_456 = tpu.unpack_subelements %bitcast3A_454, 1 {pack_format = #tpu.pack_format<interleaved>} : vector<32xbf16> -> vector<16xf32>
      %mul3A_457 = arith.mulf %unpack3A_441, %unpack3A_448 : vector<16xf32>
      %add3A_458 = arith.addf %add3A_431, %mul3A_457 : vector<16xf32>
      %mul3A_459 = arith.mulf %unpack3A_442, %unpack3A_455 : vector<16xf32>
      %add3A_460 = arith.addf %add3A_458, %mul3A_459 : vector<16xf32>
      %mul3A_461 = arith.mulf %unpack3A_441, %unpack3A_449 : vector<16xf32>
      %add3A_462 = arith.addf %add3A_435, %mul3A_461 : vector<16xf32>
      %mul3A_463 = arith.mulf %unpack3A_442, %unpack3A_456 : vector<16xf32>
      %add3A_464 = arith.addf %add3A_462, %mul3A_463 : vector<16xf32>
      %add3A_465 = arith.constant 30720 : i32
      %add3A_466 = vector.broadcast %add3A_465 : i32 to vector<16xi32>
      %add3A_467 = arith.addi %get3A_27, %add3A_466 : vector<16xi32>
      %gather3A_468 = tpu.vector_load_idx %arg7[%add3A_467] : memref<32768xi32, #tpu.memory_space<vmem>>[vector<16xi32>], vector<16xi32>,
      %bitcast3A_469 = vector.bitcast %gather3A_468 : vector<16xi32> to vector<32xbf16>
      %unpack3A_470 = tpu.unpack_subelements %bitcast3A_469, 0 {pack_format = #tpu.pack_format<interleaved>} : vector<32xbf16> -> vector<16xf32>
      %unpack3A_471 = tpu.unpack_subelements %bitcast3A_469, 1 {pack_format = #tpu.pack_format<interleaved>} : vector<32xbf16> -> vector<16xf32>
      %add3A_472 = arith.constant 46080 : i32
      %add3A_473 = vector.broadcast %add3A_472 : i32 to vector<16xi32>
      %add3A_474 = arith.addi %get3A_29, %add3A_473 : vector<16xi32>
      %gather3A_475 = tpu.vector_load_idx %arg8[%add3A_474] : memref<49152xi32, #tpu.memory_space<vmem>>[vector<16xi32>], vector<16xi32>,
      %bitcast3A_476 = vector.bitcast %gather3A_475 : vector<16xi32> to vector<32xbf16>
      %unpack3A_477 = tpu.unpack_subelements %bitcast3A_476, 0 {pack_format = #tpu.pack_format<interleaved>} : vector<32xbf16> -> vector<16xf32>
      %unpack3A_478 = tpu.unpack_subelements %bitcast3A_476, 1 {pack_format = #tpu.pack_format<interleaved>} : vector<32xbf16> -> vector<16xf32>
      %add3A_479 = arith.constant 47616 : i32
      %add3A_480 = vector.broadcast %add3A_479 : i32 to vector<16xi32>
      %add3A_481 = arith.addi %get3A_29, %add3A_480 : vector<16xi32>
      %gather3A_482 = tpu.vector_load_idx %arg8[%add3A_481] : memref<49152xi32, #tpu.memory_space<vmem>>[vector<16xi32>], vector<16xi32>,
      %bitcast3A_483 = vector.bitcast %gather3A_482 : vector<16xi32> to vector<32xbf16>
      %unpack3A_484 = tpu.unpack_subelements %bitcast3A_483, 0 {pack_format = #tpu.pack_format<interleaved>} : vector<32xbf16> -> vector<16xf32>
      %unpack3A_485 = tpu.unpack_subelements %bitcast3A_483, 1 {pack_format = #tpu.pack_format<interleaved>} : vector<32xbf16> -> vector<16xf32>
      %mul3A_486 = arith.mulf %unpack3A_470, %unpack3A_477 : vector<16xf32>
      %add3A_487 = arith.addf %add3A_460, %mul3A_486 : vector<16xf32>
      %mul3A_488 = arith.mulf %unpack3A_471, %unpack3A_484 : vector<16xf32>
      %add3A_489 = arith.addf %add3A_487, %mul3A_488 : vector<16xf32>
      %mul3A_490 = arith.mulf %unpack3A_470, %unpack3A_478 : vector<16xf32>
      %add3A_491 = arith.addf %add3A_464, %mul3A_490 : vector<16xf32>
      %mul3A_492 = arith.mulf %unpack3A_471, %unpack3A_485 : vector<16xf32>
      %add3A_493 = arith.addf %add3A_491, %mul3A_492 : vector<16xf32>
      %swap3A = arith.index_cast %mul3A_26 : i32 to index
      %swap3A_494 = tpu.vector_load %arg11[%swap3A] {strides = array<i32>} : memref<1568xf32, #tpu.memory_space<vmem>>, vector<16xf32>,
      tpu.vector_store %arg11[%swap3A], %add3A_489 {strides = array<i32>} : memref<1568xf32, #tpu.memory_space<vmem>>, vector<16xf32>,
      %swap3A_495 = arith.index_cast %mul3A_26 : i32 to index
      %swap3A_496 = tpu.vector_load %arg12[%swap3A_495] {strides = array<i32>} : memref<1568xf32, #tpu.memory_space<vmem>>, vector<16xf32>,
      tpu.vector_store %arg12[%swap3A_495], %add3A_493 {strides = array<i32>} : memref<1568xf32, #tpu.memory_space<vmem>>, vector<16xf32>,
    }
    %scan3A_9 = arith.constant 98 : i32
    "tpu.region"() ({
      %run_scoped3A = tpu.sem_alloc : memref<!tpu.dma_semaphore, #tpu.memory_space<semaphore_mem>>
      %dma_start3A = tpu.memref_slice %arg6[%add3A_4] : memref<200704xf32, #tpu.memory_space<hbm>> -> memref<1568xf32, #tpu.memory_space<hbm>>
      %dma_start3A_24 = tpu.memref_slice %arg6[%add3A_4] : memref<200704xf32, #tpu.memory_space<hbm>> -> memref<1568xf32, #tpu.memory_space<hbm>>
      tpu.enqueue_dma source(%arg11 : memref<1568xf32, #tpu.memory_space<vmem>>) target(%dma_start3A_24 : memref<1568xf32, #tpu.memory_space<hbm>>) target_semaphore(%run_scoped3A : memref<!tpu.dma_semaphore, #tpu.memory_space<semaphore_mem>>)
      %dma_wait3A = tpu.memref_slice %arg6[%add3A_4] : memref<200704xf32, #tpu.memory_space<hbm>> -> memref<1568xf32, #tpu.memory_space<hbm>>
      %dma_wait3A_25 = tpu.memref_slice %arg6[%add3A_4] : memref<200704xf32, #tpu.memory_space<hbm>> -> memref<1568xf32, #tpu.memory_space<hbm>>
      tpu.wait_dma2 semaphore(%run_scoped3A : memref<!tpu.dma_semaphore, #tpu.memory_space<semaphore_mem>>) src(%arg11 : memref<1568xf32, #tpu.memory_space<vmem>>) dst(%dma_wait3A_25 : memref<1568xf32, #tpu.memory_space<hbm>>)
      tpu.yield
    }) : () -> ()
    %add3A_10 = arith.constant 100352 : i32
    %add3A_11 = arith.addi %add3A_10, %add3A_4 : i32
    "tpu.region"() ({
      %run_scoped3A = tpu.sem_alloc : memref<!tpu.dma_semaphore, #tpu.memory_space<semaphore_mem>>
      %dma_start3A = tpu.memref_slice %arg6[%add3A_11] : memref<200704xf32, #tpu.memory_space<hbm>> -> memref<1568xf32, #tpu.memory_space<hbm>>
      %dma_start3A_24 = tpu.memref_slice %arg6[%add3A_11] : memref<200704xf32, #tpu.memory_space<hbm>> -> memref<1568xf32, #tpu.memory_space<hbm>>
      tpu.enqueue_dma source(%arg12 : memref<1568xf32, #tpu.memory_space<vmem>>) target(%dma_start3A_24 : memref<1568xf32, #tpu.memory_space<hbm>>) target_semaphore(%run_scoped3A : memref<!tpu.dma_semaphore, #tpu.memory_space<semaphore_mem>>)
      %dma_wait3A = tpu.memref_slice %arg6[%add3A_11] : memref<200704xf32, #tpu.memory_space<hbm>> -> memref<1568xf32, #tpu.memory_space<hbm>>
      %dma_wait3A_25 = tpu.memref_slice %arg6[%add3A_11] : memref<200704xf32, #tpu.memory_space<hbm>> -> memref<1568xf32, #tpu.memory_space<hbm>>
      tpu.wait_dma2 semaphore(%run_scoped3A : memref<!tpu.dma_semaphore, #tpu.memory_space<semaphore_mem>>) src(%arg12 : memref<1568xf32, #tpu.memory_space<vmem>>) dst(%dma_wait3A_25 : memref<1568xf32, #tpu.memory_space<hbm>>)
      tpu.yield
    }) : () -> ()
    %mul3A_12 = arith.constant 3136 : i32
    %mul3A_13 = arith.muli %add3A, %mul3A_12 : i32
    %add3A_14 = arith.constant 1568 : i32
    %add3A_15 = arith.addi %mul3A_13, %add3A_14 : i32
    "tpu.region"() ({
      %run_scoped3A = tpu.sem_alloc : memref<!tpu.dma_semaphore, #tpu.memory_space<semaphore_mem>>
      %dma_start3A = tpu.memref_slice %arg2[%add3A_15] : memref<100352xi32, #tpu.memory_space<hbm>> -> memref<1568xi32, #tpu.memory_space<hbm>>
      %dma_start3A_24 = tpu.memref_slice %arg2[%add3A_15] : memref<100352xi32, #tpu.memory_space<hbm>> -> memref<1568xi32, #tpu.memory_space<hbm>>
      tpu.enqueue_dma source(%dma_start3A_24 : memref<1568xi32, #tpu.memory_space<hbm>>) target(%arg9 : memref<1568xi32, #tpu.memory_space<vmem>>) target_semaphore(%run_scoped3A : memref<!tpu.dma_semaphore, #tpu.memory_space<semaphore_mem>>)
      %dma_wait3A = tpu.memref_slice %arg2[%add3A_15] : memref<100352xi32, #tpu.memory_space<hbm>> -> memref<1568xi32, #tpu.memory_space<hbm>>
      %dma_wait3A_25 = tpu.memref_slice %arg2[%add3A_15] : memref<100352xi32, #tpu.memory_space<hbm>> -> memref<1568xi32, #tpu.memory_space<hbm>>
      tpu.wait_dma2 semaphore(%run_scoped3A : memref<!tpu.dma_semaphore, #tpu.memory_space<semaphore_mem>>) src(%dma_wait3A_25 : memref<1568xi32, #tpu.memory_space<hbm>>) dst(%arg9 : memref<1568xi32, #tpu.memory_space<vmem>>)
      tpu.yield
    }) : () -> ()
    "tpu.region"() ({
      %run_scoped3A = tpu.sem_alloc : memref<!tpu.dma_semaphore, #tpu.memory_space<semaphore_mem>>
      %dma_start3A = tpu.memref_slice %arg3[%add3A_15] : memref<100352xi32, #tpu.memory_space<hbm>> -> memref<1568xi32, #tpu.memory_space<hbm>>
      %dma_start3A_24 = tpu.memref_slice %arg3[%add3A_15] : memref<100352xi32, #tpu.memory_space<hbm>> -> memref<1568xi32, #tpu.memory_space<hbm>>
      tpu.enqueue_dma source(%dma_start3A_24 : memref<1568xi32, #tpu.memory_space<hbm>>) target(%arg10 : memref<1568xi32, #tpu.memory_space<vmem>>) target_semaphore(%run_scoped3A : memref<!tpu.dma_semaphore, #tpu.memory_space<semaphore_mem>>)
      %dma_wait3A = tpu.memref_slice %arg3[%add3A_15] : memref<100352xi32, #tpu.memory_space<hbm>> -> memref<1568xi32, #tpu.memory_space<hbm>>
      %dma_wait3A_25 = tpu.memref_slice %arg3[%add3A_15] : memref<100352xi32, #tpu.memory_space<hbm>> -> memref<1568xi32, #tpu.memory_space<hbm>>
      tpu.wait_dma2 semaphore(%run_scoped3A : memref<!tpu.dma_semaphore, #tpu.memory_space<semaphore_mem>>) src(%dma_wait3A_25 : memref<1568xi32, #tpu.memory_space<hbm>>) dst(%arg10 : memref<1568xi32, #tpu.memory_space<vmem>>)
      tpu.yield
    }) : () -> ()
    %scan3A_16 = arith.constant 0 : i32
    %scan3A_17 = arith.constant 0 : i32
    %scan3A_18 = arith.constant 98 : i32
    %scan3A_19 = arith.addi %scan3A_17, %scan3A_18 : i32
    %scan3A_20 = arith.constant 1 : i32
    scf.for %scan3A_24 = %scan3A_17 to %scan3A_19 step %scan3A_20  : i32 {
      %mul3A_25 = arith.constant 16 : i32
      %mul3A_26 = arith.muli %scan3A_24, %mul3A_25 : i32
      %get3A = arith.index_cast %mul3A_26 : i32 to index
      %get3A_27 = tpu.vector_load %arg9[%get3A] {strides = array<i32>} : memref<1568xi32, #tpu.memory_space<vmem>>, vector<16xi32>,
      %get3A_28 = arith.index_cast %mul3A_26 : i32 to index
      %get3A_29 = tpu.vector_load %arg10[%get3A_28] {strides = array<i32>} : memref<1568xi32, #tpu.memory_space<vmem>>, vector<16xi32>,
      %broadcast_in_dim3A = arith.constant 0.000000e+00 : f32
      %broadcast_in_dim3A_30 = vector.broadcast %broadcast_in_dim3A : f32 to vector<16xf32>
      %broadcast_in_dim3A_31 = arith.constant 0.000000e+00 : f32
      %broadcast_in_dim3A_32 = vector.broadcast %broadcast_in_dim3A_31 : f32 to vector<16xf32>
      %add3A_33 = arith.constant 0 : i32
      %add3A_34 = vector.broadcast %add3A_33 : i32 to vector<16xi32>
      %add3A_35 = arith.addi %get3A_27, %add3A_34 : vector<16xi32>
      %gather3A = tpu.vector_load_idx %arg7[%add3A_35] : memref<32768xi32, #tpu.memory_space<vmem>>[vector<16xi32>], vector<16xi32>,
      %bitcast3A = vector.bitcast %gather3A : vector<16xi32> to vector<32xbf16>
      %unpack3A = tpu.unpack_subelements %bitcast3A, 0 {pack_format = #tpu.pack_format<interleaved>} : vector<32xbf16> -> vector<16xf32>
      %unpack3A_36 = tpu.unpack_subelements %bitcast3A, 1 {pack_format = #tpu.pack_format<interleaved>} : vector<32xbf16> -> vector<16xf32>
      %add3A_37 = arith.constant 0 : i32
      %add3A_38 = vector.broadcast %add3A_37 : i32 to vector<16xi32>
      %add3A_39 = arith.addi %get3A_29, %add3A_38 : vector<16xi32>
      %gather3A_40 = tpu.vector_load_idx %arg8[%add3A_39] : memref<49152xi32, #tpu.memory_space<vmem>>[vector<16xi32>], vector<16xi32>,
      %bitcast3A_41 = vector.bitcast %gather3A_40 : vector<16xi32> to vector<32xbf16>
      %unpack3A_42 = tpu.unpack_subelements %bitcast3A_41, 0 {pack_format = #tpu.pack_format<interleaved>} : vector<32xbf16> -> vector<16xf32>
      %unpack3A_43 = tpu.unpack_subelements %bitcast3A_41, 1 {pack_format = #tpu.pack_format<interleaved>} : vector<32xbf16> -> vector<16xf32>
      %add3A_44 = arith.constant 1536 : i32
      %add3A_45 = vector.broadcast %add3A_44 : i32 to vector<16xi32>
      %add3A_46 = arith.addi %get3A_29, %add3A_45 : vector<16xi32>
      %gather3A_47 = tpu.vector_load_idx %arg8[%add3A_46] : memref<49152xi32, #tpu.memory_space<vmem>>[vector<16xi32>], vector<16xi32>,
      %bitcast3A_48 = vector.bitcast %gather3A_47 : vector<16xi32> to vector<32xbf16>
      %unpack3A_49 = tpu.unpack_subelements %bitcast3A_48, 0 {pack_format = #tpu.pack_format<interleaved>} : vector<32xbf16> -> vector<16xf32>
      %unpack3A_50 = tpu.unpack_subelements %bitcast3A_48, 1 {pack_format = #tpu.pack_format<interleaved>} : vector<32xbf16> -> vector<16xf32>
      %mul3A_51 = arith.mulf %unpack3A, %unpack3A_42 : vector<16xf32>
      %add3A_52 = arith.addf %broadcast_in_dim3A_30, %mul3A_51 : vector<16xf32>
      %mul3A_53 = arith.mulf %unpack3A_36, %unpack3A_49 : vector<16xf32>
      %add3A_54 = arith.addf %add3A_52, %mul3A_53 : vector<16xf32>
      %mul3A_55 = arith.mulf %unpack3A, %unpack3A_43 : vector<16xf32>
      %add3A_56 = arith.addf %broadcast_in_dim3A_32, %mul3A_55 : vector<16xf32>
      %mul3A_57 = arith.mulf %unpack3A_36, %unpack3A_50 : vector<16xf32>
      %add3A_58 = arith.addf %add3A_56, %mul3A_57 : vector<16xf32>
      %add3A_59 = arith.constant 2048 : i32
      %add3A_60 = vector.broadcast %add3A_59 : i32 to vector<16xi32>
      %add3A_61 = arith.addi %get3A_27, %add3A_60 : vector<16xi32>
      %gather3A_62 = tpu.vector_load_idx %arg7[%add3A_61] : memref<32768xi32, #tpu.memory_space<vmem>>[vector<16xi32>], vector<16xi32>,
      %bitcast3A_63 = vector.bitcast %gather3A_62 : vector<16xi32> to vector<32xbf16>
      %unpack3A_64 = tpu.unpack_subelements %bitcast3A_63, 0 {pack_format = #tpu.pack_format<interleaved>} : vector<32xbf16> -> vector<16xf32>
      %unpack3A_65 = tpu.unpack_subelements %bitcast3A_63, 1 {pack_format = #tpu.pack_format<interleaved>} : vector<32xbf16> -> vector<16xf32>
      %add3A_66 = arith.constant 3072 : i32
      %add3A_67 = vector.broadcast %add3A_66 : i32 to vector<16xi32>
      %add3A_68 = arith.addi %get3A_29, %add3A_67 : vector<16xi32>
      %gather3A_69 = tpu.vector_load_idx %arg8[%add3A_68] : memref<49152xi32, #tpu.memory_space<vmem>>[vector<16xi32>], vector<16xi32>,
      %bitcast3A_70 = vector.bitcast %gather3A_69 : vector<16xi32> to vector<32xbf16>
      %unpack3A_71 = tpu.unpack_subelements %bitcast3A_70, 0 {pack_format = #tpu.pack_format<interleaved>} : vector<32xbf16> -> vector<16xf32>
      %unpack3A_72 = tpu.unpack_subelements %bitcast3A_70, 1 {pack_format = #tpu.pack_format<interleaved>} : vector<32xbf16> -> vector<16xf32>
      %add3A_73 = arith.constant 4608 : i32
      %add3A_74 = vector.broadcast %add3A_73 : i32 to vector<16xi32>
      %add3A_75 = arith.addi %get3A_29, %add3A_74 : vector<16xi32>
      %gather3A_76 = tpu.vector_load_idx %arg8[%add3A_75] : memref<49152xi32, #tpu.memory_space<vmem>>[vector<16xi32>], vector<16xi32>,
      %bitcast3A_77 = vector.bitcast %gather3A_76 : vector<16xi32> to vector<32xbf16>
      %unpack3A_78 = tpu.unpack_subelements %bitcast3A_77, 0 {pack_format = #tpu.pack_format<interleaved>} : vector<32xbf16> -> vector<16xf32>
      %unpack3A_79 = tpu.unpack_subelements %bitcast3A_77, 1 {pack_format = #tpu.pack_format<interleaved>} : vector<32xbf16> -> vector<16xf32>
      %mul3A_80 = arith.mulf %unpack3A_64, %unpack3A_71 : vector<16xf32>
      %add3A_81 = arith.addf %add3A_54, %mul3A_80 : vector<16xf32>
      %mul3A_82 = arith.mulf %unpack3A_65, %unpack3A_78 : vector<16xf32>
      %add3A_83 = arith.addf %add3A_81, %mul3A_82 : vector<16xf32>
      %mul3A_84 = arith.mulf %unpack3A_64, %unpack3A_72 : vector<16xf32>
      %add3A_85 = arith.addf %add3A_58, %mul3A_84 : vector<16xf32>
      %mul3A_86 = arith.mulf %unpack3A_65, %unpack3A_79 : vector<16xf32>
      %add3A_87 = arith.addf %add3A_85, %mul3A_86 : vector<16xf32>
      %add3A_88 = arith.constant 4096 : i32
      %add3A_89 = vector.broadcast %add3A_88 : i32 to vector<16xi32>
      %add3A_90 = arith.addi %get3A_27, %add3A_89 : vector<16xi32>
      %gather3A_91 = tpu.vector_load_idx %arg7[%add3A_90] : memref<32768xi32, #tpu.memory_space<vmem>>[vector<16xi32>], vector<16xi32>,
      %bitcast3A_92 = vector.bitcast %gather3A_91 : vector<16xi32> to vector<32xbf16>
      %unpack3A_93 = tpu.unpack_subelements %bitcast3A_92, 0 {pack_format = #tpu.pack_format<interleaved>} : vector<32xbf16> -> vector<16xf32>
      %unpack3A_94 = tpu.unpack_subelements %bitcast3A_92, 1 {pack_format = #tpu.pack_format<interleaved>} : vector<32xbf16> -> vector<16xf32>
      %add3A_95 = arith.constant 6144 : i32
      %add3A_96 = vector.broadcast %add3A_95 : i32 to vector<16xi32>
      %add3A_97 = arith.addi %get3A_29, %add3A_96 : vector<16xi32>
      %gather3A_98 = tpu.vector_load_idx %arg8[%add3A_97] : memref<49152xi32, #tpu.memory_space<vmem>>[vector<16xi32>], vector<16xi32>,
      %bitcast3A_99 = vector.bitcast %gather3A_98 : vector<16xi32> to vector<32xbf16>
      %unpack3A_100 = tpu.unpack_subelements %bitcast3A_99, 0 {pack_format = #tpu.pack_format<interleaved>} : vector<32xbf16> -> vector<16xf32>
      %unpack3A_101 = tpu.unpack_subelements %bitcast3A_99, 1 {pack_format = #tpu.pack_format<interleaved>} : vector<32xbf16> -> vector<16xf32>
      %add3A_102 = arith.constant 7680 : i32
      %add3A_103 = vector.broadcast %add3A_102 : i32 to vector<16xi32>
      %add3A_104 = arith.addi %get3A_29, %add3A_103 : vector<16xi32>
      %gather3A_105 = tpu.vector_load_idx %arg8[%add3A_104] : memref<49152xi32, #tpu.memory_space<vmem>>[vector<16xi32>], vector<16xi32>,
      %bitcast3A_106 = vector.bitcast %gather3A_105 : vector<16xi32> to vector<32xbf16>
      %unpack3A_107 = tpu.unpack_subelements %bitcast3A_106, 0 {pack_format = #tpu.pack_format<interleaved>} : vector<32xbf16> -> vector<16xf32>
      %unpack3A_108 = tpu.unpack_subelements %bitcast3A_106, 1 {pack_format = #tpu.pack_format<interleaved>} : vector<32xbf16> -> vector<16xf32>
      %mul3A_109 = arith.mulf %unpack3A_93, %unpack3A_100 : vector<16xf32>
      %add3A_110 = arith.addf %add3A_83, %mul3A_109 : vector<16xf32>
      %mul3A_111 = arith.mulf %unpack3A_94, %unpack3A_107 : vector<16xf32>
      %add3A_112 = arith.addf %add3A_110, %mul3A_111 : vector<16xf32>
      %mul3A_113 = arith.mulf %unpack3A_93, %unpack3A_101 : vector<16xf32>
      %add3A_114 = arith.addf %add3A_87, %mul3A_113 : vector<16xf32>
      %mul3A_115 = arith.mulf %unpack3A_94, %unpack3A_108 : vector<16xf32>
      %add3A_116 = arith.addf %add3A_114, %mul3A_115 : vector<16xf32>
      %add3A_117 = arith.constant 6144 : i32
      %add3A_118 = vector.broadcast %add3A_117 : i32 to vector<16xi32>
      %add3A_119 = arith.addi %get3A_27, %add3A_118 : vector<16xi32>
      %gather3A_120 = tpu.vector_load_idx %arg7[%add3A_119] : memref<32768xi32, #tpu.memory_space<vmem>>[vector<16xi32>], vector<16xi32>,
      %bitcast3A_121 = vector.bitcast %gather3A_120 : vector<16xi32> to vector<32xbf16>
      %unpack3A_122 = tpu.unpack_subelements %bitcast3A_121, 0 {pack_format = #tpu.pack_format<interleaved>} : vector<32xbf16> -> vector<16xf32>
      %unpack3A_123 = tpu.unpack_subelements %bitcast3A_121, 1 {pack_format = #tpu.pack_format<interleaved>} : vector<32xbf16> -> vector<16xf32>
      %add3A_124 = arith.constant 9216 : i32
      %add3A_125 = vector.broadcast %add3A_124 : i32 to vector<16xi32>
      %add3A_126 = arith.addi %get3A_29, %add3A_125 : vector<16xi32>
      %gather3A_127 = tpu.vector_load_idx %arg8[%add3A_126] : memref<49152xi32, #tpu.memory_space<vmem>>[vector<16xi32>], vector<16xi32>,
      %bitcast3A_128 = vector.bitcast %gather3A_127 : vector<16xi32> to vector<32xbf16>
      %unpack3A_129 = tpu.unpack_subelements %bitcast3A_128, 0 {pack_format = #tpu.pack_format<interleaved>} : vector<32xbf16> -> vector<16xf32>
      %unpack3A_130 = tpu.unpack_subelements %bitcast3A_128, 1 {pack_format = #tpu.pack_format<interleaved>} : vector<32xbf16> -> vector<16xf32>
      %add3A_131 = arith.constant 10752 : i32
      %add3A_132 = vector.broadcast %add3A_131 : i32 to vector<16xi32>
      %add3A_133 = arith.addi %get3A_29, %add3A_132 : vector<16xi32>
      %gather3A_134 = tpu.vector_load_idx %arg8[%add3A_133] : memref<49152xi32, #tpu.memory_space<vmem>>[vector<16xi32>], vector<16xi32>,
      %bitcast3A_135 = vector.bitcast %gather3A_134 : vector<16xi32> to vector<32xbf16>
      %unpack3A_136 = tpu.unpack_subelements %bitcast3A_135, 0 {pack_format = #tpu.pack_format<interleaved>} : vector<32xbf16> -> vector<16xf32>
      %unpack3A_137 = tpu.unpack_subelements %bitcast3A_135, 1 {pack_format = #tpu.pack_format<interleaved>} : vector<32xbf16> -> vector<16xf32>
      %mul3A_138 = arith.mulf %unpack3A_122, %unpack3A_129 : vector<16xf32>
      %add3A_139 = arith.addf %add3A_112, %mul3A_138 : vector<16xf32>
      %mul3A_140 = arith.mulf %unpack3A_123, %unpack3A_136 : vector<16xf32>
      %add3A_141 = arith.addf %add3A_139, %mul3A_140 : vector<16xf32>
      %mul3A_142 = arith.mulf %unpack3A_122, %unpack3A_130 : vector<16xf32>
      %add3A_143 = arith.addf %add3A_116, %mul3A_142 : vector<16xf32>
      %mul3A_144 = arith.mulf %unpack3A_123, %unpack3A_137 : vector<16xf32>
      %add3A_145 = arith.addf %add3A_143, %mul3A_144 : vector<16xf32>
      %add3A_146 = arith.constant 8192 : i32
      %add3A_147 = vector.broadcast %add3A_146 : i32 to vector<16xi32>
      %add3A_148 = arith.addi %get3A_27, %add3A_147 : vector<16xi32>
      %gather3A_149 = tpu.vector_load_idx %arg7[%add3A_148] : memref<32768xi32, #tpu.memory_space<vmem>>[vector<16xi32>], vector<16xi32>,
      %bitcast3A_150 = vector.bitcast %gather3A_149 : vector<16xi32> to vector<32xbf16>
      %unpack3A_151 = tpu.unpack_subelements %bitcast3A_150, 0 {pack_format = #tpu.pack_format<interleaved>} : vector<32xbf16> -> vector<16xf32>
      %unpack3A_152 = tpu.unpack_subelements %bitcast3A_150, 1 {pack_format = #tpu.pack_format<interleaved>} : vector<32xbf16> -> vector<16xf32>
      %add3A_153 = arith.constant 12288 : i32
      %add3A_154 = vector.broadcast %add3A_153 : i32 to vector<16xi32>
      %add3A_155 = arith.addi %get3A_29, %add3A_154 : vector<16xi32>
      %gather3A_156 = tpu.vector_load_idx %arg8[%add3A_155] : memref<49152xi32, #tpu.memory_space<vmem>>[vector<16xi32>], vector<16xi32>,
      %bitcast3A_157 = vector.bitcast %gather3A_156 : vector<16xi32> to vector<32xbf16>
      %unpack3A_158 = tpu.unpack_subelements %bitcast3A_157, 0 {pack_format = #tpu.pack_format<interleaved>} : vector<32xbf16> -> vector<16xf32>
      %unpack3A_159 = tpu.unpack_subelements %bitcast3A_157, 1 {pack_format = #tpu.pack_format<interleaved>} : vector<32xbf16> -> vector<16xf32>
      %add3A_160 = arith.constant 13824 : i32
      %add3A_161 = vector.broadcast %add3A_160 : i32 to vector<16xi32>
      %add3A_162 = arith.addi %get3A_29, %add3A_161 : vector<16xi32>
      %gather3A_163 = tpu.vector_load_idx %arg8[%add3A_162] : memref<49152xi32, #tpu.memory_space<vmem>>[vector<16xi32>], vector<16xi32>,
      %bitcast3A_164 = vector.bitcast %gather3A_163 : vector<16xi32> to vector<32xbf16>
      %unpack3A_165 = tpu.unpack_subelements %bitcast3A_164, 0 {pack_format = #tpu.pack_format<interleaved>} : vector<32xbf16> -> vector<16xf32>
      %unpack3A_166 = tpu.unpack_subelements %bitcast3A_164, 1 {pack_format = #tpu.pack_format<interleaved>} : vector<32xbf16> -> vector<16xf32>
      %mul3A_167 = arith.mulf %unpack3A_151, %unpack3A_158 : vector<16xf32>
      %add3A_168 = arith.addf %add3A_141, %mul3A_167 : vector<16xf32>
      %mul3A_169 = arith.mulf %unpack3A_152, %unpack3A_165 : vector<16xf32>
      %add3A_170 = arith.addf %add3A_168, %mul3A_169 : vector<16xf32>
      %mul3A_171 = arith.mulf %unpack3A_151, %unpack3A_159 : vector<16xf32>
      %add3A_172 = arith.addf %add3A_145, %mul3A_171 : vector<16xf32>
      %mul3A_173 = arith.mulf %unpack3A_152, %unpack3A_166 : vector<16xf32>
      %add3A_174 = arith.addf %add3A_172, %mul3A_173 : vector<16xf32>
      %add3A_175 = arith.constant 10240 : i32
      %add3A_176 = vector.broadcast %add3A_175 : i32 to vector<16xi32>
      %add3A_177 = arith.addi %get3A_27, %add3A_176 : vector<16xi32>
      %gather3A_178 = tpu.vector_load_idx %arg7[%add3A_177] : memref<32768xi32, #tpu.memory_space<vmem>>[vector<16xi32>], vector<16xi32>,
      %bitcast3A_179 = vector.bitcast %gather3A_178 : vector<16xi32> to vector<32xbf16>
      %unpack3A_180 = tpu.unpack_subelements %bitcast3A_179, 0 {pack_format = #tpu.pack_format<interleaved>} : vector<32xbf16> -> vector<16xf32>
      %unpack3A_181 = tpu.unpack_subelements %bitcast3A_179, 1 {pack_format = #tpu.pack_format<interleaved>} : vector<32xbf16> -> vector<16xf32>
      %add3A_182 = arith.constant 15360 : i32
      %add3A_183 = vector.broadcast %add3A_182 : i32 to vector<16xi32>
      %add3A_184 = arith.addi %get3A_29, %add3A_183 : vector<16xi32>
      %gather3A_185 = tpu.vector_load_idx %arg8[%add3A_184] : memref<49152xi32, #tpu.memory_space<vmem>>[vector<16xi32>], vector<16xi32>,
      %bitcast3A_186 = vector.bitcast %gather3A_185 : vector<16xi32> to vector<32xbf16>
      %unpack3A_187 = tpu.unpack_subelements %bitcast3A_186, 0 {pack_format = #tpu.pack_format<interleaved>} : vector<32xbf16> -> vector<16xf32>
      %unpack3A_188 = tpu.unpack_subelements %bitcast3A_186, 1 {pack_format = #tpu.pack_format<interleaved>} : vector<32xbf16> -> vector<16xf32>
      %add3A_189 = arith.constant 16896 : i32
      %add3A_190 = vector.broadcast %add3A_189 : i32 to vector<16xi32>
      %add3A_191 = arith.addi %get3A_29, %add3A_190 : vector<16xi32>
      %gather3A_192 = tpu.vector_load_idx %arg8[%add3A_191] : memref<49152xi32, #tpu.memory_space<vmem>>[vector<16xi32>], vector<16xi32>,
      %bitcast3A_193 = vector.bitcast %gather3A_192 : vector<16xi32> to vector<32xbf16>
      %unpack3A_194 = tpu.unpack_subelements %bitcast3A_193, 0 {pack_format = #tpu.pack_format<interleaved>} : vector<32xbf16> -> vector<16xf32>
      %unpack3A_195 = tpu.unpack_subelements %bitcast3A_193, 1 {pack_format = #tpu.pack_format<interleaved>} : vector<32xbf16> -> vector<16xf32>
      %mul3A_196 = arith.mulf %unpack3A_180, %unpack3A_187 : vector<16xf32>
      %add3A_197 = arith.addf %add3A_170, %mul3A_196 : vector<16xf32>
      %mul3A_198 = arith.mulf %unpack3A_181, %unpack3A_194 : vector<16xf32>
      %add3A_199 = arith.addf %add3A_197, %mul3A_198 : vector<16xf32>
      %mul3A_200 = arith.mulf %unpack3A_180, %unpack3A_188 : vector<16xf32>
      %add3A_201 = arith.addf %add3A_174, %mul3A_200 : vector<16xf32>
      %mul3A_202 = arith.mulf %unpack3A_181, %unpack3A_195 : vector<16xf32>
      %add3A_203 = arith.addf %add3A_201, %mul3A_202 : vector<16xf32>
      %add3A_204 = arith.constant 12288 : i32
      %add3A_205 = vector.broadcast %add3A_204 : i32 to vector<16xi32>
      %add3A_206 = arith.addi %get3A_27, %add3A_205 : vector<16xi32>
      %gather3A_207 = tpu.vector_load_idx %arg7[%add3A_206] : memref<32768xi32, #tpu.memory_space<vmem>>[vector<16xi32>], vector<16xi32>,
      %bitcast3A_208 = vector.bitcast %gather3A_207 : vector<16xi32> to vector<32xbf16>
      %unpack3A_209 = tpu.unpack_subelements %bitcast3A_208, 0 {pack_format = #tpu.pack_format<interleaved>} : vector<32xbf16> -> vector<16xf32>
      %unpack3A_210 = tpu.unpack_subelements %bitcast3A_208, 1 {pack_format = #tpu.pack_format<interleaved>} : vector<32xbf16> -> vector<16xf32>
      %add3A_211 = arith.constant 18432 : i32
      %add3A_212 = vector.broadcast %add3A_211 : i32 to vector<16xi32>
      %add3A_213 = arith.addi %get3A_29, %add3A_212 : vector<16xi32>
      %gather3A_214 = tpu.vector_load_idx %arg8[%add3A_213] : memref<49152xi32, #tpu.memory_space<vmem>>[vector<16xi32>], vector<16xi32>,
      %bitcast3A_215 = vector.bitcast %gather3A_214 : vector<16xi32> to vector<32xbf16>
      %unpack3A_216 = tpu.unpack_subelements %bitcast3A_215, 0 {pack_format = #tpu.pack_format<interleaved>} : vector<32xbf16> -> vector<16xf32>
      %unpack3A_217 = tpu.unpack_subelements %bitcast3A_215, 1 {pack_format = #tpu.pack_format<interleaved>} : vector<32xbf16> -> vector<16xf32>
      %add3A_218 = arith.constant 19968 : i32
      %add3A_219 = vector.broadcast %add3A_218 : i32 to vector<16xi32>
      %add3A_220 = arith.addi %get3A_29, %add3A_219 : vector<16xi32>
      %gather3A_221 = tpu.vector_load_idx %arg8[%add3A_220] : memref<49152xi32, #tpu.memory_space<vmem>>[vector<16xi32>], vector<16xi32>,
      %bitcast3A_222 = vector.bitcast %gather3A_221 : vector<16xi32> to vector<32xbf16>
      %unpack3A_223 = tpu.unpack_subelements %bitcast3A_222, 0 {pack_format = #tpu.pack_format<interleaved>} : vector<32xbf16> -> vector<16xf32>
      %unpack3A_224 = tpu.unpack_subelements %bitcast3A_222, 1 {pack_format = #tpu.pack_format<interleaved>} : vector<32xbf16> -> vector<16xf32>
      %mul3A_225 = arith.mulf %unpack3A_209, %unpack3A_216 : vector<16xf32>
      %add3A_226 = arith.addf %add3A_199, %mul3A_225 : vector<16xf32>
      %mul3A_227 = arith.mulf %unpack3A_210, %unpack3A_223 : vector<16xf32>
      %add3A_228 = arith.addf %add3A_226, %mul3A_227 : vector<16xf32>
      %mul3A_229 = arith.mulf %unpack3A_209, %unpack3A_217 : vector<16xf32>
      %add3A_230 = arith.addf %add3A_203, %mul3A_229 : vector<16xf32>
      %mul3A_231 = arith.mulf %unpack3A_210, %unpack3A_224 : vector<16xf32>
      %add3A_232 = arith.addf %add3A_230, %mul3A_231 : vector<16xf32>
      %add3A_233 = arith.constant 14336 : i32
      %add3A_234 = vector.broadcast %add3A_233 : i32 to vector<16xi32>
      %add3A_235 = arith.addi %get3A_27, %add3A_234 : vector<16xi32>
      %gather3A_236 = tpu.vector_load_idx %arg7[%add3A_235] : memref<32768xi32, #tpu.memory_space<vmem>>[vector<16xi32>], vector<16xi32>,
      %bitcast3A_237 = vector.bitcast %gather3A_236 : vector<16xi32> to vector<32xbf16>
      %unpack3A_238 = tpu.unpack_subelements %bitcast3A_237, 0 {pack_format = #tpu.pack_format<interleaved>} : vector<32xbf16> -> vector<16xf32>
      %unpack3A_239 = tpu.unpack_subelements %bitcast3A_237, 1 {pack_format = #tpu.pack_format<interleaved>} : vector<32xbf16> -> vector<16xf32>
      %add3A_240 = arith.constant 21504 : i32
      %add3A_241 = vector.broadcast %add3A_240 : i32 to vector<16xi32>
      %add3A_242 = arith.addi %get3A_29, %add3A_241 : vector<16xi32>
      %gather3A_243 = tpu.vector_load_idx %arg8[%add3A_242] : memref<49152xi32, #tpu.memory_space<vmem>>[vector<16xi32>], vector<16xi32>,
      %bitcast3A_244 = vector.bitcast %gather3A_243 : vector<16xi32> to vector<32xbf16>
      %unpack3A_245 = tpu.unpack_subelements %bitcast3A_244, 0 {pack_format = #tpu.pack_format<interleaved>} : vector<32xbf16> -> vector<16xf32>
      %unpack3A_246 = tpu.unpack_subelements %bitcast3A_244, 1 {pack_format = #tpu.pack_format<interleaved>} : vector<32xbf16> -> vector<16xf32>
      %add3A_247 = arith.constant 23040 : i32
      %add3A_248 = vector.broadcast %add3A_247 : i32 to vector<16xi32>
      %add3A_249 = arith.addi %get3A_29, %add3A_248 : vector<16xi32>
      %gather3A_250 = tpu.vector_load_idx %arg8[%add3A_249] : memref<49152xi32, #tpu.memory_space<vmem>>[vector<16xi32>], vector<16xi32>,
      %bitcast3A_251 = vector.bitcast %gather3A_250 : vector<16xi32> to vector<32xbf16>
      %unpack3A_252 = tpu.unpack_subelements %bitcast3A_251, 0 {pack_format = #tpu.pack_format<interleaved>} : vector<32xbf16> -> vector<16xf32>
      %unpack3A_253 = tpu.unpack_subelements %bitcast3A_251, 1 {pack_format = #tpu.pack_format<interleaved>} : vector<32xbf16> -> vector<16xf32>
      %mul3A_254 = arith.mulf %unpack3A_238, %unpack3A_245 : vector<16xf32>
      %add3A_255 = arith.addf %add3A_228, %mul3A_254 : vector<16xf32>
      %mul3A_256 = arith.mulf %unpack3A_239, %unpack3A_252 : vector<16xf32>
      %add3A_257 = arith.addf %add3A_255, %mul3A_256 : vector<16xf32>
      %mul3A_258 = arith.mulf %unpack3A_238, %unpack3A_246 : vector<16xf32>
      %add3A_259 = arith.addf %add3A_232, %mul3A_258 : vector<16xf32>
      %mul3A_260 = arith.mulf %unpack3A_239, %unpack3A_253 : vector<16xf32>
      %add3A_261 = arith.addf %add3A_259, %mul3A_260 : vector<16xf32>
      %add3A_262 = arith.constant 16384 : i32
      %add3A_263 = vector.broadcast %add3A_262 : i32 to vector<16xi32>
      %add3A_264 = arith.addi %get3A_27, %add3A_263 : vector<16xi32>
      %gather3A_265 = tpu.vector_load_idx %arg7[%add3A_264] : memref<32768xi32, #tpu.memory_space<vmem>>[vector<16xi32>], vector<16xi32>,
      %bitcast3A_266 = vector.bitcast %gather3A_265 : vector<16xi32> to vector<32xbf16>
      %unpack3A_267 = tpu.unpack_subelements %bitcast3A_266, 0 {pack_format = #tpu.pack_format<interleaved>} : vector<32xbf16> -> vector<16xf32>
      %unpack3A_268 = tpu.unpack_subelements %bitcast3A_266, 1 {pack_format = #tpu.pack_format<interleaved>} : vector<32xbf16> -> vector<16xf32>
      %add3A_269 = arith.constant 24576 : i32
      %add3A_270 = vector.broadcast %add3A_269 : i32 to vector<16xi32>
      %add3A_271 = arith.addi %get3A_29, %add3A_270 : vector<16xi32>
      %gather3A_272 = tpu.vector_load_idx %arg8[%add3A_271] : memref<49152xi32, #tpu.memory_space<vmem>>[vector<16xi32>], vector<16xi32>,
      %bitcast3A_273 = vector.bitcast %gather3A_272 : vector<16xi32> to vector<32xbf16>
      %unpack3A_274 = tpu.unpack_subelements %bitcast3A_273, 0 {pack_format = #tpu.pack_format<interleaved>} : vector<32xbf16> -> vector<16xf32>
      %unpack3A_275 = tpu.unpack_subelements %bitcast3A_273, 1 {pack_format = #tpu.pack_format<interleaved>} : vector<32xbf16> -> vector<16xf32>
      %add3A_276 = arith.constant 26112 : i32
      %add3A_277 = vector.broadcast %add3A_276 : i32 to vector<16xi32>
      %add3A_278 = arith.addi %get3A_29, %add3A_277 : vector<16xi32>
      %gather3A_279 = tpu.vector_load_idx %arg8[%add3A_278] : memref<49152xi32, #tpu.memory_space<vmem>>[vector<16xi32>], vector<16xi32>,
      %bitcast3A_280 = vector.bitcast %gather3A_279 : vector<16xi32> to vector<32xbf16>
      %unpack3A_281 = tpu.unpack_subelements %bitcast3A_280, 0 {pack_format = #tpu.pack_format<interleaved>} : vector<32xbf16> -> vector<16xf32>
      %unpack3A_282 = tpu.unpack_subelements %bitcast3A_280, 1 {pack_format = #tpu.pack_format<interleaved>} : vector<32xbf16> -> vector<16xf32>
      %mul3A_283 = arith.mulf %unpack3A_267, %unpack3A_274 : vector<16xf32>
      %add3A_284 = arith.addf %add3A_257, %mul3A_283 : vector<16xf32>
      %mul3A_285 = arith.mulf %unpack3A_268, %unpack3A_281 : vector<16xf32>
      %add3A_286 = arith.addf %add3A_284, %mul3A_285 : vector<16xf32>
      %mul3A_287 = arith.mulf %unpack3A_267, %unpack3A_275 : vector<16xf32>
      %add3A_288 = arith.addf %add3A_261, %mul3A_287 : vector<16xf32>
      %mul3A_289 = arith.mulf %unpack3A_268, %unpack3A_282 : vector<16xf32>
      %add3A_290 = arith.addf %add3A_288, %mul3A_289 : vector<16xf32>
      %add3A_291 = arith.constant 18432 : i32
      %add3A_292 = vector.broadcast %add3A_291 : i32 to vector<16xi32>
      %add3A_293 = arith.addi %get3A_27, %add3A_292 : vector<16xi32>
      %gather3A_294 = tpu.vector_load_idx %arg7[%add3A_293] : memref<32768xi32, #tpu.memory_space<vmem>>[vector<16xi32>], vector<16xi32>,
      %bitcast3A_295 = vector.bitcast %gather3A_294 : vector<16xi32> to vector<32xbf16>
      %unpack3A_296 = tpu.unpack_subelements %bitcast3A_295, 0 {pack_format = #tpu.pack_format<interleaved>} : vector<32xbf16> -> vector<16xf32>
      %unpack3A_297 = tpu.unpack_subelements %bitcast3A_295, 1 {pack_format = #tpu.pack_format<interleaved>} : vector<32xbf16> -> vector<16xf32>
      %add3A_298 = arith.constant 27648 : i32
      %add3A_299 = vector.broadcast %add3A_298 : i32 to vector<16xi32>
      %add3A_300 = arith.addi %get3A_29, %add3A_299 : vector<16xi32>
      %gather3A_301 = tpu.vector_load_idx %arg8[%add3A_300] : memref<49152xi32, #tpu.memory_space<vmem>>[vector<16xi32>], vector<16xi32>,
      %bitcast3A_302 = vector.bitcast %gather3A_301 : vector<16xi32> to vector<32xbf16>
      %unpack3A_303 = tpu.unpack_subelements %bitcast3A_302, 0 {pack_format = #tpu.pack_format<interleaved>} : vector<32xbf16> -> vector<16xf32>
      %unpack3A_304 = tpu.unpack_subelements %bitcast3A_302, 1 {pack_format = #tpu.pack_format<interleaved>} : vector<32xbf16> -> vector<16xf32>
      %add3A_305 = arith.constant 29184 : i32
      %add3A_306 = vector.broadcast %add3A_305 : i32 to vector<16xi32>
      %add3A_307 = arith.addi %get3A_29, %add3A_306 : vector<16xi32>
      %gather3A_308 = tpu.vector_load_idx %arg8[%add3A_307] : memref<49152xi32, #tpu.memory_space<vmem>>[vector<16xi32>], vector<16xi32>,
      %bitcast3A_309 = vector.bitcast %gather3A_308 : vector<16xi32> to vector<32xbf16>
      %unpack3A_310 = tpu.unpack_subelements %bitcast3A_309, 0 {pack_format = #tpu.pack_format<interleaved>} : vector<32xbf16> -> vector<16xf32>
      %unpack3A_311 = tpu.unpack_subelements %bitcast3A_309, 1 {pack_format = #tpu.pack_format<interleaved>} : vector<32xbf16> -> vector<16xf32>
      %mul3A_312 = arith.mulf %unpack3A_296, %unpack3A_303 : vector<16xf32>
      %add3A_313 = arith.addf %add3A_286, %mul3A_312 : vector<16xf32>
      %mul3A_314 = arith.mulf %unpack3A_297, %unpack3A_310 : vector<16xf32>
      %add3A_315 = arith.addf %add3A_313, %mul3A_314 : vector<16xf32>
      %mul3A_316 = arith.mulf %unpack3A_296, %unpack3A_304 : vector<16xf32>
      %add3A_317 = arith.addf %add3A_290, %mul3A_316 : vector<16xf32>
      %mul3A_318 = arith.mulf %unpack3A_297, %unpack3A_311 : vector<16xf32>
      %add3A_319 = arith.addf %add3A_317, %mul3A_318 : vector<16xf32>
      %add3A_320 = arith.constant 20480 : i32
      %add3A_321 = vector.broadcast %add3A_320 : i32 to vector<16xi32>
      %add3A_322 = arith.addi %get3A_27, %add3A_321 : vector<16xi32>
      %gather3A_323 = tpu.vector_load_idx %arg7[%add3A_322] : memref<32768xi32, #tpu.memory_space<vmem>>[vector<16xi32>], vector<16xi32>,
      %bitcast3A_324 = vector.bitcast %gather3A_323 : vector<16xi32> to vector<32xbf16>
      %unpack3A_325 = tpu.unpack_subelements %bitcast3A_324, 0 {pack_format = #tpu.pack_format<interleaved>} : vector<32xbf16> -> vector<16xf32>
      %unpack3A_326 = tpu.unpack_subelements %bitcast3A_324, 1 {pack_format = #tpu.pack_format<interleaved>} : vector<32xbf16> -> vector<16xf32>
      %add3A_327 = arith.constant 30720 : i32
      %add3A_328 = vector.broadcast %add3A_327 : i32 to vector<16xi32>
      %add3A_329 = arith.addi %get3A_29, %add3A_328 : vector<16xi32>
      %gather3A_330 = tpu.vector_load_idx %arg8[%add3A_329] : memref<49152xi32, #tpu.memory_space<vmem>>[vector<16xi32>], vector<16xi32>,
      %bitcast3A_331 = vector.bitcast %gather3A_330 : vector<16xi32> to vector<32xbf16>
      %unpack3A_332 = tpu.unpack_subelements %bitcast3A_331, 0 {pack_format = #tpu.pack_format<interleaved>} : vector<32xbf16> -> vector<16xf32>
      %unpack3A_333 = tpu.unpack_subelements %bitcast3A_331, 1 {pack_format = #tpu.pack_format<interleaved>} : vector<32xbf16> -> vector<16xf32>
      %add3A_334 = arith.constant 32256 : i32
      %add3A_335 = vector.broadcast %add3A_334 : i32 to vector<16xi32>
      %add3A_336 = arith.addi %get3A_29, %add3A_335 : vector<16xi32>
      %gather3A_337 = tpu.vector_load_idx %arg8[%add3A_336] : memref<49152xi32, #tpu.memory_space<vmem>>[vector<16xi32>], vector<16xi32>,
      %bitcast3A_338 = vector.bitcast %gather3A_337 : vector<16xi32> to vector<32xbf16>
      %unpack3A_339 = tpu.unpack_subelements %bitcast3A_338, 0 {pack_format = #tpu.pack_format<interleaved>} : vector<32xbf16> -> vector<16xf32>
      %unpack3A_340 = tpu.unpack_subelements %bitcast3A_338, 1 {pack_format = #tpu.pack_format<interleaved>} : vector<32xbf16> -> vector<16xf32>
      %mul3A_341 = arith.mulf %unpack3A_325, %unpack3A_332 : vector<16xf32>
      %add3A_342 = arith.addf %add3A_315, %mul3A_341 : vector<16xf32>
      %mul3A_343 = arith.mulf %unpack3A_326, %unpack3A_339 : vector<16xf32>
      %add3A_344 = arith.addf %add3A_342, %mul3A_343 : vector<16xf32>
      %mul3A_345 = arith.mulf %unpack3A_325, %unpack3A_333 : vector<16xf32>
      %add3A_346 = arith.addf %add3A_319, %mul3A_345 : vector<16xf32>
      %mul3A_347 = arith.mulf %unpack3A_326, %unpack3A_340 : vector<16xf32>
      %add3A_348 = arith.addf %add3A_346, %mul3A_347 : vector<16xf32>
      %add3A_349 = arith.constant 22528 : i32
      %add3A_350 = vector.broadcast %add3A_349 : i32 to vector<16xi32>
      %add3A_351 = arith.addi %get3A_27, %add3A_350 : vector<16xi32>
      %gather3A_352 = tpu.vector_load_idx %arg7[%add3A_351] : memref<32768xi32, #tpu.memory_space<vmem>>[vector<16xi32>], vector<16xi32>,
      %bitcast3A_353 = vector.bitcast %gather3A_352 : vector<16xi32> to vector<32xbf16>
      %unpack3A_354 = tpu.unpack_subelements %bitcast3A_353, 0 {pack_format = #tpu.pack_format<interleaved>} : vector<32xbf16> -> vector<16xf32>
      %unpack3A_355 = tpu.unpack_subelements %bitcast3A_353, 1 {pack_format = #tpu.pack_format<interleaved>} : vector<32xbf16> -> vector<16xf32>
      %add3A_356 = arith.constant 33792 : i32
      %add3A_357 = vector.broadcast %add3A_356 : i32 to vector<16xi32>
      %add3A_358 = arith.addi %get3A_29, %add3A_357 : vector<16xi32>
      %gather3A_359 = tpu.vector_load_idx %arg8[%add3A_358] : memref<49152xi32, #tpu.memory_space<vmem>>[vector<16xi32>], vector<16xi32>,
      %bitcast3A_360 = vector.bitcast %gather3A_359 : vector<16xi32> to vector<32xbf16>
      %unpack3A_361 = tpu.unpack_subelements %bitcast3A_360, 0 {pack_format = #tpu.pack_format<interleaved>} : vector<32xbf16> -> vector<16xf32>
      %unpack3A_362 = tpu.unpack_subelements %bitcast3A_360, 1 {pack_format = #tpu.pack_format<interleaved>} : vector<32xbf16> -> vector<16xf32>
      %add3A_363 = arith.constant 35328 : i32
      %add3A_364 = vector.broadcast %add3A_363 : i32 to vector<16xi32>
      %add3A_365 = arith.addi %get3A_29, %add3A_364 : vector<16xi32>
      %gather3A_366 = tpu.vector_load_idx %arg8[%add3A_365] : memref<49152xi32, #tpu.memory_space<vmem>>[vector<16xi32>], vector<16xi32>,
      %bitcast3A_367 = vector.bitcast %gather3A_366 : vector<16xi32> to vector<32xbf16>
      %unpack3A_368 = tpu.unpack_subelements %bitcast3A_367, 0 {pack_format = #tpu.pack_format<interleaved>} : vector<32xbf16> -> vector<16xf32>
      %unpack3A_369 = tpu.unpack_subelements %bitcast3A_367, 1 {pack_format = #tpu.pack_format<interleaved>} : vector<32xbf16> -> vector<16xf32>
      %mul3A_370 = arith.mulf %unpack3A_354, %unpack3A_361 : vector<16xf32>
      %add3A_371 = arith.addf %add3A_344, %mul3A_370 : vector<16xf32>
      %mul3A_372 = arith.mulf %unpack3A_355, %unpack3A_368 : vector<16xf32>
      %add3A_373 = arith.addf %add3A_371, %mul3A_372 : vector<16xf32>
      %mul3A_374 = arith.mulf %unpack3A_354, %unpack3A_362 : vector<16xf32>
      %add3A_375 = arith.addf %add3A_348, %mul3A_374 : vector<16xf32>
      %mul3A_376 = arith.mulf %unpack3A_355, %unpack3A_369 : vector<16xf32>
      %add3A_377 = arith.addf %add3A_375, %mul3A_376 : vector<16xf32>
      %add3A_378 = arith.constant 24576 : i32
      %add3A_379 = vector.broadcast %add3A_378 : i32 to vector<16xi32>
      %add3A_380 = arith.addi %get3A_27, %add3A_379 : vector<16xi32>
      %gather3A_381 = tpu.vector_load_idx %arg7[%add3A_380] : memref<32768xi32, #tpu.memory_space<vmem>>[vector<16xi32>], vector<16xi32>,
      %bitcast3A_382 = vector.bitcast %gather3A_381 : vector<16xi32> to vector<32xbf16>
      %unpack3A_383 = tpu.unpack_subelements %bitcast3A_382, 0 {pack_format = #tpu.pack_format<interleaved>} : vector<32xbf16> -> vector<16xf32>
      %unpack3A_384 = tpu.unpack_subelements %bitcast3A_382, 1 {pack_format = #tpu.pack_format<interleaved>} : vector<32xbf16> -> vector<16xf32>
      %add3A_385 = arith.constant 36864 : i32
      %add3A_386 = vector.broadcast %add3A_385 : i32 to vector<16xi32>
      %add3A_387 = arith.addi %get3A_29, %add3A_386 : vector<16xi32>
      %gather3A_388 = tpu.vector_load_idx %arg8[%add3A_387] : memref<49152xi32, #tpu.memory_space<vmem>>[vector<16xi32>], vector<16xi32>,
      %bitcast3A_389 = vector.bitcast %gather3A_388 : vector<16xi32> to vector<32xbf16>
      %unpack3A_390 = tpu.unpack_subelements %bitcast3A_389, 0 {pack_format = #tpu.pack_format<interleaved>} : vector<32xbf16> -> vector<16xf32>
      %unpack3A_391 = tpu.unpack_subelements %bitcast3A_389, 1 {pack_format = #tpu.pack_format<interleaved>} : vector<32xbf16> -> vector<16xf32>
      %add3A_392 = arith.constant 38400 : i32
      %add3A_393 = vector.broadcast %add3A_392 : i32 to vector<16xi32>
      %add3A_394 = arith.addi %get3A_29, %add3A_393 : vector<16xi32>
      %gather3A_395 = tpu.vector_load_idx %arg8[%add3A_394] : memref<49152xi32, #tpu.memory_space<vmem>>[vector<16xi32>], vector<16xi32>,
      %bitcast3A_396 = vector.bitcast %gather3A_395 : vector<16xi32> to vector<32xbf16>
      %unpack3A_397 = tpu.unpack_subelements %bitcast3A_396, 0 {pack_format = #tpu.pack_format<interleaved>} : vector<32xbf16> -> vector<16xf32>
      %unpack3A_398 = tpu.unpack_subelements %bitcast3A_396, 1 {pack_format = #tpu.pack_format<interleaved>} : vector<32xbf16> -> vector<16xf32>
      %mul3A_399 = arith.mulf %unpack3A_383, %unpack3A_390 : vector<16xf32>
      %add3A_400 = arith.addf %add3A_373, %mul3A_399 : vector<16xf32>
      %mul3A_401 = arith.mulf %unpack3A_384, %unpack3A_397 : vector<16xf32>
      %add3A_402 = arith.addf %add3A_400, %mul3A_401 : vector<16xf32>
      %mul3A_403 = arith.mulf %unpack3A_383, %unpack3A_391 : vector<16xf32>
      %add3A_404 = arith.addf %add3A_377, %mul3A_403 : vector<16xf32>
      %mul3A_405 = arith.mulf %unpack3A_384, %unpack3A_398 : vector<16xf32>
      %add3A_406 = arith.addf %add3A_404, %mul3A_405 : vector<16xf32>
      %add3A_407 = arith.constant 26624 : i32
      %add3A_408 = vector.broadcast %add3A_407 : i32 to vector<16xi32>
      %add3A_409 = arith.addi %get3A_27, %add3A_408 : vector<16xi32>
      %gather3A_410 = tpu.vector_load_idx %arg7[%add3A_409] : memref<32768xi32, #tpu.memory_space<vmem>>[vector<16xi32>], vector<16xi32>,
      %bitcast3A_411 = vector.bitcast %gather3A_410 : vector<16xi32> to vector<32xbf16>
      %unpack3A_412 = tpu.unpack_subelements %bitcast3A_411, 0 {pack_format = #tpu.pack_format<interleaved>} : vector<32xbf16> -> vector<16xf32>
      %unpack3A_413 = tpu.unpack_subelements %bitcast3A_411, 1 {pack_format = #tpu.pack_format<interleaved>} : vector<32xbf16> -> vector<16xf32>
      %add3A_414 = arith.constant 39936 : i32
      %add3A_415 = vector.broadcast %add3A_414 : i32 to vector<16xi32>
      %add3A_416 = arith.addi %get3A_29, %add3A_415 : vector<16xi32>
      %gather3A_417 = tpu.vector_load_idx %arg8[%add3A_416] : memref<49152xi32, #tpu.memory_space<vmem>>[vector<16xi32>], vector<16xi32>,
      %bitcast3A_418 = vector.bitcast %gather3A_417 : vector<16xi32> to vector<32xbf16>
      %unpack3A_419 = tpu.unpack_subelements %bitcast3A_418, 0 {pack_format = #tpu.pack_format<interleaved>} : vector<32xbf16> -> vector<16xf32>
      %unpack3A_420 = tpu.unpack_subelements %bitcast3A_418, 1 {pack_format = #tpu.pack_format<interleaved>} : vector<32xbf16> -> vector<16xf32>
      %add3A_421 = arith.constant 41472 : i32
      %add3A_422 = vector.broadcast %add3A_421 : i32 to vector<16xi32>
      %add3A_423 = arith.addi %get3A_29, %add3A_422 : vector<16xi32>
      %gather3A_424 = tpu.vector_load_idx %arg8[%add3A_423] : memref<49152xi32, #tpu.memory_space<vmem>>[vector<16xi32>], vector<16xi32>,
      %bitcast3A_425 = vector.bitcast %gather3A_424 : vector<16xi32> to vector<32xbf16>
      %unpack3A_426 = tpu.unpack_subelements %bitcast3A_425, 0 {pack_format = #tpu.pack_format<interleaved>} : vector<32xbf16> -> vector<16xf32>
      %unpack3A_427 = tpu.unpack_subelements %bitcast3A_425, 1 {pack_format = #tpu.pack_format<interleaved>} : vector<32xbf16> -> vector<16xf32>
      %mul3A_428 = arith.mulf %unpack3A_412, %unpack3A_419 : vector<16xf32>
      %add3A_429 = arith.addf %add3A_402, %mul3A_428 : vector<16xf32>
      %mul3A_430 = arith.mulf %unpack3A_413, %unpack3A_426 : vector<16xf32>
      %add3A_431 = arith.addf %add3A_429, %mul3A_430 : vector<16xf32>
      %mul3A_432 = arith.mulf %unpack3A_412, %unpack3A_420 : vector<16xf32>
      %add3A_433 = arith.addf %add3A_406, %mul3A_432 : vector<16xf32>
      %mul3A_434 = arith.mulf %unpack3A_413, %unpack3A_427 : vector<16xf32>
      %add3A_435 = arith.addf %add3A_433, %mul3A_434 : vector<16xf32>
      %add3A_436 = arith.constant 28672 : i32
      %add3A_437 = vector.broadcast %add3A_436 : i32 to vector<16xi32>
      %add3A_438 = arith.addi %get3A_27, %add3A_437 : vector<16xi32>
      %gather3A_439 = tpu.vector_load_idx %arg7[%add3A_438] : memref<32768xi32, #tpu.memory_space<vmem>>[vector<16xi32>], vector<16xi32>,
      %bitcast3A_440 = vector.bitcast %gather3A_439 : vector<16xi32> to vector<32xbf16>
      %unpack3A_441 = tpu.unpack_subelements %bitcast3A_440, 0 {pack_format = #tpu.pack_format<interleaved>} : vector<32xbf16> -> vector<16xf32>
      %unpack3A_442 = tpu.unpack_subelements %bitcast3A_440, 1 {pack_format = #tpu.pack_format<interleaved>} : vector<32xbf16> -> vector<16xf32>
      %add3A_443 = arith.constant 43008 : i32
      %add3A_444 = vector.broadcast %add3A_443 : i32 to vector<16xi32>
      %add3A_445 = arith.addi %get3A_29, %add3A_444 : vector<16xi32>
      %gather3A_446 = tpu.vector_load_idx %arg8[%add3A_445] : memref<49152xi32, #tpu.memory_space<vmem>>[vector<16xi32>], vector<16xi32>,
      %bitcast3A_447 = vector.bitcast %gather3A_446 : vector<16xi32> to vector<32xbf16>
      %unpack3A_448 = tpu.unpack_subelements %bitcast3A_447, 0 {pack_format = #tpu.pack_format<interleaved>} : vector<32xbf16> -> vector<16xf32>
      %unpack3A_449 = tpu.unpack_subelements %bitcast3A_447, 1 {pack_format = #tpu.pack_format<interleaved>} : vector<32xbf16> -> vector<16xf32>
      %add3A_450 = arith.constant 44544 : i32
      %add3A_451 = vector.broadcast %add3A_450 : i32 to vector<16xi32>
      %add3A_452 = arith.addi %get3A_29, %add3A_451 : vector<16xi32>
      %gather3A_453 = tpu.vector_load_idx %arg8[%add3A_452] : memref<49152xi32, #tpu.memory_space<vmem>>[vector<16xi32>], vector<16xi32>,
      %bitcast3A_454 = vector.bitcast %gather3A_453 : vector<16xi32> to vector<32xbf16>
      %unpack3A_455 = tpu.unpack_subelements %bitcast3A_454, 0 {pack_format = #tpu.pack_format<interleaved>} : vector<32xbf16> -> vector<16xf32>
      %unpack3A_456 = tpu.unpack_subelements %bitcast3A_454, 1 {pack_format = #tpu.pack_format<interleaved>} : vector<32xbf16> -> vector<16xf32>
      %mul3A_457 = arith.mulf %unpack3A_441, %unpack3A_448 : vector<16xf32>
      %add3A_458 = arith.addf %add3A_431, %mul3A_457 : vector<16xf32>
      %mul3A_459 = arith.mulf %unpack3A_442, %unpack3A_455 : vector<16xf32>
      %add3A_460 = arith.addf %add3A_458, %mul3A_459 : vector<16xf32>
      %mul3A_461 = arith.mulf %unpack3A_441, %unpack3A_449 : vector<16xf32>
      %add3A_462 = arith.addf %add3A_435, %mul3A_461 : vector<16xf32>
      %mul3A_463 = arith.mulf %unpack3A_442, %unpack3A_456 : vector<16xf32>
      %add3A_464 = arith.addf %add3A_462, %mul3A_463 : vector<16xf32>
      %add3A_465 = arith.constant 30720 : i32
      %add3A_466 = vector.broadcast %add3A_465 : i32 to vector<16xi32>
      %add3A_467 = arith.addi %get3A_27, %add3A_466 : vector<16xi32>
      %gather3A_468 = tpu.vector_load_idx %arg7[%add3A_467] : memref<32768xi32, #tpu.memory_space<vmem>>[vector<16xi32>], vector<16xi32>,
      %bitcast3A_469 = vector.bitcast %gather3A_468 : vector<16xi32> to vector<32xbf16>
      %unpack3A_470 = tpu.unpack_subelements %bitcast3A_469, 0 {pack_format = #tpu.pack_format<interleaved>} : vector<32xbf16> -> vector<16xf32>
      %unpack3A_471 = tpu.unpack_subelements %bitcast3A_469, 1 {pack_format = #tpu.pack_format<interleaved>} : vector<32xbf16> -> vector<16xf32>
      %add3A_472 = arith.constant 46080 : i32
      %add3A_473 = vector.broadcast %add3A_472 : i32 to vector<16xi32>
      %add3A_474 = arith.addi %get3A_29, %add3A_473 : vector<16xi32>
      %gather3A_475 = tpu.vector_load_idx %arg8[%add3A_474] : memref<49152xi32, #tpu.memory_space<vmem>>[vector<16xi32>], vector<16xi32>,
      %bitcast3A_476 = vector.bitcast %gather3A_475 : vector<16xi32> to vector<32xbf16>
      %unpack3A_477 = tpu.unpack_subelements %bitcast3A_476, 0 {pack_format = #tpu.pack_format<interleaved>} : vector<32xbf16> -> vector<16xf32>
      %unpack3A_478 = tpu.unpack_subelements %bitcast3A_476, 1 {pack_format = #tpu.pack_format<interleaved>} : vector<32xbf16> -> vector<16xf32>
      %add3A_479 = arith.constant 47616 : i32
      %add3A_480 = vector.broadcast %add3A_479 : i32 to vector<16xi32>
      %add3A_481 = arith.addi %get3A_29, %add3A_480 : vector<16xi32>
      %gather3A_482 = tpu.vector_load_idx %arg8[%add3A_481] : memref<49152xi32, #tpu.memory_space<vmem>>[vector<16xi32>], vector<16xi32>,
      %bitcast3A_483 = vector.bitcast %gather3A_482 : vector<16xi32> to vector<32xbf16>
      %unpack3A_484 = tpu.unpack_subelements %bitcast3A_483, 0 {pack_format = #tpu.pack_format<interleaved>} : vector<32xbf16> -> vector<16xf32>
      %unpack3A_485 = tpu.unpack_subelements %bitcast3A_483, 1 {pack_format = #tpu.pack_format<interleaved>} : vector<32xbf16> -> vector<16xf32>
      %mul3A_486 = arith.mulf %unpack3A_470, %unpack3A_477 : vector<16xf32>
      %add3A_487 = arith.addf %add3A_460, %mul3A_486 : vector<16xf32>
      %mul3A_488 = arith.mulf %unpack3A_471, %unpack3A_484 : vector<16xf32>
      %add3A_489 = arith.addf %add3A_487, %mul3A_488 : vector<16xf32>
      %mul3A_490 = arith.mulf %unpack3A_470, %unpack3A_478 : vector<16xf32>
      %add3A_491 = arith.addf %add3A_464, %mul3A_490 : vector<16xf32>
      %mul3A_492 = arith.mulf %unpack3A_471, %unpack3A_485 : vector<16xf32>
      %add3A_493 = arith.addf %add3A_491, %mul3A_492 : vector<16xf32>
      %swap3A = arith.index_cast %mul3A_26 : i32 to index
      %swap3A_494 = tpu.vector_load %arg11[%swap3A] {strides = array<i32>} : memref<1568xf32, #tpu.memory_space<vmem>>, vector<16xf32>,
      tpu.vector_store %arg11[%swap3A], %add3A_489 {strides = array<i32>} : memref<1568xf32, #tpu.memory_space<vmem>>, vector<16xf32>,
      %swap3A_495 = arith.index_cast %mul3A_26 : i32 to index
      %swap3A_496 = tpu.vector_load %arg12[%swap3A_495] {strides = array<i32>} : memref<1568xf32, #tpu.memory_space<vmem>>, vector<16xf32>,
      tpu.vector_store %arg12[%swap3A_495], %add3A_493 {strides = array<i32>} : memref<1568xf32, #tpu.memory_space<vmem>>, vector<16xf32>,
    }
    %scan3A_21 = arith.constant 98 : i32
    "tpu.region"() ({
      %run_scoped3A = tpu.sem_alloc : memref<!tpu.dma_semaphore, #tpu.memory_space<semaphore_mem>>
      %dma_start3A = tpu.memref_slice %arg6[%add3A_15] : memref<200704xf32, #tpu.memory_space<hbm>> -> memref<1568xf32, #tpu.memory_space<hbm>>
      %dma_start3A_24 = tpu.memref_slice %arg6[%add3A_15] : memref<200704xf32, #tpu.memory_space<hbm>> -> memref<1568xf32, #tpu.memory_space<hbm>>
      tpu.enqueue_dma source(%arg11 : memref<1568xf32, #tpu.memory_space<vmem>>) target(%dma_start3A_24 : memref<1568xf32, #tpu.memory_space<hbm>>) target_semaphore(%run_scoped3A : memref<!tpu.dma_semaphore, #tpu.memory_space<semaphore_mem>>)
      %dma_wait3A = tpu.memref_slice %arg6[%add3A_15] : memref<200704xf32, #tpu.memory_space<hbm>> -> memref<1568xf32, #tpu.memory_space<hbm>>
      %dma_wait3A_25 = tpu.memref_slice %arg6[%add3A_15] : memref<200704xf32, #tpu.memory_space<hbm>> -> memref<1568xf32, #tpu.memory_space<hbm>>
      tpu.wait_dma2 semaphore(%run_scoped3A : memref<!tpu.dma_semaphore, #tpu.memory_space<semaphore_mem>>) src(%arg11 : memref<1568xf32, #tpu.memory_space<vmem>>) dst(%dma_wait3A_25 : memref<1568xf32, #tpu.memory_space<hbm>>)
      tpu.yield
    }) : () -> ()
    %add3A_22 = arith.constant 100352 : i32
    %add3A_23 = arith.addi %add3A_22, %add3A_15 : i32
    "tpu.region"() ({
      %run_scoped3A = tpu.sem_alloc : memref<!tpu.dma_semaphore, #tpu.memory_space<semaphore_mem>>
      %dma_start3A = tpu.memref_slice %arg6[%add3A_23] : memref<200704xf32, #tpu.memory_space<hbm>> -> memref<1568xf32, #tpu.memory_space<hbm>>
      %dma_start3A_24 = tpu.memref_slice %arg6[%add3A_23] : memref<200704xf32, #tpu.memory_space<hbm>> -> memref<1568xf32, #tpu.memory_space<hbm>>
      tpu.enqueue_dma source(%arg12 : memref<1568xf32, #tpu.memory_space<vmem>>) target(%dma_start3A_24 : memref<1568xf32, #tpu.memory_space<hbm>>) target_semaphore(%run_scoped3A : memref<!tpu.dma_semaphore, #tpu.memory_space<semaphore_mem>>)
      %dma_wait3A = tpu.memref_slice %arg6[%add3A_23] : memref<200704xf32, #tpu.memory_space<hbm>> -> memref<1568xf32, #tpu.memory_space<hbm>>
      %dma_wait3A_25 = tpu.memref_slice %arg6[%add3A_23] : memref<200704xf32, #tpu.memory_space<hbm>> -> memref<1568xf32, #tpu.memory_space<hbm>>
      tpu.wait_dma2 semaphore(%run_scoped3A : memref<!tpu.dma_semaphore, #tpu.memory_space<semaphore_mem>>) src(%arg12 : memref<1568xf32, #tpu.memory_space<vmem>>) dst(%dma_wait3A_25 : memref<1568xf32, #tpu.memory_space<hbm>>)
      tpu.yield
    }) : () -> ()
    return
  }
}

module attributes {stable_mosaic.version = 14 : i64} {
  func.func @_feat_kernel(%arg0: i32, %arg1: memref<2048x512xf32, #tpu.memory_space<vmem>>, %arg2: memref<5x512x64xf32, #tpu.memory_space<vmem>>, %arg3: memref<2048x320xf32, #tpu.memory_space<vmem>>) attributes {dimension_semantics = [#tpu.dimension_semantics<arbitrary>], iteration_bounds = array<i64: 7>, scalar_prefetch = 0 : i64, scratch_operands = 0 : i64, tpu.core_type = #tpu.core_type<tc>, window_params = [{transform_indices = @transform_0, window_bounds = array<i64: 2048, 512>}, {transform_indices = @transform_1, window_bounds = array<i64: 5, 512, 64>}, {pipeline_mode = #tpu.pipeline_mode<synchronous>, transform_indices = @transform_2, window_bounds = array<i64: 2048, 320>}]} {
    %eq3A = arith.constant 0 : i32
    %eq3A_0 = arith.cmpi eq, %arg0, %eq3A : i32
    %convert_element_type3A = arith.extui %eq3A_0 : i1 to i32
    %cond3A = arith.constant 0 : i32
    %cond3A_1 = arith.cmpi ne, %convert_element_type3A, %cond3A : i32
    scf.if %cond3A_1 {
      %broadcast_in_dim3A = arith.constant 0.000000e+00 : f32
      %broadcast_in_dim3A_42 = vector.broadcast %broadcast_in_dim3A : f32 to vector<2048x320xf32>
      %swap3A_43 = arith.constant 0 : index
      %swap3A_44 = arith.constant 0 : index
      %swap3A_45 = vector.load %arg3[%swap3A_43, %swap3A_44] : memref<2048x320xf32, #tpu.memory_space<vmem>>, vector<2048x320xf32>
      tpu.vector_store %arg3[%swap3A_43, %swap3A_44], %broadcast_in_dim3A_42 {strides = array<i32>} : memref<2048x320xf32, #tpu.memory_space<vmem>>, vector<2048x320xf32>,
    } else {
    }
    %get3A = arith.constant 0 : index
    %get3A_2 = arith.constant 0 : index
    %get3A_3 = arith.constant 0 : index
    %get3A_4 = vector.load %arg2[%get3A, %get3A_2, %get3A_3] : memref<5x512x64xf32, #tpu.memory_space<vmem>>, vector<1x512x64xf32>
    %get3A_5 = vector.shape_cast %get3A_4 : vector<1x512x64xf32> to vector<512x64xf32>
    %get3A_6 = arith.constant 1 : index
    %get3A_7 = arith.constant 0 : index
    %get3A_8 = arith.constant 0 : index
    %get3A_9 = vector.load %arg2[%get3A_6, %get3A_7, %get3A_8] : memref<5x512x64xf32, #tpu.memory_space<vmem>>, vector<1x512x64xf32>
    %get3A_10 = vector.shape_cast %get3A_9 : vector<1x512x64xf32> to vector<512x64xf32>
    %get3A_11 = arith.constant 2 : index
    %get3A_12 = arith.constant 0 : index
    %get3A_13 = arith.constant 0 : index
    %get3A_14 = vector.load %arg2[%get3A_11, %get3A_12, %get3A_13] : memref<5x512x64xf32, #tpu.memory_space<vmem>>, vector<1x512x64xf32>
    %get3A_15 = vector.shape_cast %get3A_14 : vector<1x512x64xf32> to vector<512x64xf32>
    %get3A_16 = arith.constant 3 : index
    %get3A_17 = arith.constant 0 : index
    %get3A_18 = arith.constant 0 : index
    %get3A_19 = vector.load %arg2[%get3A_16, %get3A_17, %get3A_18] : memref<5x512x64xf32, #tpu.memory_space<vmem>>, vector<1x512x64xf32>
    %get3A_20 = vector.shape_cast %get3A_19 : vector<1x512x64xf32> to vector<512x64xf32>
    %get3A_21 = arith.constant 4 : index
    %get3A_22 = arith.constant 0 : index
    %get3A_23 = arith.constant 0 : index
    %get3A_24 = vector.load %arg2[%get3A_21, %get3A_22, %get3A_23] : memref<5x512x64xf32, #tpu.memory_space<vmem>>, vector<1x512x64xf32>
    %get3A_25 = vector.shape_cast %get3A_24 : vector<1x512x64xf32> to vector<512x64xf32>
    %concatenate3A = tpu.concatenate %get3A_5, %get3A_10, %get3A_15, %get3A_20, %get3A_25 in 1 : vector<512x64xf32>, vector<512x64xf32>, vector<512x64xf32>, vector<512x64xf32>, vector<512x64xf32> -> vector<512x320xf32>
    %get3A_26 = arith.constant 0 : index
    %get3A_27 = arith.constant 0 : index
    %get3A_28 = vector.load %arg3[%get3A_26, %get3A_27] : memref<2048x320xf32, #tpu.memory_space<vmem>>, vector<2048x320xf32>
    %get3A_29 = arith.constant 0 : index
    %get3A_30 = arith.constant 0 : index
    %get3A_31 = vector.load %arg1[%get3A_29, %get3A_30] : memref<2048x512xf32, #tpu.memory_space<vmem>>, vector<2048x512xf32>
    %convert_element_type3A_32 = arith.truncf %get3A_31 : vector<2048x512xf32> to vector<2048x512xbf16>
    %convert_element_type3A_33 = arith.truncf %concatenate3A : vector<512x320xf32> to vector<512x320xbf16>
    %dot_general3A = arith.constant dense<0.000000e+00> : vector<2048x320xf32>
    %dot_general3A_34 = tpu.matmul %convert_element_type3A_32, %convert_element_type3A_33, %dot_general3A {dimension_numbers = #tpu.dot_dimension_numbers<[1], [0], [0], [1], [0, 0, 1, 1], [], []>, transpose_lhs_hint = false} : vector<2048x512xbf16>, vector<512x320xbf16>, vector<2048x320xf32> -> vector<2048x320xf32>
    %add3A = arith.addf %get3A_28, %dot_general3A_34 : vector<2048x320xf32>
    %swap3A = arith.constant 0 : index
    %swap3A_35 = arith.constant 0 : index
    %swap3A_36 = vector.load %arg3[%swap3A, %swap3A_35] : memref<2048x320xf32, #tpu.memory_space<vmem>>, vector<2048x320xf32>
    tpu.vector_store %arg3[%swap3A, %swap3A_35], %add3A {strides = array<i32>} : memref<2048x320xf32, #tpu.memory_space<vmem>>, vector<2048x320xf32>,
    %eq3A_37 = arith.constant 6 : i32
    %eq3A_38 = arith.cmpi eq, %arg0, %eq3A_37 : i32
    %convert_element_type3A_39 = arith.extui %eq3A_38 : i1 to i32
    %cond3A_40 = arith.constant 0 : i32
    %cond3A_41 = arith.cmpi ne, %convert_element_type3A_39, %cond3A_40 : i32
    scf.if %cond3A_41 {
      %get3A_42 = arith.constant 0 : index
      %get3A_43 = arith.constant 64 : index
      %get3A_44 = vector.load %arg3[%get3A_42, %get3A_43] : memref<2048x320xf32, #tpu.memory_space<vmem>>, vector<2048x64xf32>
      %get3A_45 = arith.constant 0 : index
      %get3A_46 = arith.constant 0 : index
      %get3A_47 = vector.load %arg3[%get3A_45, %get3A_46] : memref<2048x320xf32, #tpu.memory_space<vmem>>, vector<2048x64xf32>
      %add3A_48 = arith.addf %get3A_44, %get3A_47 : vector<2048x64xf32>
      %swap3A_49 = arith.constant 0 : index
      %swap3A_50 = arith.constant 64 : index
      %swap3A_51 = vector.load %arg3[%swap3A_49, %swap3A_50] : memref<2048x320xf32, #tpu.memory_space<vmem>>, vector<2048x64xf32>
      tpu.vector_store %arg3[%swap3A_49, %swap3A_50], %add3A_48 {strides = array<i32>} : memref<2048x320xf32, #tpu.memory_space<vmem>>, vector<2048x64xf32>,
      %get3A_52 = arith.constant 0 : index
      %get3A_53 = arith.constant 128 : index
      %get3A_54 = vector.load %arg3[%get3A_52, %get3A_53] : memref<2048x320xf32, #tpu.memory_space<vmem>>, vector<2048x64xf32>
      %get3A_55 = arith.constant 0 : index
      %get3A_56 = arith.constant 64 : index
      %get3A_57 = vector.load %arg3[%get3A_55, %get3A_56] : memref<2048x320xf32, #tpu.memory_space<vmem>>, vector<2048x64xf32>
      %add3A_58 = arith.addf %get3A_54, %get3A_57 : vector<2048x64xf32>
      %swap3A_59 = arith.constant 0 : index
      %swap3A_60 = arith.constant 128 : index
      %swap3A_61 = vector.load %arg3[%swap3A_59, %swap3A_60] : memref<2048x320xf32, #tpu.memory_space<vmem>>, vector<2048x64xf32>
      tpu.vector_store %arg3[%swap3A_59, %swap3A_60], %add3A_58 {strides = array<i32>} : memref<2048x320xf32, #tpu.memory_space<vmem>>, vector<2048x64xf32>,
      %get3A_62 = arith.constant 0 : index
      %get3A_63 = arith.constant 192 : index
      %get3A_64 = vector.load %arg3[%get3A_62, %get3A_63] : memref<2048x320xf32, #tpu.memory_space<vmem>>, vector<2048x64xf32>
      %get3A_65 = arith.constant 0 : index
      %get3A_66 = arith.constant 128 : index
      %get3A_67 = vector.load %arg3[%get3A_65, %get3A_66] : memref<2048x320xf32, #tpu.memory_space<vmem>>, vector<2048x64xf32>
      %add3A_68 = arith.addf %get3A_64, %get3A_67 : vector<2048x64xf32>
      %swap3A_69 = arith.constant 0 : index
      %swap3A_70 = arith.constant 192 : index
      %swap3A_71 = vector.load %arg3[%swap3A_69, %swap3A_70] : memref<2048x320xf32, #tpu.memory_space<vmem>>, vector<2048x64xf32>
      tpu.vector_store %arg3[%swap3A_69, %swap3A_70], %add3A_68 {strides = array<i32>} : memref<2048x320xf32, #tpu.memory_space<vmem>>, vector<2048x64xf32>,
      %get3A_72 = arith.constant 0 : index
      %get3A_73 = arith.constant 256 : index
      %get3A_74 = vector.load %arg3[%get3A_72, %get3A_73] : memref<2048x320xf32, #tpu.memory_space<vmem>>, vector<2048x64xf32>
      %get3A_75 = arith.constant 0 : index
      %get3A_76 = arith.constant 192 : index
      %get3A_77 = vector.load %arg3[%get3A_75, %get3A_76] : memref<2048x320xf32, #tpu.memory_space<vmem>>, vector<2048x64xf32>
      %add3A_78 = arith.addf %get3A_74, %get3A_77 : vector<2048x64xf32>
      %swap3A_79 = arith.constant 0 : index
      %swap3A_80 = arith.constant 256 : index
      %swap3A_81 = vector.load %arg3[%swap3A_79, %swap3A_80] : memref<2048x320xf32, #tpu.memory_space<vmem>>, vector<2048x64xf32>
      tpu.vector_store %arg3[%swap3A_79, %swap3A_80], %add3A_78 {strides = array<i32>} : memref<2048x320xf32, #tpu.memory_space<vmem>>, vector<2048x64xf32>,
    } else {
    }
    return
  }
  func.func @transform_0(%arg0: i32) -> (i32, i32) {
    %c0_i32 = arith.constant 0 : i32
    %c0_i32_0 = arith.constant 0 : i32
    return %c0_i32, %arg0 : i32, i32
  }
  func.func @transform_1(%arg0: i32) -> (i32, i32, i32) {
    %c0_i32 = arith.constant 0 : i32
    %c0_i32_0 = arith.constant 0 : i32
    %c0_i32_1 = arith.constant 0 : i32
    return %c0_i32, %arg0, %c0_i32_0 : i32, i32, i32
  }
  func.func @transform_2(%arg0: i32) -> (i32, i32) {
    %c0_i32 = arith.constant 0 : i32
    %c0_i32_0 = arith.constant 0 : i32
    %c0_i32_1 = arith.constant 0 : i32
    return %c0_i32, %c0_i32_0 : i32, i32
  }
}

module attributes {stable_mosaic.version = 14 : i64} {
  func.func @_conv_kernel(%arg0: i32, %arg1: memref<5x256x2048xf32, #tpu.memory_space<vmem>>, %arg2: memref<2048x320xf32, #tpu.memory_space<vmem>>, %arg3: memref<256x64xf32, #tpu.memory_space<vmem>>, %arg4: memref<64x10xf32, #tpu.memory_space<vmem>>, %arg5: memref<1x10xf32, #tpu.memory_space<vmem>>, %arg6: memref<74x32xf32, #tpu.memory_space<vmem>>, %arg7: memref<32x64xf32, #tpu.memory_space<vmem>>, %arg8: memref<256x64xf32, #tpu.memory_space<vmem>>) attributes {dimension_semantics = [#tpu.dimension_semantics<arbitrary>], iteration_bounds = array<i64: 6>, scalar_prefetch = 0 : i64, scratch_operands = 0 : i64, tpu.core_type = #tpu.core_type<tc>, window_params = [{transform_indices = @transform_0, window_bounds = array<i64: 5, 256, 2048>}, {pipeline_mode = #tpu.pipeline_mode<synchronous>, transform_indices = @transform_1, window_bounds = array<i64: 2048, 320>}, {transform_indices = @transform_2, window_bounds = array<i64: 256, 64>}, {pipeline_mode = #tpu.pipeline_mode<synchronous>, transform_indices = @transform_3, window_bounds = array<i64: 64, 10>}, {pipeline_mode = #tpu.pipeline_mode<synchronous>, transform_indices = @transform_4, window_bounds = array<i64: 1, 10>}, {pipeline_mode = #tpu.pipeline_mode<synchronous>, transform_indices = @transform_5, window_bounds = array<i64: 74, 32>}, {pipeline_mode = #tpu.pipeline_mode<synchronous>, transform_indices = @transform_6, window_bounds = array<i64: 32, 64>}, {transform_indices = @transform_7, window_bounds = array<i64: 256, 64>}]} {
    %get3A = arith.constant 0 : index
    %get3A_0 = arith.constant 0 : index
    %get3A_1 = arith.constant 0 : index
    %get3A_2 = vector.load %arg1[%get3A, %get3A_0, %get3A_1] : memref<5x256x2048xf32, #tpu.memory_space<vmem>>, vector<1x256x2048xf32>
    %get3A_3 = vector.shape_cast %get3A_2 : vector<1x256x2048xf32> to vector<256x2048xf32>
    %convert_element_type3A = arith.truncf %get3A_3 : vector<256x2048xf32> to vector<256x2048xbf16>
    %get3A_4 = arith.constant 0 : index
    %get3A_5 = arith.constant 0 : index
    %get3A_6 = vector.load %arg2[%get3A_4, %get3A_5] : memref<2048x320xf32, #tpu.memory_space<vmem>>, vector<2048x64xf32>
    %convert_element_type3A_7 = arith.truncf %get3A_6 : vector<2048x64xf32> to vector<2048x64xbf16>
    %dot_general3A = arith.constant dense<0.000000e+00> : vector<256x64xf32>
    %dot_general3A_8 = tpu.matmul %convert_element_type3A, %convert_element_type3A_7, %dot_general3A {dimension_numbers = #tpu.dot_dimension_numbers<[1], [0], [0], [1], [0, 0, 1, 1], [], []>, transpose_lhs_hint = false} : vector<256x2048xbf16>, vector<2048x64xbf16>, vector<256x64xf32> -> vector<256x64xf32>
    %get3A_9 = arith.constant 1 : index
    %get3A_10 = arith.constant 0 : index
    %get3A_11 = arith.constant 0 : index
    %get3A_12 = vector.load %arg1[%get3A_9, %get3A_10, %get3A_11] : memref<5x256x2048xf32, #tpu.memory_space<vmem>>, vector<1x256x2048xf32>
    %get3A_13 = vector.shape_cast %get3A_12 : vector<1x256x2048xf32> to vector<256x2048xf32>
    %convert_element_type3A_14 = arith.truncf %get3A_13 : vector<256x2048xf32> to vector<256x2048xbf16>
    %get3A_15 = arith.constant 0 : index
    %get3A_16 = arith.constant 64 : index
    %get3A_17 = vector.load %arg2[%get3A_15, %get3A_16] : memref<2048x320xf32, #tpu.memory_space<vmem>>, vector<2048x64xf32>
    %convert_element_type3A_18 = arith.truncf %get3A_17 : vector<2048x64xf32> to vector<2048x64xbf16>
    %dot_general3A_19 = arith.constant dense<0.000000e+00> : vector<256x64xf32>
    %dot_general3A_20 = tpu.matmul %convert_element_type3A_14, %convert_element_type3A_18, %dot_general3A_19 {dimension_numbers = #tpu.dot_dimension_numbers<[1], [0], [0], [1], [0, 0, 1, 1], [], []>, transpose_lhs_hint = false} : vector<256x2048xbf16>, vector<2048x64xbf16>, vector<256x64xf32> -> vector<256x64xf32>
    %add3A = arith.addf %dot_general3A_8, %dot_general3A_20 : vector<256x64xf32>
    %get3A_21 = arith.constant 2 : index
    %get3A_22 = arith.constant 0 : index
    %get3A_23 = arith.constant 0 : index
    %get3A_24 = vector.load %arg1[%get3A_21, %get3A_22, %get3A_23] : memref<5x256x2048xf32, #tpu.memory_space<vmem>>, vector<1x256x2048xf32>
    %get3A_25 = vector.shape_cast %get3A_24 : vector<1x256x2048xf32> to vector<256x2048xf32>
    %convert_element_type3A_26 = arith.truncf %get3A_25 : vector<256x2048xf32> to vector<256x2048xbf16>
    %get3A_27 = arith.constant 0 : index
    %get3A_28 = arith.constant 128 : index
    %get3A_29 = vector.load %arg2[%get3A_27, %get3A_28] : memref<2048x320xf32, #tpu.memory_space<vmem>>, vector<2048x64xf32>
    %convert_element_type3A_30 = arith.truncf %get3A_29 : vector<2048x64xf32> to vector<2048x64xbf16>
    %dot_general3A_31 = arith.constant dense<0.000000e+00> : vector<256x64xf32>
    %dot_general3A_32 = tpu.matmul %convert_element_type3A_26, %convert_element_type3A_30, %dot_general3A_31 {dimension_numbers = #tpu.dot_dimension_numbers<[1], [0], [0], [1], [0, 0, 1, 1], [], []>, transpose_lhs_hint = false} : vector<256x2048xbf16>, vector<2048x64xbf16>, vector<256x64xf32> -> vector<256x64xf32>
    %add3A_33 = arith.addf %add3A, %dot_general3A_32 : vector<256x64xf32>
    %get3A_34 = arith.constant 3 : index
    %get3A_35 = arith.constant 0 : index
    %get3A_36 = arith.constant 0 : index
    %get3A_37 = vector.load %arg1[%get3A_34, %get3A_35, %get3A_36] : memref<5x256x2048xf32, #tpu.memory_space<vmem>>, vector<1x256x2048xf32>
    %get3A_38 = vector.shape_cast %get3A_37 : vector<1x256x2048xf32> to vector<256x2048xf32>
    %convert_element_type3A_39 = arith.truncf %get3A_38 : vector<256x2048xf32> to vector<256x2048xbf16>
    %get3A_40 = arith.constant 0 : index
    %get3A_41 = arith.constant 192 : index
    %get3A_42 = vector.load %arg2[%get3A_40, %get3A_41] : memref<2048x320xf32, #tpu.memory_space<vmem>>, vector<2048x64xf32>
    %convert_element_type3A_43 = arith.truncf %get3A_42 : vector<2048x64xf32> to vector<2048x64xbf16>
    %dot_general3A_44 = arith.constant dense<0.000000e+00> : vector<256x64xf32>
    %dot_general3A_45 = tpu.matmul %convert_element_type3A_39, %convert_element_type3A_43, %dot_general3A_44 {dimension_numbers = #tpu.dot_dimension_numbers<[1], [0], [0], [1], [0, 0, 1, 1], [], []>, transpose_lhs_hint = false} : vector<256x2048xbf16>, vector<2048x64xbf16>, vector<256x64xf32> -> vector<256x64xf32>
    %add3A_46 = arith.addf %add3A_33, %dot_general3A_45 : vector<256x64xf32>
    %get3A_47 = arith.constant 4 : index
    %get3A_48 = arith.constant 0 : index
    %get3A_49 = arith.constant 0 : index
    %get3A_50 = vector.load %arg1[%get3A_47, %get3A_48, %get3A_49] : memref<5x256x2048xf32, #tpu.memory_space<vmem>>, vector<1x256x2048xf32>
    %get3A_51 = vector.shape_cast %get3A_50 : vector<1x256x2048xf32> to vector<256x2048xf32>
    %convert_element_type3A_52 = arith.truncf %get3A_51 : vector<256x2048xf32> to vector<256x2048xbf16>
    %get3A_53 = arith.constant 0 : index
    %get3A_54 = arith.constant 256 : index
    %get3A_55 = vector.load %arg2[%get3A_53, %get3A_54] : memref<2048x320xf32, #tpu.memory_space<vmem>>, vector<2048x64xf32>
    %convert_element_type3A_56 = arith.truncf %get3A_55 : vector<2048x64xf32> to vector<2048x64xbf16>
    %dot_general3A_57 = arith.constant dense<0.000000e+00> : vector<256x64xf32>
    %dot_general3A_58 = tpu.matmul %convert_element_type3A_52, %convert_element_type3A_56, %dot_general3A_57 {dimension_numbers = #tpu.dot_dimension_numbers<[1], [0], [0], [1], [0, 0, 1, 1], [], []>, transpose_lhs_hint = false} : vector<256x2048xbf16>, vector<2048x64xbf16>, vector<256x64xf32> -> vector<256x64xf32>
    %add3A_59 = arith.addf %add3A_46, %dot_general3A_58 : vector<256x64xf32>
    %max3A = arith.constant 0.000000e+00 : f32
    %max3A_60 = vector.broadcast %max3A : f32 to vector<256x64xf32>
    %max3A_61 = arith.maximumf %add3A_59, %max3A_60 : vector<256x64xf32>
    %get3A_62 = arith.constant 0 : index
    %get3A_63 = arith.constant 0 : index
    %get3A_64 = vector.load %arg3[%get3A_62, %get3A_63] : memref<256x64xf32, #tpu.memory_space<vmem>>, vector<256x64xf32>
    %get3A_65 = arith.constant 0 : index
    %get3A_66 = arith.constant 0 : index
    %get3A_67 = vector.load %arg4[%get3A_65, %get3A_66] : memref<64x10xf32, #tpu.memory_space<vmem>>, vector<64x10xf32>
    %dot_general3A_68 = arith.constant dense<0.000000e+00> : vector<256x10xf32>
    %dot_general3A_69 = tpu.matmul %get3A_64, %get3A_67, %dot_general3A_68 {dimension_numbers = #tpu.dot_dimension_numbers<[1], [0], [0], [1], [0, 0, 1, 1], [], []>, transpose_lhs_hint = false} : vector<256x64xf32>, vector<64x10xf32>, vector<256x10xf32> -> vector<256x10xf32>
    %get3A_70 = arith.constant 0 : index
    %get3A_71 = arith.constant 0 : index
    %get3A_72 = vector.load %arg5[%get3A_70, %get3A_71] : memref<1x10xf32, #tpu.memory_space<vmem>>, vector<1x10xf32>
    %add3A_73 = vector.broadcast %get3A_72 : vector<1x10xf32> to vector<256x10xf32>
    %add3A_74 = arith.addf %dot_general3A_69, %add3A_73 : vector<256x10xf32>
    %max3A_75 = arith.constant 0.000000e+00 : f32
    %max3A_76 = vector.broadcast %max3A_75 : f32 to vector<256x10xf32>
    %max3A_77 = arith.maximumf %add3A_74, %max3A_76 : vector<256x10xf32>
    %get3A_78 = arith.constant 0 : index
    %get3A_79 = arith.constant 0 : index
    %get3A_80 = vector.load %arg6[%get3A_78, %get3A_79] : memref<74x32xf32, #tpu.memory_space<vmem>>, vector<64x32xf32>
    %dot_general3A_81 = arith.constant dense<0.000000e+00> : vector<256x32xf32>
    %dot_general3A_82 = tpu.matmul %max3A_61, %get3A_80, %dot_general3A_81 {dimension_numbers = #tpu.dot_dimension_numbers<[1], [0], [0], [1], [0, 0, 1, 1], [], []>, transpose_lhs_hint = false} : vector<256x64xf32>, vector<64x32xf32>, vector<256x32xf32> -> vector<256x32xf32>
    %get3A_83 = arith.constant 64 : index
    %get3A_84 = arith.constant 0 : index
    %get3A_85 = vector.load %arg6[%get3A_83, %get3A_84] : memref<74x32xf32, #tpu.memory_space<vmem>>, vector<10x32xf32>
    %dot_general3A_86 = arith.constant dense<0.000000e+00> : vector<256x32xf32>
    %dot_general3A_87 = tpu.matmul %max3A_77, %get3A_85, %dot_general3A_86 {dimension_numbers = #tpu.dot_dimension_numbers<[1], [0], [0], [1], [0, 0, 1, 1], [], []>, transpose_lhs_hint = false} : vector<256x10xf32>, vector<10x32xf32>, vector<256x32xf32> -> vector<256x32xf32>
    %add3A_88 = arith.addf %dot_general3A_82, %dot_general3A_87 : vector<256x32xf32>
    %get3A_89 = arith.constant 0 : index
    %get3A_90 = arith.constant 0 : index
    %get3A_91 = vector.load %arg7[%get3A_89, %get3A_90] : memref<32x64xf32, #tpu.memory_space<vmem>>, vector<32x64xf32>
    %dot_general3A_92 = arith.constant dense<0.000000e+00> : vector<256x64xf32>
    %dot_general3A_93 = tpu.matmul %add3A_88, %get3A_91, %dot_general3A_92 {dimension_numbers = #tpu.dot_dimension_numbers<[1], [0], [0], [1], [0, 0, 1, 1], [], []>, transpose_lhs_hint = false} : vector<256x32xf32>, vector<32x64xf32>, vector<256x64xf32> -> vector<256x64xf32>
    %swap3A = arith.constant 0 : index
    %swap3A_94 = arith.constant 0 : index
    %swap3A_95 = vector.load %arg8[%swap3A, %swap3A_94] : memref<256x64xf32, #tpu.memory_space<vmem>>, vector<256x64xf32>
    tpu.vector_store %arg8[%swap3A, %swap3A_94], %dot_general3A_93 {strides = array<i32>} : memref<256x64xf32, #tpu.memory_space<vmem>>, vector<256x64xf32>,
    return
  }
  func.func @transform_0(%arg0: i32) -> (i32, i32, i32) {
    %c0_i32 = arith.constant 0 : i32
    %c0_i32_0 = arith.constant 0 : i32
    %c0_i32_1 = arith.constant 0 : i32
    return %c0_i32, %arg0, %c0_i32_0 : i32, i32, i32
  }
  func.func @transform_1(%arg0: i32) -> (i32, i32) {
    %c0_i32 = arith.constant 0 : i32
    %c0_i32_0 = arith.constant 0 : i32
    %c0_i32_1 = arith.constant 0 : i32
    return %c0_i32, %c0_i32_0 : i32, i32
  }
  func.func @transform_2(%arg0: i32) -> (i32, i32) {
    %c0_i32 = arith.constant 0 : i32
    %c0_i32_0 = arith.constant 0 : i32
    return %arg0, %c0_i32 : i32, i32
  }
  func.func @transform_3(%arg0: i32) -> (i32, i32) {
    %c0_i32 = arith.constant 0 : i32
    %c0_i32_0 = arith.constant 0 : i32
    %c0_i32_1 = arith.constant 0 : i32
    return %c0_i32, %c0_i32_0 : i32, i32
  }
  func.func @transform_4(%arg0: i32) -> (i32, i32) {
    %c0_i32 = arith.constant 0 : i32
    %c0_i32_0 = arith.constant 0 : i32
    %c0_i32_1 = arith.constant 0 : i32
    return %c0_i32, %c0_i32_0 : i32, i32
  }
  func.func @transform_5(%arg0: i32) -> (i32, i32) {
    %c0_i32 = arith.constant 0 : i32
    %c0_i32_0 = arith.constant 0 : i32
    %c0_i32_1 = arith.constant 0 : i32
    return %c0_i32, %c0_i32_0 : i32, i32
  }
  func.func @transform_6(%arg0: i32) -> (i32, i32) {
    %c0_i32 = arith.constant 0 : i32
    %c0_i32_0 = arith.constant 0 : i32
    %c0_i32_1 = arith.constant 0 : i32
    return %c0_i32, %c0_i32_0 : i32, i32
  }
  func.func @transform_7(%arg0: i32) -> (i32, i32) {
    %c0_i32 = arith.constant 0 : i32
    %c0_i32_0 = arith.constant 0 : i32
    return %arg0, %c0_i32 : i32, i32
  }
}

module attributes {stable_mosaic.version = 14 : i64} {
  func.func @_feat_kernel(%arg0: i32, %arg1: memref<1536x512xf32, #tpu.memory_space<vmem>>, %arg2: memref<5x512x64xf32, #tpu.memory_space<vmem>>, %arg3: memref<1536x320xf32, #tpu.memory_space<vmem>>) attributes {dimension_semantics = [#tpu.dimension_semantics<arbitrary>], iteration_bounds = array<i64: 7>, scalar_prefetch = 0 : i64, scratch_operands = 0 : i64, tpu.core_type = #tpu.core_type<tc>, window_params = [{transform_indices = @transform_0, window_bounds = array<i64: 1536, 512>}, {transform_indices = @transform_1, window_bounds = array<i64: 5, 512, 64>}, {pipeline_mode = #tpu.pipeline_mode<synchronous>, transform_indices = @transform_2, window_bounds = array<i64: 1536, 320>}]} {
    %eq3A = arith.constant 0 : i32
    %eq3A_0 = arith.cmpi eq, %arg0, %eq3A : i32
    %convert_element_type3A = arith.extui %eq3A_0 : i1 to i32
    %cond3A = arith.constant 0 : i32
    %cond3A_1 = arith.cmpi ne, %convert_element_type3A, %cond3A : i32
    scf.if %cond3A_1 {
      %broadcast_in_dim3A = arith.constant 0.000000e+00 : f32
      %broadcast_in_dim3A_42 = vector.broadcast %broadcast_in_dim3A : f32 to vector<1536x320xf32>
      %swap3A_43 = arith.constant 0 : index
      %swap3A_44 = arith.constant 0 : index
      %swap3A_45 = vector.load %arg3[%swap3A_43, %swap3A_44] : memref<1536x320xf32, #tpu.memory_space<vmem>>, vector<1536x320xf32>
      tpu.vector_store %arg3[%swap3A_43, %swap3A_44], %broadcast_in_dim3A_42 {strides = array<i32>} : memref<1536x320xf32, #tpu.memory_space<vmem>>, vector<1536x320xf32>,
    } else {
    }
    %get3A = arith.constant 0 : index
    %get3A_2 = arith.constant 0 : index
    %get3A_3 = arith.constant 0 : index
    %get3A_4 = vector.load %arg2[%get3A, %get3A_2, %get3A_3] : memref<5x512x64xf32, #tpu.memory_space<vmem>>, vector<1x512x64xf32>
    %get3A_5 = vector.shape_cast %get3A_4 : vector<1x512x64xf32> to vector<512x64xf32>
    %get3A_6 = arith.constant 1 : index
    %get3A_7 = arith.constant 0 : index
    %get3A_8 = arith.constant 0 : index
    %get3A_9 = vector.load %arg2[%get3A_6, %get3A_7, %get3A_8] : memref<5x512x64xf32, #tpu.memory_space<vmem>>, vector<1x512x64xf32>
    %get3A_10 = vector.shape_cast %get3A_9 : vector<1x512x64xf32> to vector<512x64xf32>
    %get3A_11 = arith.constant 2 : index
    %get3A_12 = arith.constant 0 : index
    %get3A_13 = arith.constant 0 : index
    %get3A_14 = vector.load %arg2[%get3A_11, %get3A_12, %get3A_13] : memref<5x512x64xf32, #tpu.memory_space<vmem>>, vector<1x512x64xf32>
    %get3A_15 = vector.shape_cast %get3A_14 : vector<1x512x64xf32> to vector<512x64xf32>
    %get3A_16 = arith.constant 3 : index
    %get3A_17 = arith.constant 0 : index
    %get3A_18 = arith.constant 0 : index
    %get3A_19 = vector.load %arg2[%get3A_16, %get3A_17, %get3A_18] : memref<5x512x64xf32, #tpu.memory_space<vmem>>, vector<1x512x64xf32>
    %get3A_20 = vector.shape_cast %get3A_19 : vector<1x512x64xf32> to vector<512x64xf32>
    %get3A_21 = arith.constant 4 : index
    %get3A_22 = arith.constant 0 : index
    %get3A_23 = arith.constant 0 : index
    %get3A_24 = vector.load %arg2[%get3A_21, %get3A_22, %get3A_23] : memref<5x512x64xf32, #tpu.memory_space<vmem>>, vector<1x512x64xf32>
    %get3A_25 = vector.shape_cast %get3A_24 : vector<1x512x64xf32> to vector<512x64xf32>
    %concatenate3A = tpu.concatenate %get3A_5, %get3A_10, %get3A_15, %get3A_20, %get3A_25 in 1 : vector<512x64xf32>, vector<512x64xf32>, vector<512x64xf32>, vector<512x64xf32>, vector<512x64xf32> -> vector<512x320xf32>
    %get3A_26 = arith.constant 0 : index
    %get3A_27 = arith.constant 0 : index
    %get3A_28 = vector.load %arg3[%get3A_26, %get3A_27] : memref<1536x320xf32, #tpu.memory_space<vmem>>, vector<1536x320xf32>
    %get3A_29 = arith.constant 0 : index
    %get3A_30 = arith.constant 0 : index
    %get3A_31 = vector.load %arg1[%get3A_29, %get3A_30] : memref<1536x512xf32, #tpu.memory_space<vmem>>, vector<1536x512xf32>
    %convert_element_type3A_32 = arith.truncf %get3A_31 : vector<1536x512xf32> to vector<1536x512xbf16>
    %convert_element_type3A_33 = arith.truncf %concatenate3A : vector<512x320xf32> to vector<512x320xbf16>
    %dot_general3A = arith.constant dense<0.000000e+00> : vector<1536x320xf32>
    %dot_general3A_34 = tpu.matmul %convert_element_type3A_32, %convert_element_type3A_33, %dot_general3A {dimension_numbers = #tpu.dot_dimension_numbers<[1], [0], [0], [1], [0, 0, 1, 1], [], []>, transpose_lhs_hint = false} : vector<1536x512xbf16>, vector<512x320xbf16>, vector<1536x320xf32> -> vector<1536x320xf32>
    %add3A = arith.addf %get3A_28, %dot_general3A_34 : vector<1536x320xf32>
    %swap3A = arith.constant 0 : index
    %swap3A_35 = arith.constant 0 : index
    %swap3A_36 = vector.load %arg3[%swap3A, %swap3A_35] : memref<1536x320xf32, #tpu.memory_space<vmem>>, vector<1536x320xf32>
    tpu.vector_store %arg3[%swap3A, %swap3A_35], %add3A {strides = array<i32>} : memref<1536x320xf32, #tpu.memory_space<vmem>>, vector<1536x320xf32>,
    %eq3A_37 = arith.constant 6 : i32
    %eq3A_38 = arith.cmpi eq, %arg0, %eq3A_37 : i32
    %convert_element_type3A_39 = arith.extui %eq3A_38 : i1 to i32
    %cond3A_40 = arith.constant 0 : i32
    %cond3A_41 = arith.cmpi ne, %convert_element_type3A_39, %cond3A_40 : i32
    scf.if %cond3A_41 {
      %get3A_42 = arith.constant 0 : index
      %get3A_43 = arith.constant 64 : index
      %get3A_44 = vector.load %arg3[%get3A_42, %get3A_43] : memref<1536x320xf32, #tpu.memory_space<vmem>>, vector<1536x64xf32>
      %get3A_45 = arith.constant 0 : index
      %get3A_46 = arith.constant 0 : index
      %get3A_47 = vector.load %arg3[%get3A_45, %get3A_46] : memref<1536x320xf32, #tpu.memory_space<vmem>>, vector<1536x64xf32>
      %add3A_48 = arith.addf %get3A_44, %get3A_47 : vector<1536x64xf32>
      %swap3A_49 = arith.constant 0 : index
      %swap3A_50 = arith.constant 64 : index
      %swap3A_51 = vector.load %arg3[%swap3A_49, %swap3A_50] : memref<1536x320xf32, #tpu.memory_space<vmem>>, vector<1536x64xf32>
      tpu.vector_store %arg3[%swap3A_49, %swap3A_50], %add3A_48 {strides = array<i32>} : memref<1536x320xf32, #tpu.memory_space<vmem>>, vector<1536x64xf32>,
      %get3A_52 = arith.constant 0 : index
      %get3A_53 = arith.constant 128 : index
      %get3A_54 = vector.load %arg3[%get3A_52, %get3A_53] : memref<1536x320xf32, #tpu.memory_space<vmem>>, vector<1536x64xf32>
      %get3A_55 = arith.constant 0 : index
      %get3A_56 = arith.constant 64 : index
      %get3A_57 = vector.load %arg3[%get3A_55, %get3A_56] : memref<1536x320xf32, #tpu.memory_space<vmem>>, vector<1536x64xf32>
      %add3A_58 = arith.addf %get3A_54, %get3A_57 : vector<1536x64xf32>
      %swap3A_59 = arith.constant 0 : index
      %swap3A_60 = arith.constant 128 : index
      %swap3A_61 = vector.load %arg3[%swap3A_59, %swap3A_60] : memref<1536x320xf32, #tpu.memory_space<vmem>>, vector<1536x64xf32>
      tpu.vector_store %arg3[%swap3A_59, %swap3A_60], %add3A_58 {strides = array<i32>} : memref<1536x320xf32, #tpu.memory_space<vmem>>, vector<1536x64xf32>,
      %get3A_62 = arith.constant 0 : index
      %get3A_63 = arith.constant 192 : index
      %get3A_64 = vector.load %arg3[%get3A_62, %get3A_63] : memref<1536x320xf32, #tpu.memory_space<vmem>>, vector<1536x64xf32>
      %get3A_65 = arith.constant 0 : index
      %get3A_66 = arith.constant 128 : index
      %get3A_67 = vector.load %arg3[%get3A_65, %get3A_66] : memref<1536x320xf32, #tpu.memory_space<vmem>>, vector<1536x64xf32>
      %add3A_68 = arith.addf %get3A_64, %get3A_67 : vector<1536x64xf32>
      %swap3A_69 = arith.constant 0 : index
      %swap3A_70 = arith.constant 192 : index
      %swap3A_71 = vector.load %arg3[%swap3A_69, %swap3A_70] : memref<1536x320xf32, #tpu.memory_space<vmem>>, vector<1536x64xf32>
      tpu.vector_store %arg3[%swap3A_69, %swap3A_70], %add3A_68 {strides = array<i32>} : memref<1536x320xf32, #tpu.memory_space<vmem>>, vector<1536x64xf32>,
      %get3A_72 = arith.constant 0 : index
      %get3A_73 = arith.constant 256 : index
      %get3A_74 = vector.load %arg3[%get3A_72, %get3A_73] : memref<1536x320xf32, #tpu.memory_space<vmem>>, vector<1536x64xf32>
      %get3A_75 = arith.constant 0 : index
      %get3A_76 = arith.constant 192 : index
      %get3A_77 = vector.load %arg3[%get3A_75, %get3A_76] : memref<1536x320xf32, #tpu.memory_space<vmem>>, vector<1536x64xf32>
      %add3A_78 = arith.addf %get3A_74, %get3A_77 : vector<1536x64xf32>
      %swap3A_79 = arith.constant 0 : index
      %swap3A_80 = arith.constant 256 : index
      %swap3A_81 = vector.load %arg3[%swap3A_79, %swap3A_80] : memref<1536x320xf32, #tpu.memory_space<vmem>>, vector<1536x64xf32>
      tpu.vector_store %arg3[%swap3A_79, %swap3A_80], %add3A_78 {strides = array<i32>} : memref<1536x320xf32, #tpu.memory_space<vmem>>, vector<1536x64xf32>,
    } else {
    }
    return
  }
  func.func @transform_0(%arg0: i32) -> (i32, i32) {
    %c0_i32 = arith.constant 0 : i32
    %c0_i32_0 = arith.constant 0 : i32
    return %c0_i32, %arg0 : i32, i32
  }
  func.func @transform_1(%arg0: i32) -> (i32, i32, i32) {
    %c0_i32 = arith.constant 0 : i32
    %c0_i32_0 = arith.constant 0 : i32
    %c0_i32_1 = arith.constant 0 : i32
    return %c0_i32, %arg0, %c0_i32_0 : i32, i32, i32
  }
  func.func @transform_2(%arg0: i32) -> (i32, i32) {
    %c0_i32 = arith.constant 0 : i32
    %c0_i32_0 = arith.constant 0 : i32
    %c0_i32_1 = arith.constant 0 : i32
    return %c0_i32, %c0_i32_0 : i32, i32
  }
}

module attributes {stable_mosaic.version = 14 : i64} {
  func.func @_conv_kernel(%arg0: i32, %arg1: memref<5x256x1536xf32, #tpu.memory_space<vmem>>, %arg2: memref<1536x320xf32, #tpu.memory_space<vmem>>, %arg3: memref<256x64xf32, #tpu.memory_space<vmem>>, %arg4: memref<64x10xf32, #tpu.memory_space<vmem>>, %arg5: memref<1x10xf32, #tpu.memory_space<vmem>>, %arg6: memref<74x32xf32, #tpu.memory_space<vmem>>, %arg7: memref<32x64xf32, #tpu.memory_space<vmem>>, %arg8: memref<256x32xf32, #tpu.memory_space<vmem>>) attributes {dimension_semantics = [#tpu.dimension_semantics<arbitrary>], iteration_bounds = array<i64: 8>, scalar_prefetch = 0 : i64, scratch_operands = 0 : i64, tpu.core_type = #tpu.core_type<tc>, window_params = [{transform_indices = @transform_0, window_bounds = array<i64: 5, 256, 1536>}, {pipeline_mode = #tpu.pipeline_mode<synchronous>, transform_indices = @transform_1, window_bounds = array<i64: 1536, 320>}, {transform_indices = @transform_2, window_bounds = array<i64: 256, 64>}, {pipeline_mode = #tpu.pipeline_mode<synchronous>, transform_indices = @transform_3, window_bounds = array<i64: 64, 10>}, {pipeline_mode = #tpu.pipeline_mode<synchronous>, transform_indices = @transform_4, window_bounds = array<i64: 1, 10>}, {pipeline_mode = #tpu.pipeline_mode<synchronous>, transform_indices = @transform_5, window_bounds = array<i64: 74, 32>}, {pipeline_mode = #tpu.pipeline_mode<synchronous>, transform_indices = @transform_6, window_bounds = array<i64: 32, 64>}, {transform_indices = @transform_7, window_bounds = array<i64: 256, 32>}]} {
    %get3A = arith.constant 0 : index
    %get3A_0 = arith.constant 0 : index
    %get3A_1 = arith.constant 0 : index
    %get3A_2 = vector.load %arg1[%get3A, %get3A_0, %get3A_1] : memref<5x256x1536xf32, #tpu.memory_space<vmem>>, vector<1x256x1536xf32>
    %get3A_3 = vector.shape_cast %get3A_2 : vector<1x256x1536xf32> to vector<256x1536xf32>
    %convert_element_type3A = arith.truncf %get3A_3 : vector<256x1536xf32> to vector<256x1536xbf16>
    %get3A_4 = arith.constant 0 : index
    %get3A_5 = arith.constant 0 : index
    %get3A_6 = vector.load %arg2[%get3A_4, %get3A_5] : memref<1536x320xf32, #tpu.memory_space<vmem>>, vector<1536x64xf32>
    %convert_element_type3A_7 = arith.truncf %get3A_6 : vector<1536x64xf32> to vector<1536x64xbf16>
    %dot_general3A = arith.constant dense<0.000000e+00> : vector<256x64xf32>
    %dot_general3A_8 = tpu.matmul %convert_element_type3A, %convert_element_type3A_7, %dot_general3A {dimension_numbers = #tpu.dot_dimension_numbers<[1], [0], [0], [1], [0, 0, 1, 1], [], []>, transpose_lhs_hint = false} : vector<256x1536xbf16>, vector<1536x64xbf16>, vector<256x64xf32> -> vector<256x64xf32>
    %get3A_9 = arith.constant 1 : index
    %get3A_10 = arith.constant 0 : index
    %get3A_11 = arith.constant 0 : index
    %get3A_12 = vector.load %arg1[%get3A_9, %get3A_10, %get3A_11] : memref<5x256x1536xf32, #tpu.memory_space<vmem>>, vector<1x256x1536xf32>
    %get3A_13 = vector.shape_cast %get3A_12 : vector<1x256x1536xf32> to vector<256x1536xf32>
    %convert_element_type3A_14 = arith.truncf %get3A_13 : vector<256x1536xf32> to vector<256x1536xbf16>
    %get3A_15 = arith.constant 0 : index
    %get3A_16 = arith.constant 64 : index
    %get3A_17 = vector.load %arg2[%get3A_15, %get3A_16] : memref<1536x320xf32, #tpu.memory_space<vmem>>, vector<1536x64xf32>
    %convert_element_type3A_18 = arith.truncf %get3A_17 : vector<1536x64xf32> to vector<1536x64xbf16>
    %dot_general3A_19 = arith.constant dense<0.000000e+00> : vector<256x64xf32>
    %dot_general3A_20 = tpu.matmul %convert_element_type3A_14, %convert_element_type3A_18, %dot_general3A_19 {dimension_numbers = #tpu.dot_dimension_numbers<[1], [0], [0], [1], [0, 0, 1, 1], [], []>, transpose_lhs_hint = false} : vector<256x1536xbf16>, vector<1536x64xbf16>, vector<256x64xf32> -> vector<256x64xf32>
    %add3A = arith.addf %dot_general3A_8, %dot_general3A_20 : vector<256x64xf32>
    %get3A_21 = arith.constant 2 : index
    %get3A_22 = arith.constant 0 : index
    %get3A_23 = arith.constant 0 : index
    %get3A_24 = vector.load %arg1[%get3A_21, %get3A_22, %get3A_23] : memref<5x256x1536xf32, #tpu.memory_space<vmem>>, vector<1x256x1536xf32>
    %get3A_25 = vector.shape_cast %get3A_24 : vector<1x256x1536xf32> to vector<256x1536xf32>
    %convert_element_type3A_26 = arith.truncf %get3A_25 : vector<256x1536xf32> to vector<256x1536xbf16>
    %get3A_27 = arith.constant 0 : index
    %get3A_28 = arith.constant 128 : index
    %get3A_29 = vector.load %arg2[%get3A_27, %get3A_28] : memref<1536x320xf32, #tpu.memory_space<vmem>>, vector<1536x64xf32>
    %convert_element_type3A_30 = arith.truncf %get3A_29 : vector<1536x64xf32> to vector<1536x64xbf16>
    %dot_general3A_31 = arith.constant dense<0.000000e+00> : vector<256x64xf32>
    %dot_general3A_32 = tpu.matmul %convert_element_type3A_26, %convert_element_type3A_30, %dot_general3A_31 {dimension_numbers = #tpu.dot_dimension_numbers<[1], [0], [0], [1], [0, 0, 1, 1], [], []>, transpose_lhs_hint = false} : vector<256x1536xbf16>, vector<1536x64xbf16>, vector<256x64xf32> -> vector<256x64xf32>
    %add3A_33 = arith.addf %add3A, %dot_general3A_32 : vector<256x64xf32>
    %get3A_34 = arith.constant 3 : index
    %get3A_35 = arith.constant 0 : index
    %get3A_36 = arith.constant 0 : index
    %get3A_37 = vector.load %arg1[%get3A_34, %get3A_35, %get3A_36] : memref<5x256x1536xf32, #tpu.memory_space<vmem>>, vector<1x256x1536xf32>
    %get3A_38 = vector.shape_cast %get3A_37 : vector<1x256x1536xf32> to vector<256x1536xf32>
    %convert_element_type3A_39 = arith.truncf %get3A_38 : vector<256x1536xf32> to vector<256x1536xbf16>
    %get3A_40 = arith.constant 0 : index
    %get3A_41 = arith.constant 192 : index
    %get3A_42 = vector.load %arg2[%get3A_40, %get3A_41] : memref<1536x320xf32, #tpu.memory_space<vmem>>, vector<1536x64xf32>
    %convert_element_type3A_43 = arith.truncf %get3A_42 : vector<1536x64xf32> to vector<1536x64xbf16>
    %dot_general3A_44 = arith.constant dense<0.000000e+00> : vector<256x64xf32>
    %dot_general3A_45 = tpu.matmul %convert_element_type3A_39, %convert_element_type3A_43, %dot_general3A_44 {dimension_numbers = #tpu.dot_dimension_numbers<[1], [0], [0], [1], [0, 0, 1, 1], [], []>, transpose_lhs_hint = false} : vector<256x1536xbf16>, vector<1536x64xbf16>, vector<256x64xf32> -> vector<256x64xf32>
    %add3A_46 = arith.addf %add3A_33, %dot_general3A_45 : vector<256x64xf32>
    %get3A_47 = arith.constant 4 : index
    %get3A_48 = arith.constant 0 : index
    %get3A_49 = arith.constant 0 : index
    %get3A_50 = vector.load %arg1[%get3A_47, %get3A_48, %get3A_49] : memref<5x256x1536xf32, #tpu.memory_space<vmem>>, vector<1x256x1536xf32>
    %get3A_51 = vector.shape_cast %get3A_50 : vector<1x256x1536xf32> to vector<256x1536xf32>
    %convert_element_type3A_52 = arith.truncf %get3A_51 : vector<256x1536xf32> to vector<256x1536xbf16>
    %get3A_53 = arith.constant 0 : index
    %get3A_54 = arith.constant 256 : index
    %get3A_55 = vector.load %arg2[%get3A_53, %get3A_54] : memref<1536x320xf32, #tpu.memory_space<vmem>>, vector<1536x64xf32>
    %convert_element_type3A_56 = arith.truncf %get3A_55 : vector<1536x64xf32> to vector<1536x64xbf16>
    %dot_general3A_57 = arith.constant dense<0.000000e+00> : vector<256x64xf32>
    %dot_general3A_58 = tpu.matmul %convert_element_type3A_52, %convert_element_type3A_56, %dot_general3A_57 {dimension_numbers = #tpu.dot_dimension_numbers<[1], [0], [0], [1], [0, 0, 1, 1], [], []>, transpose_lhs_hint = false} : vector<256x1536xbf16>, vector<1536x64xbf16>, vector<256x64xf32> -> vector<256x64xf32>
    %add3A_59 = arith.addf %add3A_46, %dot_general3A_58 : vector<256x64xf32>
    %max3A = arith.constant 0.000000e+00 : f32
    %max3A_60 = vector.broadcast %max3A : f32 to vector<256x64xf32>
    %max3A_61 = arith.maximumf %add3A_59, %max3A_60 : vector<256x64xf32>
    %get3A_62 = arith.constant 0 : index
    %get3A_63 = arith.constant 0 : index
    %get3A_64 = vector.load %arg3[%get3A_62, %get3A_63] : memref<256x64xf32, #tpu.memory_space<vmem>>, vector<256x64xf32>
    %get3A_65 = arith.constant 0 : index
    %get3A_66 = arith.constant 0 : index
    %get3A_67 = vector.load %arg4[%get3A_65, %get3A_66] : memref<64x10xf32, #tpu.memory_space<vmem>>, vector<64x10xf32>
    %dot_general3A_68 = arith.constant dense<0.000000e+00> : vector<256x10xf32>
    %dot_general3A_69 = tpu.matmul %get3A_64, %get3A_67, %dot_general3A_68 {dimension_numbers = #tpu.dot_dimension_numbers<[1], [0], [0], [1], [0, 0, 1, 1], [], []>, transpose_lhs_hint = false} : vector<256x64xf32>, vector<64x10xf32>, vector<256x10xf32> -> vector<256x10xf32>
    %get3A_70 = arith.constant 0 : index
    %get3A_71 = arith.constant 0 : index
    %get3A_72 = vector.load %arg5[%get3A_70, %get3A_71] : memref<1x10xf32, #tpu.memory_space<vmem>>, vector<1x10xf32>
    %add3A_73 = vector.broadcast %get3A_72 : vector<1x10xf32> to vector<256x10xf32>
    %add3A_74 = arith.addf %dot_general3A_69, %add3A_73 : vector<256x10xf32>
    %max3A_75 = arith.constant 0.000000e+00 : f32
    %max3A_76 = vector.broadcast %max3A_75 : f32 to vector<256x10xf32>
    %max3A_77 = arith.maximumf %add3A_74, %max3A_76 : vector<256x10xf32>
    %get3A_78 = arith.constant 0 : index
    %get3A_79 = arith.constant 0 : index
    %get3A_80 = vector.load %arg6[%get3A_78, %get3A_79] : memref<74x32xf32, #tpu.memory_space<vmem>>, vector<64x32xf32>
    %dot_general3A_81 = arith.constant dense<0.000000e+00> : vector<256x32xf32>
    %dot_general3A_82 = tpu.matmul %max3A_61, %get3A_80, %dot_general3A_81 {dimension_numbers = #tpu.dot_dimension_numbers<[1], [0], [0], [1], [0, 0, 1, 1], [], []>, transpose_lhs_hint = false} : vector<256x64xf32>, vector<64x32xf32>, vector<256x32xf32> -> vector<256x32xf32>
    %get3A_83 = arith.constant 64 : index
    %get3A_84 = arith.constant 0 : index
    %get3A_85 = vector.load %arg6[%get3A_83, %get3A_84] : memref<74x32xf32, #tpu.memory_space<vmem>>, vector<10x32xf32>
    %dot_general3A_86 = arith.constant dense<0.000000e+00> : vector<256x32xf32>
    %dot_general3A_87 = tpu.matmul %max3A_77, %get3A_85, %dot_general3A_86 {dimension_numbers = #tpu.dot_dimension_numbers<[1], [0], [0], [1], [0, 0, 1, 1], [], []>, transpose_lhs_hint = false} : vector<256x10xf32>, vector<10x32xf32>, vector<256x32xf32> -> vector<256x32xf32>
    %add3A_88 = arith.addf %dot_general3A_82, %dot_general3A_87 : vector<256x32xf32>
    %swap3A = arith.constant 0 : index
    %swap3A_89 = arith.constant 0 : index
    %swap3A_90 = vector.load %arg8[%swap3A, %swap3A_89] : memref<256x32xf32, #tpu.memory_space<vmem>>, vector<256x32xf32>
    tpu.vector_store %arg8[%swap3A, %swap3A_89], %add3A_88 {strides = array<i32>} : memref<256x32xf32, #tpu.memory_space<vmem>>, vector<256x32xf32>,
    return
  }
  func.func @transform_0(%arg0: i32) -> (i32, i32, i32) {
    %c0_i32 = arith.constant 0 : i32
    %c0_i32_0 = arith.constant 0 : i32
    %c0_i32_1 = arith.constant 0 : i32
    return %c0_i32, %arg0, %c0_i32_0 : i32, i32, i32
  }
  func.func @transform_1(%arg0: i32) -> (i32, i32) {
    %c0_i32 = arith.constant 0 : i32
    %c0_i32_0 = arith.constant 0 : i32
    %c0_i32_1 = arith.constant 0 : i32
    return %c0_i32, %c0_i32_0 : i32, i32
  }
  func.func @transform_2(%arg0: i32) -> (i32, i32) {
    %c0_i32 = arith.constant 0 : i32
    %c0_i32_0 = arith.constant 0 : i32
    return %arg0, %c0_i32 : i32, i32
  }
  func.func @transform_3(%arg0: i32) -> (i32, i32) {
    %c0_i32 = arith.constant 0 : i32
    %c0_i32_0 = arith.constant 0 : i32
    %c0_i32_1 = arith.constant 0 : i32
    return %c0_i32, %c0_i32_0 : i32, i32
  }
  func.func @transform_4(%arg0: i32) -> (i32, i32) {
    %c0_i32 = arith.constant 0 : i32
    %c0_i32_0 = arith.constant 0 : i32
    %c0_i32_1 = arith.constant 0 : i32
    return %c0_i32, %c0_i32_0 : i32, i32
  }
  func.func @transform_5(%arg0: i32) -> (i32, i32) {
    %c0_i32 = arith.constant 0 : i32
    %c0_i32_0 = arith.constant 0 : i32
    %c0_i32_1 = arith.constant 0 : i32
    return %c0_i32, %c0_i32_0 : i32, i32
  }
  func.func @transform_6(%arg0: i32) -> (i32, i32) {
    %c0_i32 = arith.constant 0 : i32
    %c0_i32_0 = arith.constant 0 : i32
    %c0_i32_1 = arith.constant 0 : i32
    return %c0_i32, %c0_i32_0 : i32, i32
  }
  func.func @transform_7(%arg0: i32) -> (i32, i32) {
    %c0_i32 = arith.constant 0 : i32
    %c0_i32_0 = arith.constant 0 : i32
    return %arg0, %c0_i32 : i32, i32
  }
}

module attributes {stable_mosaic.version = 14 : i64} {
  func.func @_head_kernel(%arg0: memref<784x128xf32, #tpu.memory_space<vmem>>, %arg1: memref<784x128xf32, #tpu.memory_space<vmem>>, %arg2: memref<784x128xi32, #tpu.memory_space<vmem>>, %arg3: memref<1x10xf32, #tpu.memory_space<vmem>>, %arg4: memref<784x128xf32, #tpu.memory_space<vmem>>, %arg5: memref<1x1xf32, #tpu.memory_space<smem>>, %arg6: memref<1x1xf32, #tpu.memory_space<smem>>) attributes {dimension_semantics = [], scalar_prefetch = 0 : i64, scratch_operands = 0 : i64, tpu.core_type = #tpu.core_type<tc>} {
    %get3A = arith.constant 0 : index
    %get3A_0 = arith.constant 0 : index
    %get3A_1 = vector.load %arg0[%get3A, %get3A_0] : memref<784x128xf32, #tpu.memory_space<vmem>>, vector<784x128xf32>
    %get3A_2 = arith.constant 0 : index
    %get3A_3 = arith.constant 0 : index
    %get3A_4 = vector.load %arg1[%get3A_2, %get3A_3] : memref<784x128xf32, #tpu.memory_space<vmem>>, vector<784x128xf32>
    %get3A_5 = arith.constant 0 : index
    %get3A_6 = arith.constant 0 : index
    %get3A_7 = vector.load %arg2[%get3A_5, %get3A_6] : memref<784x128xi32, #tpu.memory_space<vmem>>, vector<784x128xi32>
    %get3A_8 = arith.constant 0 : index
    %get3A_9 = arith.constant 0 : index
    %get3A_10 = vector.load %arg3[%get3A_8, %get3A_9] : memref<1x10xf32, #tpu.memory_space<vmem>>, vector<1x1xf32>
    %get3A_11 = vector.extract %get3A_10[0, 0] : f32 from vector<1x1xf32>
    %mul3A = vector.broadcast %get3A_11 : f32 to vector<784x128xf32>
    %mul3A_12 = arith.mulf %get3A_1, %mul3A : vector<784x128xf32>
    %get3A_13 = arith.constant 0 : index
    %get3A_14 = arith.constant 5 : index
    %get3A_15 = vector.load %arg3[%get3A_13, %get3A_14] : memref<1x10xf32, #tpu.memory_space<vmem>>, vector<1x1xf32>
    %get3A_16 = vector.extract %get3A_15[0, 0] : f32 from vector<1x1xf32>
    %mul3A_17 = vector.broadcast %get3A_16 : f32 to vector<784x128xf32>
    %mul3A_18 = arith.mulf %get3A_4, %mul3A_17 : vector<784x128xf32>
    %add3A = arith.addf %mul3A_12, %mul3A_18 : vector<784x128xf32>
    %get3A_19 = arith.constant 0 : index
    %get3A_20 = arith.constant 1 : index
    %get3A_21 = vector.load %arg3[%get3A_19, %get3A_20] : memref<1x10xf32, #tpu.memory_space<vmem>>, vector<1x1xf32>
    %get3A_22 = vector.extract %get3A_21[0, 0] : f32 from vector<1x1xf32>
    %mul3A_23 = vector.broadcast %get3A_22 : f32 to vector<784x128xf32>
    %mul3A_24 = arith.mulf %get3A_1, %mul3A_23 : vector<784x128xf32>
    %get3A_25 = arith.constant 0 : index
    %get3A_26 = arith.constant 6 : index
    %get3A_27 = vector.load %arg3[%get3A_25, %get3A_26] : memref<1x10xf32, #tpu.memory_space<vmem>>, vector<1x1xf32>
    %get3A_28 = vector.extract %get3A_27[0, 0] : f32 from vector<1x1xf32>
    %mul3A_29 = vector.broadcast %get3A_28 : f32 to vector<784x128xf32>
    %mul3A_30 = arith.mulf %get3A_4, %mul3A_29 : vector<784x128xf32>
    %add3A_31 = arith.addf %mul3A_24, %mul3A_30 : vector<784x128xf32>
    %get3A_32 = arith.constant 0 : index
    %get3A_33 = arith.constant 2 : index
    %get3A_34 = vector.load %arg3[%get3A_32, %get3A_33] : memref<1x10xf32, #tpu.memory_space<vmem>>, vector<1x1xf32>
    %get3A_35 = vector.extract %get3A_34[0, 0] : f32 from vector<1x1xf32>
    %mul3A_36 = vector.broadcast %get3A_35 : f32 to vector<784x128xf32>
    %mul3A_37 = arith.mulf %get3A_1, %mul3A_36 : vector<784x128xf32>
    %get3A_38 = arith.constant 0 : index
    %get3A_39 = arith.constant 7 : index
    %get3A_40 = vector.load %arg3[%get3A_38, %get3A_39] : memref<1x10xf32, #tpu.memory_space<vmem>>, vector<1x1xf32>
    %get3A_41 = vector.extract %get3A_40[0, 0] : f32 from vector<1x1xf32>
    %mul3A_42 = vector.broadcast %get3A_41 : f32 to vector<784x128xf32>
    %mul3A_43 = arith.mulf %get3A_4, %mul3A_42 : vector<784x128xf32>
    %add3A_44 = arith.addf %mul3A_37, %mul3A_43 : vector<784x128xf32>
    %get3A_45 = arith.constant 0 : index
    %get3A_46 = arith.constant 3 : index
    %get3A_47 = vector.load %arg3[%get3A_45, %get3A_46] : memref<1x10xf32, #tpu.memory_space<vmem>>, vector<1x1xf32>
    %get3A_48 = vector.extract %get3A_47[0, 0] : f32 from vector<1x1xf32>
    %mul3A_49 = vector.broadcast %get3A_48 : f32 to vector<784x128xf32>
    %mul3A_50 = arith.mulf %get3A_1, %mul3A_49 : vector<784x128xf32>
    %get3A_51 = arith.constant 0 : index
    %get3A_52 = arith.constant 8 : index
    %get3A_53 = vector.load %arg3[%get3A_51, %get3A_52] : memref<1x10xf32, #tpu.memory_space<vmem>>, vector<1x1xf32>
    %get3A_54 = vector.extract %get3A_53[0, 0] : f32 from vector<1x1xf32>
    %mul3A_55 = vector.broadcast %get3A_54 : f32 to vector<784x128xf32>
    %mul3A_56 = arith.mulf %get3A_4, %mul3A_55 : vector<784x128xf32>
    %add3A_57 = arith.addf %mul3A_50, %mul3A_56 : vector<784x128xf32>
    %get3A_58 = arith.constant 0 : index
    %get3A_59 = arith.constant 4 : index
    %get3A_60 = vector.load %arg3[%get3A_58, %get3A_59] : memref<1x10xf32, #tpu.memory_space<vmem>>, vector<1x1xf32>
    %get3A_61 = vector.extract %get3A_60[0, 0] : f32 from vector<1x1xf32>
    %mul3A_62 = vector.broadcast %get3A_61 : f32 to vector<784x128xf32>
    %mul3A_63 = arith.mulf %get3A_1, %mul3A_62 : vector<784x128xf32>
    %get3A_64 = arith.constant 0 : index
    %get3A_65 = arith.constant 9 : index
    %get3A_66 = vector.load %arg3[%get3A_64, %get3A_65] : memref<1x10xf32, #tpu.memory_space<vmem>>, vector<1x1xf32>
    %get3A_67 = vector.extract %get3A_66[0, 0] : f32 from vector<1x1xf32>
    %mul3A_68 = vector.broadcast %get3A_67 : f32 to vector<784x128xf32>
    %mul3A_69 = arith.mulf %get3A_4, %mul3A_68 : vector<784x128xf32>
    %add3A_70 = arith.addf %mul3A_63, %mul3A_69 : vector<784x128xf32>
    %max3A = arith.maximumf %add3A, %add3A_31 : vector<784x128xf32>
    %max3A_71 = arith.maximumf %max3A, %add3A_44 : vector<784x128xf32>
    %max3A_72 = arith.maximumf %max3A_71, %add3A_57 : vector<784x128xf32>
    %max3A_73 = arith.maximumf %max3A_72, %add3A_70 : vector<784x128xf32>
    %sub3A = arith.subf %add3A, %max3A_73 : vector<784x128xf32>
    %exp3A = math.exp %sub3A : vector<784x128xf32>
    %sub3A_74 = arith.subf %add3A_31, %max3A_73 : vector<784x128xf32>
    %exp3A_75 = math.exp %sub3A_74 : vector<784x128xf32>
    %sub3A_76 = arith.subf %add3A_44, %max3A_73 : vector<784x128xf32>
    %exp3A_77 = math.exp %sub3A_76 : vector<784x128xf32>
    %sub3A_78 = arith.subf %add3A_57, %max3A_73 : vector<784x128xf32>
    %exp3A_79 = math.exp %sub3A_78 : vector<784x128xf32>
    %sub3A_80 = arith.subf %add3A_70, %max3A_73 : vector<784x128xf32>
    %exp3A_81 = math.exp %sub3A_80 : vector<784x128xf32>
    %add3A_82 = arith.addf %exp3A, %exp3A_75 : vector<784x128xf32>
    %mul3A_83 = arith.constant 2.000000e+00 : f32
    %mul3A_84 = vector.broadcast %mul3A_83 : f32 to vector<784x128xf32>
    %mul3A_85 = arith.mulf %exp3A_75, %mul3A_84 : vector<784x128xf32>
    %add3A_86 = arith.addf %exp3A, %mul3A_85 : vector<784x128xf32>
    %add3A_87 = arith.addf %add3A_82, %exp3A_77 : vector<784x128xf32>
    %mul3A_88 = arith.constant 3.000000e+00 : f32
    %mul3A_89 = vector.broadcast %mul3A_88 : f32 to vector<784x128xf32>
    %mul3A_90 = arith.mulf %exp3A_77, %mul3A_89 : vector<784x128xf32>
    %add3A_91 = arith.addf %add3A_86, %mul3A_90 : vector<784x128xf32>
    %add3A_92 = arith.addf %add3A_87, %exp3A_79 : vector<784x128xf32>
    %mul3A_93 = arith.constant 4.000000e+00 : f32
    %mul3A_94 = vector.broadcast %mul3A_93 : f32 to vector<784x128xf32>
    %mul3A_95 = arith.mulf %exp3A_79, %mul3A_94 : vector<784x128xf32>
    %add3A_96 = arith.addf %add3A_91, %mul3A_95 : vector<784x128xf32>
    %add3A_97 = arith.addf %add3A_92, %exp3A_81 : vector<784x128xf32>
    %mul3A_98 = arith.constant 5.000000e+00 : f32
    %mul3A_99 = vector.broadcast %mul3A_98 : f32 to vector<784x128xf32>
    %mul3A_100 = arith.mulf %exp3A_81, %mul3A_99 : vector<784x128xf32>
    %add3A_101 = arith.addf %add3A_96, %mul3A_100 : vector<784x128xf32>
    %div3A = arith.divf %add3A_101, %add3A_97 : vector<784x128xf32>
    %swap3A = arith.constant 0 : index
    %swap3A_102 = arith.constant 0 : index
    %swap3A_103 = vector.load %arg4[%swap3A, %swap3A_102] : memref<784x128xf32, #tpu.memory_space<vmem>>, vector<784x128xf32>
    tpu.vector_store %arg4[%swap3A, %swap3A_102], %div3A {strides = array<i32>} : memref<784x128xf32, #tpu.memory_space<vmem>>, vector<784x128xf32>,
    %iota3A = tpu.iota {dimensions = array<i32: 0>} : vector<784x128xi32>
    %mul3A_104 = arith.constant 128 : i32
    %mul3A_105 = vector.broadcast %mul3A_104 : i32 to vector<784x128xi32>
    %mul3A_106 = arith.muli %iota3A, %mul3A_105 : vector<784x128xi32>
    %iota3A_107 = tpu.iota {dimensions = array<i32: 1>} : vector<784x128xi32>
    %add3A_108 = arith.addi %mul3A_106, %iota3A_107 : vector<784x128xi32>
    %lt3A = arith.constant 100000 : i32
    %lt3A_109 = vector.broadcast %lt3A : i32 to vector<784x128xi32>
    %lt3A_110 = arith.cmpi slt, %add3A_108, %lt3A_109 : vector<784x128xi32>
    %broadcast_in_dim3A = arith.constant 0.000000e+00 : f32
    %broadcast_in_dim3A_111 = vector.broadcast %broadcast_in_dim3A : f32 to vector<784x128xf32>
    %eq3A = arith.constant 0 : i32
    %eq3A_112 = vector.broadcast %eq3A : i32 to vector<784x128xi32>
    %eq3A_113 = arith.cmpi eq, %get3A_7, %eq3A_112 : vector<784x128xi32>
    %jit3A = arith.constant 0.000000e+00 : f32
    %broadcast_in_dim3A_114 = vector.broadcast %jit3A : f32 to vector<784x128xf32>
    %select_n3A = arith.select %eq3A_113, %add3A, %broadcast_in_dim3A_114 : vector<784x128xi1>, vector<784x128xf32>
    %add3A_115 = arith.addf %broadcast_in_dim3A_111, %select_n3A : vector<784x128xf32>
    %eq3A_116 = arith.constant 1 : i32
    %eq3A_117 = vector.broadcast %eq3A_116 : i32 to vector<784x128xi32>
    %eq3A_118 = arith.cmpi eq, %get3A_7, %eq3A_117 : vector<784x128xi32>
    %jit3A_119 = arith.constant 0.000000e+00 : f32
    %broadcast_in_dim3A_120 = vector.broadcast %jit3A_119 : f32 to vector<784x128xf32>
    %select_n3A_121 = arith.select %eq3A_118, %add3A_31, %broadcast_in_dim3A_120 : vector<784x128xi1>, vector<784x128xf32>
    %add3A_122 = arith.addf %add3A_115, %select_n3A_121 : vector<784x128xf32>
    %eq3A_123 = arith.constant 2 : i32
    %eq3A_124 = vector.broadcast %eq3A_123 : i32 to vector<784x128xi32>
    %eq3A_125 = arith.cmpi eq, %get3A_7, %eq3A_124 : vector<784x128xi32>
    %jit3A_126 = arith.constant 0.000000e+00 : f32
    %broadcast_in_dim3A_127 = vector.broadcast %jit3A_126 : f32 to vector<784x128xf32>
    %select_n3A_128 = arith.select %eq3A_125, %add3A_44, %broadcast_in_dim3A_127 : vector<784x128xi1>, vector<784x128xf32>
    %add3A_129 = arith.addf %add3A_122, %select_n3A_128 : vector<784x128xf32>
    %eq3A_130 = arith.constant 3 : i32
    %eq3A_131 = vector.broadcast %eq3A_130 : i32 to vector<784x128xi32>
    %eq3A_132 = arith.cmpi eq, %get3A_7, %eq3A_131 : vector<784x128xi32>
    %jit3A_133 = arith.constant 0.000000e+00 : f32
    %broadcast_in_dim3A_134 = vector.broadcast %jit3A_133 : f32 to vector<784x128xf32>
    %select_n3A_135 = arith.select %eq3A_132, %add3A_57, %broadcast_in_dim3A_134 : vector<784x128xi1>, vector<784x128xf32>
    %add3A_136 = arith.addf %add3A_129, %select_n3A_135 : vector<784x128xf32>
    %eq3A_137 = arith.constant 4 : i32
    %eq3A_138 = vector.broadcast %eq3A_137 : i32 to vector<784x128xi32>
    %eq3A_139 = arith.cmpi eq, %get3A_7, %eq3A_138 : vector<784x128xi32>
    %jit3A_140 = arith.constant 0.000000e+00 : f32
    %broadcast_in_dim3A_141 = vector.broadcast %jit3A_140 : f32 to vector<784x128xf32>
    %select_n3A_142 = arith.select %eq3A_139, %add3A_70, %broadcast_in_dim3A_141 : vector<784x128xi1>, vector<784x128xf32>
    %add3A_143 = arith.addf %add3A_136, %select_n3A_142 : vector<784x128xf32>
    %sub3A_144 = arith.subf %add3A_143, %max3A_73 : vector<784x128xf32>
    %log3A = math.log %add3A_97 : vector<784x128xf32>
    %sub3A_145 = arith.subf %sub3A_144, %log3A : vector<784x128xf32>
    %jit3A_146 = arith.constant 0.000000e+00 : f32
    %broadcast_in_dim3A_147 = vector.broadcast %jit3A_146 : f32 to vector<784x128xf32>
    %select_n3A_148 = arith.select %lt3A_110, %sub3A_145, %broadcast_in_dim3A_147 : vector<784x128xi1>, vector<784x128xf32>
    %reduce_sum3A = vector.shape_cast %select_n3A_148 : vector<784x128xf32> to vector<1x784x128xf32>
    %reduce_sum3A_149 = arith.constant dense<0.000000e+00> : vector<1xf32>
    %reduce_sum3A_150 = vector.multi_reduction <add>, %reduce_sum3A, %reduce_sum3A_149 [1, 2] : vector<1x784x128xf32> to vector<1xf32>
    %reduce_sum3A_151 = vector.shape_cast %reduce_sum3A_150 : vector<1xf32> to vector<1x1x1xf32>
    %reduce_sum3A_152 = vector.extract %reduce_sum3A_151[0, 0, 0] : f32 from vector<1x1x1xf32>
    %neg3A = arith.constant 0.000000e+00 : f32
    %neg3A_153 = arith.subf %neg3A, %reduce_sum3A_152 : f32
    %div3A_154 = arith.constant 1.000000e+05 : f32
    %div3A_155 = arith.divf %neg3A_153, %div3A_154 : f32
    %convert_element_type3A = arith.sitofp %get3A_7 : vector<784x128xi32> to vector<784x128xf32>
    %add3A_156 = arith.constant 1.000000e+00 : f32
    %add3A_157 = vector.broadcast %add3A_156 : f32 to vector<784x128xf32>
    %add3A_158 = arith.addf %convert_element_type3A, %add3A_157 : vector<784x128xf32>
    %sub3A_159 = arith.subf %div3A, %add3A_158 : vector<784x128xf32>
    %integer_pow3A = arith.mulf %sub3A_159, %sub3A_159 : vector<784x128xf32>
    %jit3A_160 = arith.constant 0.000000e+00 : f32
    %broadcast_in_dim3A_161 = vector.broadcast %jit3A_160 : f32 to vector<784x128xf32>
    %select_n3A_162 = arith.select %lt3A_110, %integer_pow3A, %broadcast_in_dim3A_161 : vector<784x128xi1>, vector<784x128xf32>
    %reduce_sum3A_163 = vector.shape_cast %select_n3A_162 : vector<784x128xf32> to vector<1x784x128xf32>
    %reduce_sum3A_164 = arith.constant dense<0.000000e+00> : vector<1xf32>
    %reduce_sum3A_165 = vector.multi_reduction <add>, %reduce_sum3A_163, %reduce_sum3A_164 [1, 2] : vector<1x784x128xf32> to vector<1xf32>
    %reduce_sum3A_166 = vector.shape_cast %reduce_sum3A_165 : vector<1xf32> to vector<1x1x1xf32>
    %reduce_sum3A_167 = vector.extract %reduce_sum3A_166[0, 0, 0] : f32 from vector<1x1x1xf32>
    %div3A_168 = arith.constant 1.000000e+05 : f32
    %div3A_169 = arith.divf %reduce_sum3A_167, %div3A_168 : f32
    %sqrt3A = math.sqrt %div3A_169 : f32
    %swap3A_170 = arith.constant 0 : index
    %swap3A_171 = arith.constant 0 : index
    %swap3A_172 = memref.load %arg5[%swap3A_170, %swap3A_171] : memref<1x1xf32, #tpu.memory_space<smem>>
    memref.store %div3A_155, %arg5[%swap3A_170, %swap3A_171] : memref<1x1xf32, #tpu.memory_space<smem>>
    %swap3A_173 = arith.constant 0 : index
    %swap3A_174 = arith.constant 0 : index
    %swap3A_175 = memref.load %arg6[%swap3A_173, %swap3A_174] : memref<1x1xf32, #tpu.memory_space<smem>>
    memref.store %sqrt3A, %arg6[%swap3A_173, %swap3A_174] : memref<1x1xf32, #tpu.memory_space<smem>>
    return
  }
}

</mosaic_0001>

<sc_bundles>
// kernel: kernel.8.cloned.1.call-start
scs
__scs_entry_jumppad:
0x0: {  	(pc) =	sbr.rel $0x88, $3  }
0x1: {  	(tag) =	ssettag $0x0;
	lr =	simm.s32 $0x1  }
0x2: {  	[smem:$0x3F8F] =	sst lr;
	_ =	strace $0xD0000000  }
0x3: {  	_ = 	snop  }
0x4: {  	_ = 	snop  }
0x5: {  	_ = 	snop  }
0x6: {  	_ = 	snop  }
0x7: {  	_ = 	snop  }
__scs_overlays_trampoline_lowered:
0x8: {  	[smem:$0x3F9E] =	sst s0  }
0x9: {  	[smem:$0x3F9F] =	sst s1  }
0xa: {  	[smem:$0x3FA0] =	sst s2  }
0xb: {  	[smem:$0x3FA1] =	sst s3  }
0xc: {  	[smem:$0x3FA2] =	sst s4  }
0xd: {  	[smem:$0x3FA3] =	sst s5  }
0xe: {  	[smem:$0x3FA4] =	sst s6  }
0xf: {  	[smem:$0x3FA5] =	sst s7  }
0x10: {  	[smem:$0x3FA6] =	sst s8  }
0x11: {  	[smem:$0x3FA7] =	sst s9;
	s0 =	simm.s32 @!p0 $0x0  }
0x12: {  	s1 =	sld [smem:$0x3F8D];
	s0 =	simm.s32 @p0 $0x1  }
0x13: {  	[smem:$0x3FA8] =	sst s0;
	s0 =	simm.s32 @!p1 $0x0  }
0x14: {  	s2 =	sld [smem:$0x3F8C];
	s0 =	simm.s32 @p1 $0x1  }
0x15: {  	[smem:$0x3FA9] =	sst s0;
	s0 =	simm.s32 @!p2 $0x0  }
0x16: {  	s3 =	sld [smem:$0x3FDB];
	s0 =	simm.s32 @p2 $0x1  }
0x17: {  	s4 =	simm.s32 $0x1BF5;
	[smem:$0x3FAB] =	sst s0  }
0x18: {  	s0 =	sld [smem:$0x3F8E];
	_ =	swait.ge [sflag:s4], $0x0  }
0x19: {  	s7 =	sld [smem:$0x3F8F]  }
0x1a: {  	s8 =	sadd.s32 $0xFFFFE003, lr  }
0x1b: {  	s9 =	sadd.s32 $0xFFFFFEF7, lr;
	s5 =	simm.s32 $0xFFFFFFFF;
	p2 =	slt.u32 s8, $0xFFFFF086  }
0x1c: {  	p1 =	slt.u32 s9, $0xF7A;
	s5 =	simm.s32 @!p2 $0x0  }
0x1d: {  	s5 =	simm.s32 @p1 $0x1;
	p0 =	seq.s32 s7, s2  }
0x1e: {  	s7 =	smul.u32 @!p0 $0xF7A, s2;
	p2 =	seq.s32 @!p0 s5, $0x0  }
0x1f: {  	s9 =	smul.u32 $0xF7A, s1;
	s8 =	simm.s32 @!p0 $0x1BF5;
	p2 =	por !p2, p0  }
0x20: {  	[sflag:s8] =	ssyncset.s32 @!p0 $0xFFFFF086;
	s6 =	sadd.s32 @!p0 s3, s7;
	s7 =	simm.s32 @!p0 $0x108  }
0x21: {  	s3 =	sadd.s32 s3, s9;
	s6 =	sadd.s32 @!p0 $0x88, s6;
	s7 =	simm.s32 @p2 $0x1082  }
0x22: {  	[simem:s7], [sflag:s8] =	dma.local @!p0 [hbm:s6], $0xF7A  }
0x23: {  	s9 =	sor.u32 $0xD0000000, s2;
	s6 =	simm.s32 $0x108;
	_ =	swait.ge @!p0 [sflag:s8], $0x0  }
0x24: {  	s3 =	sadd.s32 $0x88, s3;
	s6 =	simm.s32 @!p1 $0x1082;
	[sflag:s4] =	ssyncset.s32 $0xFFFFF086  }
0x25: {  	[simem:s6], [sflag:s4] =	dma.local [hbm:s3], $0xF7A  }
0x26: {  	[smem:$0x3F8F] =	sst s1;
	(tag) =	ssettag s2;
	_ =	strace s9  }
0x27: {  	s1 =	sld [smem:$0x3F9F]  }
0x28: {  	s2 =	sld [smem:$0x3FA0]  }
0x29: {  	s4 =	sld [smem:$0x3FA2]  }
0x2a: {  	p0 =	seq.s32 s5, $0x0;
	s5 =	sld [smem:$0x3FA3]  }
0x2b: {  	s6 =	sld [smem:$0x3FA4]  }
0x2c: {  	s7 =	sld [smem:$0x3FA5]  }
0x2d: {  	s3 =	simm.s32 $0x108;
	s8 =	sld [smem:$0x3FA6]  }
0x2e: {  	s3 =	simm.s32 @!p0 $0x1082;
	s9 =	sld [smem:$0x3FA7]  }
0x2f: {  	lr =	sadd.s32 s0, s3;
	s0 =	sld [smem:$0x3F9E]  }
0x30: {  	s3 =	sld [smem:$0x3FA1]  }
0x31: {  	[smem:$0x3FAA] =	sst s10  }
0x32: {  	s10 =	sld [smem:$0x3FA8];
	_ =	sdelay $0x3  }
0x33: {  	p0 =	seq.s32 s10, $0x1;
	s10 =	sld [smem:$0x3FAA];
	_ =	sdelay $0x3  }
0x34: {  	[smem:$0x3FAA] =	sst s10  }
0x35: {  	s10 =	sld [smem:$0x3FA9];
	_ =	sdelay $0x3  }
0x36: {  	p1 =	seq.s32 s10, $0x1;
	s10 =	sld [smem:$0x3FAA];
	_ =	sdelay $0x3  }
0x37: {  	[smem:$0x3FAA] =	sst s10  }
0x38: {  	s10 =	sld [smem:$0x3FAB]  }
0x39: {  	_ = 	snop;
	(pc) =	sbr.ind lr, $3  }
0x3a: {  	_ = 	snop  }
0x3b: {  	_ = 	snop  }
0x3c: {  	p2 =	seq.s32 s10, $0x1;
	s10 =	sld [smem:$0x3FAA]  }
0x3d: {  	_ =	shalt  }
0x3e: {  	_ =	shalt  }
0x3f: {  	_ =	shalt  }
0x40: {  	_ =	shalt  }
0x41: {  	_ =	shalt  }
0x42: {  	_ =	shalt  }
0x43: {  	_ =	shalt  }
0x44: {  	_ =	shalt  }
0x45: {  	_ =	shalt  }
0x46: {  	_ =	shalt  }
0x47: {  	_ =	shalt  }
0x48: {  	_ =	shalt  }
0x49: {  	_ =	shalt  }
0x4a: {  	_ =	shalt  }
0x4b: {  	_ =	shalt  }
0x4c: {  	_ =	shalt  }
0x4d: {  	_ =	shalt  }
0x4e: {  	_ =	shalt  }
0x4f: {  	_ =	shalt  }
0x50: {  	_ =	shalt  }
0x51: {  	_ =	shalt  }
0x52: {  	_ =	shalt  }
0x53: {  	_ =	shalt  }
0x54: {  	_ =	shalt  }
0x55: {  	_ =	shalt  }
0x56: {  	_ =	shalt  }
0x57: {  	_ =	shalt  }
0x58: {  	_ =	shalt  }
0x59: {  	_ =	shalt  }
0x5a: {  	_ =	shalt  }
0x5b: {  	_ =	shalt  }
0x5c: {  	_ =	shalt  }
0x5d: {  	_ =	shalt  }
0x5e: {  	_ =	shalt  }
0x5f: {  	_ =	shalt  }
0x60: {  	_ =	shalt  }
0x61: {  	_ =	shalt  }
0x62: {  	_ =	shalt  }
0x63: {  	_ =	shalt  }
0x64: {  	_ =	shalt  }
0x65: {  	_ =	shalt  }
0x66: {  	_ =	shalt  }
0x67: {  	_ =	shalt  }
0x68: {  	_ =	shalt  }
0x69: {  	_ =	shalt  }
0x6a: {  	_ =	shalt  }
0x6b: {  	_ =	shalt  }
0x6c: {  	_ =	shalt  }
0x6d: {  	_ =	shalt  }
0x6e: {  	_ =	shalt  }
0x6f: {  	_ =	shalt  }
0x70: {  	_ =	shalt  }
0x71: {  	_ =	shalt  }
0x72: {  	_ =	shalt  }
0x73: {  	_ =	shalt  }
0x74: {  	_ =	shalt  }
0x75: {  	_ =	shalt  }
0x76: {  	_ =	shalt  }
0x77: {  	_ =	shalt  }
0x78: {  	_ =	shalt  }
0x79: {  	_ =	shalt  }
0x7a: {  	_ =	shalt  }
0x7b: {  	_ =	shalt  }
0x7c: {  	_ =	shalt  }
0x7d: {  	_ =	shalt  }
0x7e: {  	_ =	shalt  }
0x7f: {  	_ =	shalt  }
0x80: {  	_ =	shalt  }
0x81: {  	_ =	shalt  }
0x82: {  	_ =	shalt  }
0x83: {  	_ =	shalt  }
0x84: {  	_ =	shalt  }
0x85: {  	_ =	shalt  }
0x86: {  	_ =	shalt  }
0x87: {  	_ =	shalt  }
.Lfunc_end0:
.L_simem_size_0:
called_computation_lowered:
.L_overlay_start_0:
0x88: {  	s2 =	sld [smem:$0x3FD9]  }
0x89: {  	s3 =	sld [smem:$0x3FFE];
	_ =	sdelay $0x1  }
0x8a: {  	s1 =	srdreg.scid  }
0x8b: {  	s0 =	sand.u32 $0x1, s1  }
0x8c: {  	s14 =	sshll.u32 s0, $0xA;
	s2 =	sadd.s32 s3, s2  }
0x8d: {  	s2 =	sadd.s32 s2, s14  }
0x8e: {  	[smem:$0x3FB6] =	sst s2  }
0x8f: {  	_ = 	snop  }
0x90: {  	s2 =	sld [smem:$0x3FD0];
	_ =	sdelay $0x2  }
0x91: {  	s15 =	simm.s32 $0xA;
	s4 =	simm.s32 $0x10  }
0x92: {  	[smem:s4], [sflag:s15] =	dma.local [hbm:s2], $0x1  }
0x93: {  	_ =	swait.eq [sflag:s15], $0x1  }
0x94: {  	[sflag:s15] =	ssyncset.done $0x0  }
0x95: {  	[sflag:s15] =	ssyncadd.s32 $0xFFFFFFFF  }
0x96: {  	s16 =	sld [smem:$0x10];
	(tm) =	ssettm $0x1  }
0x97: {  	s17 =	sld [smem:$0x3FFB];
	_ =	sdelay $0x3  }
0x98: {  	_ =	strace s17  }
0x99: {  	s3 =	sld [smem:$0x3FFC];
	_ =	sdelay $0x3  }
0x9a: {  	_ =	strace s3  }
0x9b: {  	s3 =	sld [smem:$0x3FFD];
	_ =	sdelay $0x3  }
0x9c: {  	_ =	strace s3  }
0x9d: {  	_ =	strace $0x8FFFFFFF  }
0x9e: {  	s18 =	sld [smem:$0x3FDB];
	_ =	sdelay $0x1  }
0x9f: {  	s19 =	simm.s32 $_scs_section_size  }
0xa0: {  	s5 =	simm.s32 $_size__tile_overlayer_lowered;
	s6 =	simm.s32 $_tile_overlayer_lowered  }
0xa1: {  	s22 =	simm.s32 $0x1BFF;
	s21 =	sshll.u32 s6, $0x1;
	s3 =	sadd.s32 s19, s18  }
0xa2: {  	s7 =	simm.s32 $0x0;
	s20 =	sshll.u32 s5, $0x1;
	s5 =	sadd.s32 s21, s3  }
0xa3: {  	[timem:s7], [sflag:s22] =	dma.local [hbm:s5], s20  }
0xa4: {  	_ =	swait.ge [sflag:s22], s20  }
0xa5: {  	s4 =	ssub.s32 $0x0, s20;
	[sflag:s22] =	ssyncset.done $0x0  }
0xa6: {  	[sflag:s22] =	ssyncadd.s32 s4;
	_ =	sdelay $0x1  }
0xa7: {  	s23 =	simm.s32 $0x1B8B  }
0xa8: {  	_ =	swait.ge [sflag:s23], $0x1  }
0xa9: {  	[sflag:s23] =	ssyncset.done $0x0  }
0xaa: {  	s25 =	simm.s32 $0x1B8E;
	s24 =	sld [smem:$0x3FFE];
	[sflag:s23] =	ssyncadd.s32 $0xFFFFFFFF  }
0xab: {  	s26 =	simm.s32 $execute0_lowered;
	[smem:$0x3FD2] =	sst s25  }
0xac: {  	s5 =	sshll.u32 s26, $0x1;
	_ =	strace $0x80000046;
	[dreg:$0x1] =	wrdreg $0xFFFFFFFF  }
0xad: {  	s28 =	simm.s32 $_size_execute0_lowered;
	s3 =	sadd.s32 s3, s5;
	[dreg:$0x0] =	wrdreg $0x0  }
0xae: {  	s5 =	sshll.u32 s28, $0x1;
	[dreg:$0x2] =	wrdreg s3  }
0xaf: {  	[dreg:$0x3] =	wrdreg s5  }
0xb0: {  	[dreg:$0x4] =	wrdreg $0xC0  }
0xb1: {  	_ =	task [dreg:s7], $0x5FFFF  }
0xb2: {  	[dreg:$0x1] =	wrdreg $0xFFFFFFFF  }
0xb3: {  	[dreg:$0x0] =	wrdreg $0x60  }
0xb4: {  	[dreg:$0x2] =	wrdreg s16  }
0xb5: {  	[dreg:$0x3] =	wrdreg s24  }
0xb6: {  	[dreg:$0x4] =	wrdreg $0x9  }
0xb7: {  	_ =	task.clear_ibuf [dreg:s7], $0x5FFFF;
	_ =	strace $0x90000046  }
0xb8: {  	s29 =	simm.s32 $0x9;
	_ =	strace $0x80000048  }
0xb9: {  	_ =	swait.ge [sflag:s29], $0x1  }
0xba: {  	[sflag:s29] =	ssyncadd.s32 $0xFFFFFFFF  }
0xbb: {  	_ =	strace $0x90000048  }
0xbc: {  	_ =	sfence  }
0xbd: {  	s30 =	sld [smem:$0x0];
	_ =	sdelay $0x2  }
0xbe: {  	s31 =	sshll.u32 s1, $0xD;
	s1 =	sshrl.u32 s1, $0x2  }
0xbf: {  	s3 =	sand.u32 $0x4000, s31;
	s1 =	sadd.s32 s1, s30  }
0xc0: {  	s0 =	sor.u32 s3, s0;
	s1 =	sshll.u32 s1, $0x11  }
0xc1: {  	s0 =	sor.u32 s1, s0  }
0xc2: {  	s0 =	sadd.s32 $0x8F2B, s0  }
0xc3: {  	[sflag:s0] =	ssyncadd.remote.s32 $0x1  }
0xc4: {  	_ =	sfence.sel $0xFFFF  }
0xc5: {  	[dreg:$0x0] =	wrdreg $0xFFFFFFFF;
	(pc) =	sbr.abs _section_cstart, $3  }
0xc6: {  	[dreg:$0x1] =	wrdreg $0xFFFFFFFF  }
0xc7: {  	_ =	task.clear_ibuf [dreg:s7], $0x2FFFF;
	_ =	strace $0x9FFFFFFF  }
0xc8: {  	(tm) =	ssettm $0x7FFFFFFF  }
0xc9: {  	_ =	shalt  }
tec
execute0_lowered:
.L_overlay_start_1:
0x0: {  	(tag) =	ssettag $0x1  }
0x1: {  	s9 =	rddreg [dreg:$0x0]  }
0x2: {  	s5 =	rddreg [dreg:$0x1]  }
0x3: {  	s0 =	rddreg [dreg:$0x2];
	s3 =	srdreg.scid  }
0x4: {  	s1 =	stileid.u32;
	s2 =	simm.s32 $0x0;
	s14 =	simm.s32 $0x1  }
0x5: {  	s15 =	simm.s32 $0x8000;
	s16 =	simm.s32 $0x14000;
	s17 =	simm.s32 $0x14680  }
0x6: {  	s18 =	simm.s32 $0x14D00;
	s6 =	sand.u32 $0x1, s3;
	s30 =	sshll.u32 s1, $0x1  }
0x7: {  	s19 =	simm.s32 $0x15380;
	s20 =	simm.s32 $0x0;
	s3 =	sor.u32 s6, s30  }
0x8: {  	[smem:$0x7FF] =	sst s2;
	s10 =	sadd.s32 $0x3A00, s5;
	s7 =	smul.u32 $0xC40, s3  }
0x9: {  	s4 =	sadd.s32 $0x1200, s5;
	s11 =	sadd.s32 $0x6C00, s5;
	s6 =	ssub.s32 $0x2, s6  }
0xa: {  	_ =	strace $0x80000047;
	s31 =	sshrl.u32 s6, $0x1;
	s12 =	sshrl.u32 s7, $0x3  }
0xb: {  	s3 =	sadd.s32 $0x2A00, s5;
	s13 =	ssub.s32 s6, s31;
	s5 =	sadd.s32 s9, s12  }
0xc: {  	s6 =	sadd.s32 s11, s12;
	s7 =	sadd.s32 s10, s12;
	s12 =	sadd.s32 $0xC4, s12  }
0xd: {  	s13 =	smax.u32 s13, $0x1;
	s8 =	sadd.s32 $0x3100, s6;
	s9 =	sadd.s32 s9, s12  }
0xe: {  	s10 =	sadd.s32 s10, s12;
	s11 =	sadd.s32 s11, s12;
	s12 =	sadd.s32 $0x31C4, s6  }
.LBB2_1:
0xf: {  	[tilespmem:s2], [sflag:$0x1] =	stream.linear.gather [hbm4b:s3+s2], $0x8000, $0x38;
	[tilespmem:$0x15A00] =	vst v63  }
0x10: {  	_ =	swait.ge [sflag:s14], $0x8000  }
0x11: {  	[sflag:s14] =	ssyncset.done $0x0  }
0x12: {  	[sflag:s14] =	ssyncadd.s32 $0xFFFF8000  }
0x13: {  	[tilespmem:s15], [sflag:$0x1] =	stream.linear.gather [hbm4b:s4+s2], $0xC000, $0x38;
	[tilespmem:$0x15A00] =	vst v63  }
0x14: {  	_ =	swait.ge [sflag:s14], $0xC000  }
0x15: {  	[sflag:s14] =	ssyncset.done $0x0  }
0x16: {  	[sflag:s14] =	ssyncadd.s32 $0xFFFF4000  }
0x17: {  	[tilespmem:s16], [sflag:$0x1] =	stream.linear.gather [hbm4b:s5+s2], $0x620, $0x38;
	[tilespmem:$0x15A00] =	vst v63  }
0x18: {  	_ =	swait.ge [sflag:s14], $0x620  }
0x19: {  	[sflag:s14] =	ssyncset.done $0x0  }
0x1a: {  	[sflag:s14] =	ssyncadd.s32 $0xFFFFF9E0  }
0x1b: {  	[tilespmem:s17], [sflag:$0x1] =	stream.linear.gather [hbm4b:s7+s2], $0x620, $0x38;
	[tilespmem:$0x15A00] =	vst v63  }
0x1c: {  	_ =	swait.ge [sflag:s14], $0x620  }
0x1d: {  	[sflag:s14] =	ssyncset.done $0x0  }
0x1e: {  	s21 =	simm.s32 $0x0;
	[sflag:s14] =	ssyncadd.s32 $0xFFFFF9E0  }
0x1f: {  	v1 =	vld [tilespmem:s21+$0x14000]  }
0x20: {  	v0 =	vld [tilespmem:s21+$0x14680];
	_ =	sdelay $0x3  }
0x21: {  	v7 =	vadd.s32 $0x800, v1  }
0x22: {  	v8 =	vadd.s32 $0x600, v0  }
0x23: {  	v9 =	vadd.s32 $0xC00, v0  }
0x24: {  	v13 =	vadd.s32 $0x1800, v1;
	v16 =	vadd.s32 $0x1000, v1;
	v10 =	vld.idx.msk [tilespmem:v1+s2+$0x0], $0xffff  }
0x25: {  	v2 =	vadd.s32 $0x6800, v1;
	v14 =	vadd.s32 $0x2000, v1;
	v15 =	vadd.s32 $0x1200, v0;
	v20 =	vld.idx.msk [tilespmem:v0+s15+$0x0], $0xffff  }
0x26: {  	v4 =	vadd.s32 $0x9C00, v0;
	v17 =	vadd.s32 $0x2400, v0;
	v18 =	vadd.s32 $0x2A00, v0;
	v28 =	vld.idx.msk [tilespmem:v7+s2+$0x0], $0xffff  }
0x27: {  	v6 =	vadd.s32 $0x7800, v0;
	v19 =	vadd.s32 $0x3600, v0;
	v21 =	vadd.s32 $0x2800, v1;
	v31 =	vld.idx.msk [tilespmem:v8+s15+$0x0], $0xffff  }
0x28: {  	v22 =	vadd.s32 $0x6C00, v0;
	v23 =	vadd.s32 $0x4200, v0;
	v34 =	vadd.s32 $0x3000, v0;
	v33 =	vld.idx.msk [tilespmem:v9+s15+$0x0], $0xffff  }
0x29: {  	v24 =	vadd.s32 $0x3000, v1;
	v3 =	vadd.s32 $0x9600, v0;
	v36 =	vadd.s32 $0x1E00, v0;
	v16 =	vld.idx.msk [tilespmem:v16+s2+$0x0], $0xffff  }
0x2a: {  	v25 =	vadd.s32 $0x4E00, v0;
	v26 =	vadd.s32 $0x3800, v1;
	v5 =	vadd.s32 $0x6000, v1;
	v15 =	vld.idx.msk [tilespmem:v15+s15+$0x0], $0xffff  }
0x2b: {  	v27 =	vadd.s32 $0x3C00, v0;
	v29 =	vadd.s32 $0x5A00, v0;
	v12 =	vadd.s32 $0x4000, v1;
	v18 =	vld.idx.msk [tilespmem:v18+s15+$0x0], $0xffff  }
0x2c: {  	v30 =	vadd.s32 $0x6600, v0;
	v11 =	vadd.s32 $0x4800, v1;
	v58 =	vadd.s32 $0x1800, v0;
	v17 =	vld.idx.msk [tilespmem:v17+s15+$0x0], $0xffff  }
0x2d: {  	v37 =	vadd.s32 $0x7E00, v0;
	v43 =	vadd.s32 $0x6000, v0;
	v44 =	vadd.s32 $0x4800, v0;
	v34 =	vld.idx.msk [tilespmem:v34+s15+$0x0], $0xffff  }
0x2e: {  	v48 =	vadd.s32 $0x8400, v0;
	v7 =	vadd.s32 $0x9000, v0;
	v9 =	vadd.s32 $0x5800, v1;
	v36 =	vld.idx.msk [tilespmem:v36+s15+$0x0], $0xffff  }
0x2f: {  	v19 =	vld.idx.msk [tilespmem:v19+s15+$0x0], $0xffff;
	v32 =	vunpack.i.u.bf16.f32 v10;
	v8 =	vunpack.i.l.bf16.f32 v10;
	v57 =	vunpack.i.l.bf16.f32 v20  }
0x30: {  	v27 =	vld.idx.msk [tilespmem:v27+s15+$0x0], $0xffff;
	v10 =	vadd.s32 $0x7200, v0;
	v20 =	vunpack.i.u.bf16.f32 v20;
	v35 =	vmul.f32 v57, v8  }
0x31: {  	v21 =	vld.idx.msk [tilespmem:v21+s2+$0x0], $0xffff;
	v8 =	vmul.f32 v20, v8;
	v39 =	vunpack.i.l.bf16.f32 v28;
	v40 =	vunpack.i.l.bf16.f32 v31  }
0x32: {  	v13 =	vld.idx.msk [tilespmem:v13+s2+$0x0], $0xffff;
	v41 =	vunpack.i.l.bf16.f32 v33;
	v31 =	vunpack.i.u.bf16.f32 v31;
	v28 =	vunpack.i.u.bf16.f32 v28  }
0x33: {  	v37 =	vld.idx.msk [tilespmem:v37+s15+$0x0], $0xffff;
	v33 =	vunpack.i.u.bf16.f32 v33;
	v42 =	vunpack.i.l.bf16.f32 v16;
	v59 =	vunpack.i.u.bf16.f32 v15  }
0x34: {  	v14 =	vld.idx.msk [tilespmem:v14+s2+$0x0], $0xffff;
	v16 =	vunpack.i.u.bf16.f32 v16;
	v61 =	vunpack.i.u.bf16.f32 v18;
	v18 =	vunpack.i.l.bf16.f32 v18  }
0x35: {  	v22 =	vld.idx.msk [tilespmem:v22+s15+$0x0], $0xffff;
	v62 =	vunpack.i.u.bf16.f32 v34;
	v15 =	vunpack.i.l.bf16.f32 v15;
	v63 =	vunpack.i.l.bf16.f32 v34  }
0x36: {  	v45 =	vunpack.i.u.bf16.f32 v36;
	v53 =	vunpack.i.l.bf16.f32 v19;
	v54 =	vunpack.i.u.bf16.f32 v27  }
0x37: {  	v46 =	vunpack.i.u.bf16.f32 v17;
	v47 =	vunpack.i.l.bf16.f32 v21;
	v55 =	vunpack.i.u.bf16.f32 v13  }
0x38: {  	v19 =	vunpack.i.u.bf16.f32 v19;
	v36 =	vunpack.i.l.bf16.f32 v36;
	v13 =	vunpack.i.l.bf16.f32 v13  }
0x39: {  	v56 =	vld.idx.msk [tilespmem:v44+s15+$0x0], $0xffff;
	v17 =	vunpack.i.l.bf16.f32 v17;
	v44 =	vunpack.i.l.bf16.f32 v37;
	v49 =	vunpack.i.l.bf16.f32 v14  }
0x3a: {  	v50 =	vunpack.i.u.bf16.f32 v22;
	v14 =	vunpack.i.u.bf16.f32 v14;
	v21 =	vunpack.i.u.bf16.f32 v21  }
0x3b: {  	v22 =	vunpack.i.l.bf16.f32 v22;
	v31 =	vmul.f32 v31, v32;
	v41 =	vmul.f32 v41, v39  }
0x3c: {  	v35 =	vadd.f32 $0.0e+00, v35;
	v33 =	vmul.f32 v33, v39;
	v32 =	vmul.f32 v40, v32  }
0x3d: {  	v38 =	vadd.f32 $0.0e+00, v8;
	v60 =	vmul.f32 v59, v28;
	v52 =	vmul.f32 v45, v16  }
0x3e: {  	v20 =	vld.idx.msk [tilespmem:v58+s15+$0x0], $0xffff;
	v8 =	vadd.s32 $0x8A00, v0;
	v15 =	vmul.f32 v15, v28;
	v17 =	vmul.f32 v17, v13  }
0x3f: {  	v26 =	vld.idx.msk [tilespmem:v26+s2+$0x0], $0xffff;
	v40 =	vadd.s32 $0x5000, v1;
	v18 =	vmul.f32 v18, v55;
	v13 =	vmul.f32 v46, v13  }
0x40: {  	v57 =	vmul.f32 v61, v55;
	v16 =	vmul.f32 v36, v16;
	v32 =	vadd.f32 v32, v35  }
0x41: {  	v30 =	vld.idx.msk [tilespmem:v30+s15+$0x0], $0xffff;
	v58 =	vmul.f32 v62, v49;
	v19 =	vmul.f32 v19, v14;
	v31 =	vadd.f32 v31, v38  }
0x42: {  	v6 =	vld.idx.msk [tilespmem:v6+s15+$0x0], $0xffff;
	v59 =	vunpack.i.l.bf16.f32 v56;
	v14 =	vmul.f32 v53, v14;
	v32 =	vadd.f32 v41, v32  }
0x43: {  	v51 =	vunpack.i.u.bf16.f32 v20;
	v20 =	vunpack.i.l.bf16.f32 v20;
	v31 =	vadd.f32 v33, v31  }
0x44: {  	v62 =	vunpack.i.l.bf16.f32 v26;
	v20 =	vmul.f32 v20, v42;
	v15 =	vadd.f32 v15, v32  }
0x45: {  	v45 =	vmul.f32 v54, v47;
	v34 =	vmul.f32 v51, v42;
	v31 =	vadd.f32 v60, v31  }
0x46: {  	v23 =	vld.idx.msk [tilespmem:v23+s15+$0x0], $0xffff;
	v28 =	vunpack.i.u.bf16.f32 v56;
	v53 =	vunpack.i.u.bf16.f32 v30;
	v15 =	vadd.f32 v20, v15  }
0x47: {  	v25 =	vld.idx.msk [tilespmem:v25+s15+$0x0], $0xffff;
	v36 =	vunpack.i.l.bf16.f32 v6;
	v6 =	vunpack.i.u.bf16.f32 v6;
	v31 =	vadd.f32 v34, v31  }
0x48: {  	v9 =	vld.idx.msk [tilespmem:v9+s2+$0x0], $0xffff;
	v39 =	vunpack.i.u.bf16.f32 v37;
	v38 =	vadd.s32 $0x5400, v0;
	v15 =	vadd.f32 v16, v15  }
0x49: {  	v35 =	vld.idx.msk [tilespmem:v48+s15+$0x0], $0xffff;
	v48 =	vadd.s32 $0x7000, v1;
	v1 =	vadd.s32 $0x7800, v1;
	v31 =	vadd.f32 v52, v31  }
0x4a: {  	v61 =	vld.idx.msk [tilespmem:v24+s2+$0x0], $0xffff;
	v33 =	vmul.f32 v63, v49;
	v63 =	vunpack.i.l.bf16.f32 v27;
	v15 =	vadd.f32 v17, v15  }
0x4b: {  	v42 =	vunpack.i.u.bf16.f32 v23;
	v23 =	vunpack.i.l.bf16.f32 v23;
	v13 =	vadd.f32 v13, v31  }
0x4c: {  	v49 =	vunpack.i.l.bf16.f32 v25;
	v25 =	vunpack.i.u.bf16.f32 v25;
	v15 =	vadd.f32 v18, v15  }
0x4d: {  	v11 =	vld.idx.msk [tilespmem:v11+s2+$0x0], $0xffff;
	v41 =	vunpack.i.u.bf16.f32 v9;
	v9 =	vunpack.i.l.bf16.f32 v9;
	v13 =	vadd.f32 v57, v13  }
0x4e: {  	v7 =	vld.idx.msk [tilespmem:v7+s15+$0x0], $0xffff;
	v46 =	vmul.f32 v42, v21;
	v21 =	vmul.f32 v23, v21;
	v15 =	vadd.f32 v33, v15  }
0x4f: {  	v51 =	vunpack.i.u.bf16.f32 v61;
	v60 =	vunpack.i.u.bf16.f32 v26;
	v13 =	vadd.f32 v58, v13  }
0x50: {  	v10 =	vld.idx.msk [tilespmem:v10+s15+$0x0], $0xffff;
	v26 =	vmul.f32 v63, v47;
	v25 =	vmul.f32 v25, v51;
	v14 =	vadd.f32 v14, v15  }
0x51: {  	v47 =	vld.idx.msk [tilespmem:v43+s15+$0x0], $0xffff;
	v27 =	vmul.f32 v49, v51;
	v63 =	vunpack.i.l.bf16.f32 v30;
	v13 =	vadd.f32 v19, v13  }
0x52: {  	v30 =	vunpack.i.l.bf16.f32 v11;
	v11 =	vunpack.i.u.bf16.f32 v11;
	v38 =	vld.idx.msk [tilespmem:v38+s15+$0x0], $0xffff;
	v14 =	vadd.f32 v26, v14  }
0x53: {  	v43 =	vunpack.i.l.bf16.f32 v7;
	v16 =	vunpack.i.l.bf16.f32 v61;
	v13 =	vadd.f32 v45, v13  }
0x54: {  	v52 =	vld.idx.msk [tilespmem:v29+s15+$0x0], $0xffff;
	v28 =	vmul.f32 v28, v16;
	v16 =	vmul.f32 v59, v16;
	v14 =	vadd.f32 v21, v14  }
0x55: {  	v7 =	vunpack.i.u.bf16.f32 v7;
	v49 =	vadd.s32 $0xA800, v0;
	v13 =	vadd.f32 v46, v13  }
0x56: {  	v12 =	vld.idx.msk [tilespmem:v12+s2+$0x0], $0xffff;
	v51 =	vadd.s32 $0xB400, v0;
	v32 =	vunpack.i.u.bf16.f32 v10;
	v14 =	vadd.f32 v16, v14  }
0x57: {  	v59 =	vunpack.i.l.bf16.f32 v47;
	v56 =	vunpack.i.l.bf16.f32 v38;
	v13 =	vadd.f32 v28, v13  }
0x58: {  	v54 =	vunpack.i.u.bf16.f32 v38;
	v15 =	vmul.f32 v56, v62;
	v14 =	vadd.f32 v27, v14  }
0x59: {  	v20 =	vmul.f32 v54, v62;
	v18 =	vunpack.i.l.bf16.f32 v52;
	v13 =	vadd.f32 v25, v13  }
0x5a: {  	v57 =	vunpack.i.u.bf16.f32 v52;
	v18 =	vmul.f32 v18, v60;
	v14 =	vadd.f32 v15, v14  }
0x5b: {  	v58 =	vunpack.i.l.bf16.f32 v12;
	v19 =	vmul.f32 v57, v60;
	v13 =	vadd.f32 v20, v13  }
0x5c: {  	v55 =	vunpack.i.u.bf16.f32 v47;
	v61 =	vmul.f32 v59, v58;
	v14 =	vadd.f32 v18, v14  }
0x5d: {  	v12 =	vunpack.i.u.bf16.f32 v12;
	v60 =	vmul.f32 v55, v58;
	v13 =	vadd.f32 v19, v13  }
0x5e: {  	v29 =	vmul.f32 v53, v12;
	v12 =	vmul.f32 v63, v12;
	v62 =	vld.idx.msk [tilespmem:v40+s2+$0x0], $0xffff;
	v14 =	vadd.f32 v61, v14  }
0x5f: {  	v10 =	vunpack.i.l.bf16.f32 v10;
	v42 =	vunpack.i.u.bf16.f32 v35;
	v13 =	vadd.f32 v60, v13  }
0x60: {  	v10 =	vmul.f32 v10, v11;
	v21 =	vmul.f32 v22, v30;
	v12 =	vadd.f32 v12, v14  }
0x61: {  	v3 =	vld.idx.msk [tilespmem:v3+s15+$0x0], $0xffff;
	v47 =	vadd.s32 $0xA200, v0;
	v31 =	vmul.f32 v50, v30;
	v13 =	vadd.f32 v29, v13  }
0x62: {  	v17 =	vmul.f32 v42, v9;
	v50 =	vadd.s32 $0xAE00, v0;
	v12 =	vadd.f32 v21, v12  }
0x63: {  	v33 =	vmul.f32 v32, v11;
	v16 =	vunpack.i.l.bf16.f32 v62;
	v13 =	vadd.f32 v31, v13  }
0x64: {  	v8 =	vld.idx.msk [tilespmem:v8+s15+$0x0], $0xffff;
	v0 =	vadd.s32 $0xBA00, v0;
	v38 =	vmul.f32 v36, v16;
	v10 =	vadd.f32 v10, v12  }
0x65: {  	v5 =	vld.idx.msk [tilespmem:v5+s2+$0x0], $0xffff;
	v34 =	vunpack.i.u.bf16.f32 v62;
	v6 =	vmul.f32 v6, v16;
	v13 =	vadd.f32 v33, v13  }
0x66: {  	v54 =	vunpack.i.u.bf16.f32 v3;
	v40 =	vmul.f32 v44, v34;
	v10 =	vadd.f32 v38, v10  }
0x67: {  	v11 =	vmul.f32 v39, v34;
	v18 =	vunpack.i.l.bf16.f32 v35;
	v6 =	vadd.f32 v6, v13  }
0x68: {  	v3 =	vunpack.i.l.bf16.f32 v3;
	v9 =	vmul.f32 v18, v9;
	v10 =	vadd.f32 v40, v10  }
0x69: {  	v2 =	vld.idx.msk [tilespmem:v2+s2+$0x0], $0xffff;
	v44 =	vunpack.i.u.bf16.f32 v8;
	v8 =	vunpack.i.l.bf16.f32 v8;
	v6 =	vadd.f32 v11, v6  }
0x6a: {  	v4 =	vld.idx.msk [tilespmem:v4+s15+$0x0], $0xffff;
	v52 =	vunpack.i.l.bf16.f32 v5;
	v8 =	vmul.f32 v8, v41;
	v9 =	vadd.f32 v9, v10  }
0x6b: {  	v5 =	vunpack.i.u.bf16.f32 v5;
	v55 =	vld.idx.msk [tilespmem:v47+s15+$0x0], $0xffff;
	v45 =	vmul.f32 v44, v41;
	v6 =	vadd.f32 v17, v6  }
0x6c: {  	v7 =	vmul.f32 v7, v52;
	v53 =	vmul.f32 v43, v52;
	v57 =	vld.idx.msk [tilespmem:v49+s15+$0x0], $0xffff;
	v8 =	vadd.f32 v8, v9  }
0x6d: {  	v3 =	vmul.f32 v3, v5;
	v56 =	vmul.f32 v54, v5;
	v6 =	vadd.f32 v45, v6  }
0x6e: {  	v58 =	vunpack.i.l.bf16.f32 v2;
	v5 =	vld.idx.msk [tilespmem:v48+s2+$0x0], $0xffff;
	v2 =	vunpack.i.u.bf16.f32 v2;
	v8 =	vadd.f32 v53, v8  }
0x6f: {  	v59 =	vld.idx.msk [tilespmem:v51+s15+$0x0], $0xffff;
	v46 =	vunpack.i.l.bf16.f32 v4;
	v4 =	vunpack.i.u.bf16.f32 v4;
	v6 =	vadd.f32 v7, v6  }
0x70: {  	v4 =	vmul.f32 v4, v58;
	v62 =	vld.idx.msk [tilespmem:v1+s2+$0x0], $0xffff;
	v7 =	vmul.f32 v46, v58;
	v3 =	vadd.f32 v3, v8  }
0x71: {  	v1 =	vunpack.i.l.bf16.f32 v57;
	v60 =	vunpack.i.l.bf16.f32 v55;
	v8 =	vld.idx.msk [tilespmem:v50+s15+$0x0], $0xffff;
	v6 =	vadd.f32 v56, v6  }
0x72: {  	v61 =	vunpack.i.u.bf16.f32 v55;
	v3 =	vadd.f32 v7, v3;
	v7 =	vmul.f32 v60, v2  }
0x73: {  	v4 =	vadd.f32 v4, v6;
	v2 =	vmul.f32 v61, v2;
	v6 =	vunpack.i.l.bf16.f32 v5  }
0x74: {  	v0 =	vld.idx.msk [tilespmem:v0+s15+$0x0], $0xffff;
	v63 =	vunpack.i.u.bf16.f32 v59;
	v1 =	vmul.f32 v1, v6  }
0x75: {  	v3 =	vadd.f32 v7, v3;
	v7 =	vunpack.i.u.bf16.f32 v57;
	v4 =	vadd.f32 v2, v4  }
0x76: {  	v2 =	vunpack.i.u.bf16.f32 v5;
	v5 =	vunpack.i.u.bf16.f32 v8;
	v8 =	vunpack.i.l.bf16.f32 v8  }
0x77: {  	v6 =	vmul.f32 v7, v6;
	v3 =	vadd.f32 v1, v3;
	v7 =	vmul.f32 v8, v2  }
0x78: {  	v8 =	vunpack.i.l.bf16.f32 v62;
	v1 =	vmul.f32 v5, v2;
	v5 =	vunpack.i.l.bf16.f32 v59  }
0x79: {  	v2 =	vunpack.i.l.bf16.f32 v0;
	v3 =	vadd.f32 v7, v3;
	v7 =	vadd.f32 v6, v4  }
0x7a: {  	s22 =	simm.s32 $0x40;
	v6 =	vmul.f32 v5, v8;
	v5 =	vunpack.i.u.bf16.f32 v62;
	v4 =	vmul.f32 v63, v8  }
.LBB2_2:
0x7b: {  	s23 =	sshra.s32 s22, $0x2;
	p0 =	sne.s32 s22, $0x1840;
	s22 =	sadd.s32 $0x40, s22;
	v7 =	vadd.f32 v1, v7;
	v0 =	vunpack.i.u.bf16.f32 v0  }
0x7c: {  	v3 =	vadd.f32 v6, v3;
	v2 =	vmul.f32 v2, v5;
	v1 =	vld [tilespmem:s23+$0x14000];
	v5 =	vmul.f32 v0, v5  }
0x7d: {  	v0 =	vld [tilespmem:s23+$0x14680];
	v4 =	vadd.f32 v4, v7  }
0x7e: {  	v2 =	vadd.f32 v2, v3  }
0x7f: {  	v3 =	vadd.f32 v5, v4  }
0x80: {  	[tilespmem:s21+$0x14D00] =	vst v2  }
0x81: {  	v5 =	vadd.s32 $0x800, v1;
	v13 =	vadd.s32 $0x1800, v1;
	v2 =	vadd.s32 $0x6800, v1;
	[tilespmem:s21+$0x15380] =	vst v3;
	s21 =	smov.u32 s23  }
0x82: {  	v16 =	vadd.s32 $0x2000, v1;
	v7 =	vadd.s32 $0x600, v0;
	v8 =	vadd.s32 $0xC00, v0  }
0x83: {  	v10 =	vadd.s32 $0x1000, v1;
	v9 =	vadd.s32 $0x1200, v0;
	v4 =	vadd.s32 $0x9C00, v0  }
0x84: {  	v18 =	vadd.s32 $0x2400, v0;
	v21 =	vadd.s32 $0x2A00, v0;
	v6 =	vadd.s32 $0x7800, v0;
	v15 =	vld.idx.msk [tilespmem:v1+s2+$0x0], $0xffff  }
0x85: {  	v23 =	vadd.s32 $0x2800, v1;
	v22 =	vadd.s32 $0x3600, v0;
	v24 =	vadd.s32 $0x6C00, v0;
	v20 =	vld.idx.msk [tilespmem:v0+s15+$0x0], $0xffff  }
0x86: {  	v19 =	vadd.s32 $0x3000, v1;
	v26 =	vadd.s32 $0x4200, v0;
	v3 =	vadd.s32 $0x9600, v0;
	v25 =	vld.idx.msk [tilespmem:v5+s2+$0x0], $0xffff  }
0x87: {  	v29 =	vadd.s32 $0x3800, v1;
	v28 =	vadd.s32 $0x4E00, v0;
	v5 =	vadd.s32 $0x6000, v1;
	v27 =	vld.idx.msk [tilespmem:v8+s15+$0x0], $0xffff  }
0x88: {  	v12 =	vadd.s32 $0x4000, v1;
	v31 =	vadd.s32 $0x3C00, v0;
	v14 =	vadd.s32 $0x5A00, v0;
	v30 =	vld.idx.msk [tilespmem:v10+s2+$0x0], $0xffff  }
0x89: {  	v11 =	vadd.s32 $0x4800, v1;
	v17 =	vadd.s32 $0x6600, v0;
	v32 =	vld.idx.msk [tilespmem:v7+s15+$0x0], $0xffff;
	v7 =	vadd.s32 $0x9000, v0  }
0x8a: {  	v10 =	vadd.s32 $0x7200, v0;
	v33 =	vunpack.i.u.bf16.f32 v15;
	v8 =	vunpack.i.l.bf16.f32 v15  }
0x8b: {  	v35 =	vadd.s32 $0x3000, v0;
	v15 =	vunpack.i.u.bf16.f32 v20;
	v20 =	vunpack.i.l.bf16.f32 v20;
	v34 =	vld.idx.msk [tilespmem:v9+s15+$0x0], $0xffff  }
0x8c: {  	v36 =	vmul.f32 v20, v8;
	v8 =	vmul.f32 v15, v8;
	v15 =	vadd.s32 $0x1800, v0;
	v20 =	vld.idx.msk [tilespmem:v24+s15+$0x0], $0xffff  }
0x8d: {  	v37 =	vadd.s32 $0x7E00, v0;
	v9 =	vadd.s32 $0x5800, v1;
	v24 =	vadd.s32 $0x1E00, v0;
	v21 =	vld.idx.msk [tilespmem:v21+s15+$0x0], $0xffff  }
0x8e: {  	v39 =	vunpack.i.l.bf16.f32 v25;
	v36 =	vadd.f32 $0.0e+00, v36;
	v38 =	vadd.f32 $0.0e+00, v8  }
0x8f: {  	v41 =	vunpack.i.l.bf16.f32 v27;
	v8 =	vadd.s32 $0x8A00, v0;
	v40 =	vunpack.i.l.bf16.f32 v32;
	v42 =	vld.idx.msk [tilespmem:v18+s15+$0x0], $0xffff  }
0x90: {  	v25 =	vunpack.i.u.bf16.f32 v25;
	v27 =	vunpack.i.u.bf16.f32 v27;
	v18 =	vunpack.i.u.bf16.f32 v32;
	v32 =	vld.idx.msk [tilespmem:v35+s15+$0x0], $0xffff  }
0x91: {  	v44 =	vadd.s32 $0x6000, v0;
	v18 =	vmul.f32 v18, v33;
	v35 =	vunpack.i.l.bf16.f32 v30;
	v43 =	vld.idx.msk [tilespmem:v15+s15+$0x0], $0xffff  }
0x92: {  	v45 =	vadd.s32 $0x4800, v0;
	v46 =	vadd.s32 $0x5400, v0;
	v41 =	vmul.f32 v41, v39;
	v24 =	vld.idx.msk [tilespmem:v24+s15+$0x0], $0xffff  }
0x93: {  	v27 =	vmul.f32 v27, v39;
	v18 =	vadd.f32 v18, v38;
	v38 =	vunpack.i.u.bf16.f32 v34;
	v22 =	vld.idx.msk [tilespmem:v22+s15+$0x0], $0xffff  }
0x94: {  	v33 =	vmul.f32 v40, v33;
	v30 =	vunpack.i.u.bf16.f32 v30;
	v15 =	vadd.s32 $0x5000, v1;
	v31 =	vld.idx.msk [tilespmem:v31+s15+$0x0], $0xffff  }
0x95: {  	v18 =	vadd.f32 v27, v18;
	v27 =	vmul.f32 v38, v25;
	v38 =	vunpack.i.u.bf16.f32 v21;
	v23 =	vld.idx.msk [tilespmem:v23+s2+$0x0], $0xffff  }
0x96: {  	v33 =	vadd.f32 v33, v36;
	v21 =	vunpack.i.l.bf16.f32 v21;
	v39 =	vunpack.i.u.bf16.f32 v32;
	v36 =	vld.idx.msk [tilespmem:v13+s2+$0x0], $0xffff  }
0x97: {  	v34 =	vunpack.i.l.bf16.f32 v34;
	v32 =	vunpack.i.l.bf16.f32 v32;
	v27 =	vadd.f32 v27, v18  }
0x98: {  	v33 =	vadd.f32 v41, v33;
	v18 =	vunpack.i.u.bf16.f32 v43;
	v40 =	vunpack.i.u.bf16.f32 v24;
	v13 =	vld.idx.msk [tilespmem:v37+s15+$0x0], $0xffff  }
0x99: {  	v41 =	vmul.f32 v18, v35;
	v37 =	vunpack.i.l.bf16.f32 v43;
	v40 =	vmul.f32 v40, v30;
	v43 =	vld.idx.msk [tilespmem:v16+s2+$0x0], $0xffff  }
0x9a: {  	v35 =	vmul.f32 v37, v35;
	v37 =	vunpack.i.l.bf16.f32 v22;
	v47 =	vunpack.i.u.bf16.f32 v31  }
0x9b: {  	v48 =	vunpack.i.u.bf16.f32 v42;
	v18 =	vadd.s32 $0x8400, v0;
	v49 =	vunpack.i.l.bf16.f32 v23  }
0x9c: {  	v27 =	vadd.f32 v41, v27;
	v22 =	vunpack.i.u.bf16.f32 v22;
	v41 =	vunpack.i.u.bf16.f32 v36;
	v29 =	vld.idx.msk [tilespmem:v29+s2+$0x0], $0xffff  }
0x9d: {  	v24 =	vunpack.i.l.bf16.f32 v24;
	v16 =	vunpack.i.l.bf16.f32 v42;
	v36 =	vunpack.i.l.bf16.f32 v36;
	v42 =	vld.idx.msk [tilespmem:v45+s15+$0x0], $0xffff  }
0x9e: {  	v25 =	vmul.f32 v34, v25;
	v34 =	vmul.f32 v16, v36;
	v16 =	vunpack.i.l.bf16.f32 v13  }
0x9f: {  	v50 =	vunpack.i.u.bf16.f32 v20;
	v21 =	vmul.f32 v21, v41;
	v45 =	vunpack.i.l.bf16.f32 v43;
	v26 =	vld.idx.msk [tilespmem:v26+s15+$0x0], $0xffff  }
0xa0: {  	v25 =	vadd.f32 v25, v33;
	v33 =	vmul.f32 v48, v36;
	v36 =	vmul.f32 v38, v41  }
0xa1: {  	v38 =	vunpack.i.u.bf16.f32 v43;
	v32 =	vmul.f32 v32, v45;
	v39 =	vmul.f32 v39, v45;
	v28 =	vld.idx.msk [tilespmem:v28+s15+$0x0], $0xffff  }
0xa2: {  	v24 =	vmul.f32 v24, v30;
	v23 =	vunpack.i.u.bf16.f32 v23;
	v25 =	vadd.f32 v35, v25  }
0xa3: {  	v22 =	vmul.f32 v22, v38;
	v35 =	vunpack.i.u.bf16.f32 v29;
	v30 =	vunpack.i.l.bf16.f32 v42;
	v19 =	vld.idx.msk [tilespmem:v19+s2+$0x0], $0xffff  }
0xa4: {  	v24 =	vadd.f32 v24, v25;
	v25 =	vmul.f32 v37, v38;
	v29 =	vunpack.i.l.bf16.f32 v29  }
0xa5: {  	v31 =	vunpack.i.l.bf16.f32 v31;
	v38 =	vmul.f32 v47, v49;
	v37 =	vunpack.i.u.bf16.f32 v26;
	v41 =	vld.idx.msk [tilespmem:v46+s15+$0x0], $0xffff  }
0xa6: {  	v27 =	vadd.f32 v40, v27;
	v31 =	vmul.f32 v31, v49;
	v40 =	vunpack.i.u.bf16.f32 v42;
	v17 =	vld.idx.msk [tilespmem:v17+s15+$0x0], $0xffff  }
0xa7: {  	v24 =	vadd.f32 v34, v24;
	v26 =	vunpack.i.l.bf16.f32 v26;
	v34 =	vmul.f32 v37, v23;
	v37 =	vld.idx.msk [tilespmem:v44+s15+$0x0], $0xffff  }
0xa8: {  	v20 =	vunpack.i.l.bf16.f32 v20;
	v23 =	vmul.f32 v26, v23;
	v26 =	vunpack.i.l.bf16.f32 v28  }
0xa9: {  	v27 =	vadd.f32 v33, v27;
	v33 =	vunpack.i.u.bf16.f32 v19;
	v19 =	vunpack.i.l.bf16.f32 v19;
	v14 =	vld.idx.msk [tilespmem:v14+s15+$0x0], $0xffff  }
0xaa: {  	v21 =	vadd.f32 v21, v24;
	v24 =	vunpack.i.u.bf16.f32 v28;
	v28 =	vmul.f32 v40, v19  }
0xab: {  	v27 =	vadd.f32 v36, v27;
	v19 =	vmul.f32 v30, v19;
	v24 =	vmul.f32 v24, v33;
	v12 =	vld.idx.msk [tilespmem:v12+s2+$0x0], $0xffff  }
0xac: {  	v21 =	vadd.f32 v32, v21;
	v26 =	vmul.f32 v26, v33;
	v30 =	vunpack.i.u.bf16.f32 v17  }
0xad: {  	v27 =	vadd.f32 v39, v27;
	v32 =	vunpack.i.u.bf16.f32 v41;
	v33 =	vunpack.i.u.bf16.f32 v37  }
0xae: {  	v21 =	vadd.f32 v25, v21;
	v25 =	vunpack.i.l.bf16.f32 v41;
	v32 =	vmul.f32 v32, v29  }
0xaf: {  	v22 =	vadd.f32 v22, v27;
	v25 =	vmul.f32 v25, v29;
	v27 =	vunpack.i.u.bf16.f32 v14;
	v11 =	vld.idx.msk [tilespmem:v11+s2+$0x0], $0xffff  }
0xb0: {  	v21 =	vadd.f32 v31, v21;
	v14 =	vunpack.i.l.bf16.f32 v14;
	v27 =	vmul.f32 v27, v35  }
0xb1: {  	v22 =	vadd.f32 v38, v22;
	v14 =	vmul.f32 v14, v35;
	v29 =	vunpack.i.l.bf16.f32 v12;
	v10 =	vld.idx.msk [tilespmem:v10+s15+$0x0], $0xffff  }
0xb2: {  	v21 =	vadd.f32 v23, v21;
	v23 =	vunpack.i.l.bf16.f32 v37;
	v31 =	vmul.f32 v33, v29  }
0xb3: {  	v22 =	vadd.f32 v34, v22;
	v12 =	vunpack.i.u.bf16.f32 v12;
	v23 =	vmul.f32 v23, v29;
	v15 =	vld.idx.msk [tilespmem:v15+s2+$0x0], $0xffff  }
0xb4: {  	v19 =	vadd.f32 v19, v21;
	v17 =	vunpack.i.l.bf16.f32 v17;
	v21 =	vmul.f32 v30, v12;
	v6 =	vld.idx.msk [tilespmem:v6+s15+$0x0], $0xffff  }
0xb5: {  	v22 =	vadd.f32 v28, v22;
	v12 =	vmul.f32 v17, v12;
	v17 =	vunpack.i.l.bf16.f32 v11  }
0xb6: {  	v19 =	vadd.f32 v26, v19;
	v11 =	vunpack.i.u.bf16.f32 v11;
	v26 =	vmul.f32 v50, v17  }
0xb7: {  	v22 =	vadd.f32 v24, v22;
	v17 =	vmul.f32 v20, v17;
	v24 =	vunpack.i.u.bf16.f32 v10;
	v7 =	vld.idx.msk [tilespmem:v7+s15+$0x0], $0xffff  }
0xb8: {  	v19 =	vadd.f32 v25, v19;
	v10 =	vunpack.i.l.bf16.f32 v10;
	v20 =	vmul.f32 v24, v11;
	v9 =	vld.idx.msk [tilespmem:v9+s2+$0x0], $0xffff  }
0xb9: {  	v22 =	vadd.f32 v32, v22;
	v10 =	vmul.f32 v10, v11;
	v11 =	vunpack.i.u.bf16.f32 v15;
	v18 =	vld.idx.msk [tilespmem:v18+s15+$0x0], $0xffff  }
0xba: {  	v14 =	vadd.f32 v14, v19;
	v15 =	vunpack.i.l.bf16.f32 v15;
	v19 =	vunpack.i.l.bf16.f32 v6  }
0xbb: {  	v22 =	vadd.f32 v27, v22;
	v6 =	vunpack.i.u.bf16.f32 v6;
	v19 =	vmul.f32 v19, v15;
	v8 =	vld.idx.msk [tilespmem:v8+s15+$0x0], $0xffff  }
0xbc: {  	v13 =	vunpack.i.u.bf16.f32 v13;
	v14 =	vadd.f32 v23, v14;
	v6 =	vmul.f32 v6, v15  }
0xbd: {  	v16 =	vmul.f32 v16, v11;
	v11 =	vmul.f32 v13, v11;
	v15 =	vadd.f32 v31, v22  }
0xbe: {  	v12 =	vadd.f32 v12, v14;
	v13 =	vunpack.i.u.bf16.f32 v9;
	v9 =	vunpack.i.l.bf16.f32 v9;
	v4 =	vld.idx.msk [tilespmem:v4+s15+$0x0], $0xffff  }
0xbf: {  	v14 =	vadd.f32 v21, v15;
	v21 =	vunpack.i.l.bf16.f32 v7;
	v15 =	vunpack.i.u.bf16.f32 v18  }
0xc0: {  	v12 =	vadd.f32 v17, v12;
	v17 =	vunpack.i.l.bf16.f32 v18;
	v15 =	vmul.f32 v15, v9  }
0xc1: {  	v14 =	vadd.f32 v26, v14;
	v9 =	vmul.f32 v17, v9;
	v18 =	vunpack.i.u.bf16.f32 v8;
	v5 =	vld.idx.msk [tilespmem:v5+s2+$0x0], $0xffff  }
0xc2: {  	v10 =	vadd.f32 v10, v12;
	v8 =	vunpack.i.l.bf16.f32 v8;
	v12 =	vmul.f32 v18, v13  }
0xc3: {  	v7 =	vunpack.i.u.bf16.f32 v7;
	v14 =	vadd.f32 v20, v14;
	v8 =	vmul.f32 v8, v13;
	v3 =	vld.idx.msk [tilespmem:v3+s15+$0x0], $0xffff  }
0xc4: {  	v10 =	vadd.f32 v19, v10;
	v17 =	vadd.s32 $0xA200, v0;
	v13 =	vunpack.i.l.bf16.f32 v4  }
0xc5: {  	v18 =	vadd.s32 $0xA800, v0;
	v6 =	vadd.f32 v6, v14;
	v14 =	vadd.s32 $0x7000, v1;
	v2 =	vld.idx.msk [tilespmem:v2+s2+$0x0], $0xffff  }
0xc6: {  	v19 =	vadd.s32 $0xB400, v0;
	v10 =	vadd.f32 v16, v10;
	v16 =	vadd.s32 $0xAE00, v0  }
0xc7: {  	v1 =	vadd.s32 $0x7800, v1;
	v6 =	vadd.f32 v11, v6;
	v11 =	vunpack.i.l.bf16.f32 v5  }
0xc8: {  	v9 =	vadd.f32 v9, v10;
	v5 =	vunpack.i.u.bf16.f32 v5;
	v10 =	vmul.f32 v21, v11  }
0xc9: {  	v6 =	vadd.f32 v15, v6;
	v7 =	vmul.f32 v7, v11;
	v15 =	vunpack.i.u.bf16.f32 v3;
	v11 =	vld.idx.msk [tilespmem:v17+s15+$0x0], $0xffff  }
0xca: {  	v8 =	vadd.f32 v8, v9;
	v3 =	vunpack.i.l.bf16.f32 v3;
	v9 =	vmul.f32 v15, v5;
	v15 =	vld.idx.msk [tilespmem:v18+s15+$0x0], $0xffff  }
0xcb: {  	v0 =	vadd.s32 $0xBA00, v0;
	v6 =	vadd.f32 v12, v6;
	v12 =	vunpack.i.l.bf16.f32 v2;
	v17 =	vld.idx.msk [tilespmem:v19+s15+$0x0], $0xffff  }
0xcc: {  	v4 =	vunpack.i.u.bf16.f32 v4;
	v8 =	vadd.f32 v10, v8;
	v3 =	vmul.f32 v3, v5;
	v5 =	vld.idx.msk [tilespmem:v14+s2+$0x0], $0xffff  }
0xcd: {  	v6 =	vadd.f32 v7, v6;
	v4 =	vmul.f32 v4, v12;
	v10 =	vld.idx.msk [tilespmem:v1+s2+$0x0], $0xffff  }
0xce: {  	v2 =	vunpack.i.u.bf16.f32 v2;
	v1 =	vadd.f32 v3, v8;
	v3 =	vmul.f32 v13, v12;
	v7 =	vld.idx.msk [tilespmem:v16+s15+$0x0], $0xffff  }
0xcf: {  	v6 =	vadd.f32 v9, v6;
	v8 =	vunpack.i.u.bf16.f32 v11;
	v9 =	vunpack.i.l.bf16.f32 v11  }
0xd0: {  	v1 =	vadd.f32 v3, v1;
	v3 =	vmul.f32 v9, v2;
	v9 =	vunpack.i.l.bf16.f32 v15;
	v0 =	vld.idx.msk [tilespmem:v0+s15+$0x0], $0xffff  }
0xd1: {  	v4 =	vadd.f32 v4, v6;
	v2 =	vmul.f32 v8, v2;
	v8 =	vunpack.i.u.bf16.f32 v17  }
0xd2: {  	v6 =	vunpack.i.u.bf16.f32 v15;
	v1 =	vadd.f32 v3, v1;
	v3 =	vunpack.i.l.bf16.f32 v5  }
0xd3: {  	v4 =	vadd.f32 v2, v4;
	v2 =	vunpack.i.u.bf16.f32 v5;
	v5 =	vmul.f32 v9, v3  }
.Ltmp0:
0xd4: {  	v6 =	vmul.f32 v6, v3;
	v9 =	vunpack.i.u.bf16.f32 v7;
	v7 =	vunpack.i.l.bf16.f32 v7;
	(pc) =	sbr.rel @p0 .LBB2_2-.Ltmp0, $4  }
0xd5: {  	v11 =	vunpack.i.l.bf16.f32 v10;
	v3 =	vadd.f32 v5, v1;
	v5 =	vmul.f32 v7, v2  }
0xd6: {  	v1 =	vmul.f32 v9, v2;
	v9 =	vunpack.i.l.bf16.f32 v17;
	v2 =	vunpack.i.l.bf16.f32 v0  }
0xd7: {  	v7 =	vadd.f32 v6, v4;
	v6 =	vmul.f32 v9, v11;
	v3 =	vadd.f32 v5, v3  }
0xd8: {  	v4 =	vmul.f32 v8, v11;
	v5 =	vunpack.i.u.bf16.f32 v10  }
0xd9: {  	v1 =	vadd.f32 v1, v7  }
0xda: {  	v0 =	vunpack.i.u.bf16.f32 v0;
	v3 =	vadd.f32 v6, v3;
	v2 =	vmul.f32 v2, v5  }
0xdb: {  	v0 =	vmul.f32 v0, v5;
	v1 =	vadd.f32 v4, v1  }
0xdc: {  	v2 =	vadd.f32 v2, v3  }
0xdd: {  	v0 =	vadd.f32 v0, v1  }
0xde: {  	[tilespmem:s21+$0x14D00] =	vst v2  }
0xdf: {  	s31 =	simm.s32 $0x0;
	[tilespmem:s21+$0x15380] =	vst v0  }
0xe0: {  	[hbm4b:s6+s31] =	stream.linear.scatter [tilespmem:s18], [sflag:$0x1], $0x620, $0x38;
	[tilespmem:$0x15A00] =	vst v63  }
0xe1: {  	_ =	swait.ge [sflag:s14], $0x620  }
0xe2: {  	[sflag:s14] =	ssyncset.done $0x0  }
0xe3: {  	[sflag:s14] =	ssyncadd.s32 $0xFFFFF9E0  }
0xe4: {  	[hbm4b:s8+s31] =	stream.linear.scatter [tilespmem:s19], [sflag:$0x1], $0x620, $0x38;
	[tilespmem:$0x15A00] =	vst v63  }
0xe5: {  	_ =	swait.ge [sflag:s14], $0x620  }
0xe6: {  	[sflag:s14] =	ssyncset.done $0x0  }
0xe7: {  	[sflag:s14] =	ssyncadd.s32 $0xFFFFF9E0  }
0xe8: {  	[tilespmem:s16], [sflag:$0x1] =	stream.linear.gather [hbm4b:s9+s31], $0x620, $0x38;
	[tilespmem:$0x15A00] =	vst v63  }
0xe9: {  	_ =	swait.ge [sflag:s14], $0x620  }
0xea: {  	[sflag:s14] =	ssyncset.done $0x0  }
0xeb: {  	[sflag:s14] =	ssyncadd.s32 $0xFFFFF9E0  }
0xec: {  	[tilespmem:s17], [sflag:$0x1] =	stream.linear.gather [hbm4b:s10+s31], $0x620, $0x38;
	[tilespmem:$0x15A00] =	vst v63  }
0xed: {  	_ =	swait.ge [sflag:s14], $0x620  }
0xee: {  	[sflag:s14] =	ssyncset.done $0x0  }
0xef: {  	s21 =	simm.s32 $0x0;
	[sflag:s14] =	ssyncadd.s32 $0xFFFFF9E0  }
0xf0: {  	v1 =	vld [tilespmem:s21+$0x14000]  }
0xf1: {  	v0 =	vld [tilespmem:s21+$0x14680];
	_ =	sdelay $0x3  }
0xf2: {  	v7 =	vadd.s32 $0x800, v1  }
0xf3: {  	v8 =	vadd.s32 $0x600, v0  }
0xf4: {  	v9 =	vadd.s32 $0xC00, v0  }
0xf5: {  	v13 =	vadd.s32 $0x1800, v1;
	v16 =	vadd.s32 $0x1000, v1;
	v10 =	vld.idx.msk [tilespmem:v1+s2+$0x0], $0xffff  }
0xf6: {  	v2 =	vadd.s32 $0x6800, v1;
	v14 =	vadd.s32 $0x2000, v1;
	v15 =	vadd.s32 $0x1200, v0;
	v20 =	vld.idx.msk [tilespmem:v0+s15+$0x0], $0xffff  }
0xf7: {  	v4 =	vadd.s32 $0x9C00, v0;
	v17 =	vadd.s32 $0x2400, v0;
	v18 =	vadd.s32 $0x2A00, v0;
	v28 =	vld.idx.msk [tilespmem:v7+s2+$0x0], $0xffff  }
0xf8: {  	v6 =	vadd.s32 $0x7800, v0;
	v19 =	vadd.s32 $0x3600, v0;
	v21 =	vadd.s32 $0x2800, v1;
	v31 =	vld.idx.msk [tilespmem:v8+s15+$0x0], $0xffff  }
0xf9: {  	v22 =	vadd.s32 $0x6C00, v0;
	v23 =	vadd.s32 $0x4200, v0;
	v34 =	vadd.s32 $0x3000, v0;
	v33 =	vld.idx.msk [tilespmem:v9+s15+$0x0], $0xffff  }
0xfa: {  	v24 =	vadd.s32 $0x3000, v1;
	v3 =	vadd.s32 $0x9600, v0;
	v36 =	vadd.s32 $0x1E00, v0;
	v16 =	vld.idx.msk [tilespmem:v16+s2+$0x0], $0xffff  }
0xfb: {  	v25 =	vadd.s32 $0x4E00, v0;
	v26 =	vadd.s32 $0x3800, v1;
	v5 =	vadd.s32 $0x6000, v1;
	v15 =	vld.idx.msk [tilespmem:v15+s15+$0x0], $0xffff  }
0xfc: {  	v27 =	vadd.s32 $0x3C00, v0;
	v29 =	vadd.s32 $0x5A00, v0;
	v12 =	vadd.s32 $0x4000, v1;
	v18 =	vld.idx.msk [tilespmem:v18+s15+$0x0], $0xffff  }
0xfd: {  	v30 =	vadd.s32 $0x6600, v0;
	v11 =	vadd.s32 $0x4800, v1;
	v58 =	vadd.s32 $0x1800, v0;
	v17 =	vld.idx.msk [tilespmem:v17+s15+$0x0], $0xffff  }
0xfe: {  	v37 =	vadd.s32 $0x7E00, v0;
	v43 =	vadd.s32 $0x6000, v0;
	v44 =	vadd.s32 $0x4800, v0;
	v34 =	vld.idx.msk [tilespmem:v34+s15+$0x0], $0xffff  }
0xff: {  	v48 =	vadd.s32 $0x8400, v0;
	v7 =	vadd.s32 $0x9000, v0;
	v9 =	vadd.s32 $0x5800, v1;
	v36 =	vld.idx.msk [tilespmem:v36+s15+$0x0], $0xffff  }
0x100: {  	v19 =	vld.idx.msk [tilespmem:v19+s15+$0x0], $0xffff;
	v32 =	vunpack.i.u.bf16.f32 v10;
	v8 =	vunpack.i.l.bf16.f32 v10;
	v57 =	vunpack.i.l.bf16.f32 v20  }
0x101: {  	v27 =	vld.idx.msk [tilespmem:v27+s15+$0x0], $0xffff;
	v10 =	vadd.s32 $0x7200, v0;
	v20 =	vunpack.i.u.bf16.f32 v20;
	v35 =	vmul.f32 v57, v8  }
0x102: {  	v21 =	vld.idx.msk [tilespmem:v21+s2+$0x0], $0xffff;
	v8 =	vmul.f32 v20, v8;
	v39 =	vunpack.i.l.bf16.f32 v28;
	v40 =	vunpack.i.l.bf16.f32 v31  }
0x103: {  	v13 =	vld.idx.msk [tilespmem:v13+s2+$0x0], $0xffff;
	v41 =	vunpack.i.l.bf16.f32 v33;
	v31 =	vunpack.i.u.bf16.f32 v31;
	v28 =	vunpack.i.u.bf16.f32 v28  }
0x104: {  	v37 =	vld.idx.msk [tilespmem:v37+s15+$0x0], $0xffff;
	v33 =	vunpack.i.u.bf16.f32 v33;
	v42 =	vunpack.i.l.bf16.f32 v16;
	v59 =	vunpack.i.u.bf16.f32 v15  }
0x105: {  	v14 =	vld.idx.msk [tilespmem:v14+s2+$0x0], $0xffff;
	v16 =	vunpack.i.u.bf16.f32 v16;
	v61 =	vunpack.i.u.bf16.f32 v18;
	v18 =	vunpack.i.l.bf16.f32 v18  }
0x106: {  	v22 =	vld.idx.msk [tilespmem:v22+s15+$0x0], $0xffff;
	v62 =	vunpack.i.u.bf16.f32 v34;
	v15 =	vunpack.i.l.bf16.f32 v15;
	v63 =	vunpack.i.l.bf16.f32 v34  }
0x107: {  	v45 =	vunpack.i.u.bf16.f32 v36;
	v53 =	vunpack.i.l.bf16.f32 v19;
	v54 =	vunpack.i.u.bf16.f32 v27  }
0x108: {  	v46 =	vunpack.i.u.bf16.f32 v17;
	v47 =	vunpack.i.l.bf16.f32 v21;
	v55 =	vunpack.i.u.bf16.f32 v13  }
0x109: {  	v19 =	vunpack.i.u.bf16.f32 v19;
	v36 =	vunpack.i.l.bf16.f32 v36;
	v13 =	vunpack.i.l.bf16.f32 v13  }
0x10a: {  	v56 =	vld.idx.msk [tilespmem:v44+s15+$0x0], $0xffff;
	v17 =	vunpack.i.l.bf16.f32 v17;
	v44 =	vunpack.i.l.bf16.f32 v37;
	v49 =	vunpack.i.l.bf16.f32 v14  }
0x10b: {  	v50 =	vunpack.i.u.bf16.f32 v22;
	v14 =	vunpack.i.u.bf16.f32 v14;
	v21 =	vunpack.i.u.bf16.f32 v21  }
0x10c: {  	v22 =	vunpack.i.l.bf16.f32 v22;
	v31 =	vmul.f32 v31, v32;
	v41 =	vmul.f32 v41, v39  }
0x10d: {  	v35 =	vadd.f32 $0.0e+00, v35;
	v33 =	vmul.f32 v33, v39;
	v32 =	vmul.f32 v40, v32  }
0x10e: {  	v38 =	vadd.f32 $0.0e+00, v8;
	v60 =	vmul.f32 v59, v28;
	v52 =	vmul.f32 v45, v16  }
0x10f: {  	v20 =	vld.idx.msk [tilespmem:v58+s15+$0x0], $0xffff;
	v8 =	vadd.s32 $0x8A00, v0;
	v15 =	vmul.f32 v15, v28;
	v17 =	vmul.f32 v17, v13  }
0x110: {  	v26 =	vld.idx.msk [tilespmem:v26+s2+$0x0], $0xffff;
	v40 =	vadd.s32 $0x5000, v1;
	v18 =	vmul.f32 v18, v55;
	v13 =	vmul.f32 v46, v13  }
0x111: {  	v57 =	vmul.f32 v61, v55;
	v16 =	vmul.f32 v36, v16;
	v32 =	vadd.f32 v32, v35  }
0x112: {  	v30 =	vld.idx.msk [tilespmem:v30+s15+$0x0], $0xffff;
	v58 =	vmul.f32 v62, v49;
	v19 =	vmul.f32 v19, v14;
	v31 =	vadd.f32 v31, v38  }
0x113: {  	v6 =	vld.idx.msk [tilespmem:v6+s15+$0x0], $0xffff;
	v59 =	vunpack.i.l.bf16.f32 v56;
	v14 =	vmul.f32 v53, v14;
	v32 =	vadd.f32 v41, v32  }
0x114: {  	v51 =	vunpack.i.u.bf16.f32 v20;
	v20 =	vunpack.i.l.bf16.f32 v20;
	v31 =	vadd.f32 v33, v31  }
0x115: {  	v62 =	vunpack.i.l.bf16.f32 v26;
	v20 =	vmul.f32 v20, v42;
	v15 =	vadd.f32 v15, v32  }
0x116: {  	v45 =	vmul.f32 v54, v47;
	v34 =	vmul.f32 v51, v42;
	v31 =	vadd.f32 v60, v31  }
0x117: {  	v23 =	vld.idx.msk [tilespmem:v23+s15+$0x0], $0xffff;
	v28 =	vunpack.i.u.bf16.f32 v56;
	v53 =	vunpack.i.u.bf16.f32 v30;
	v15 =	vadd.f32 v20, v15  }
0x118: {  	v25 =	vld.idx.msk [tilespmem:v25+s15+$0x0], $0xffff;
	v36 =	vunpack.i.l.bf16.f32 v6;
	v6 =	vunpack.i.u.bf16.f32 v6;
	v31 =	vadd.f32 v34, v31  }
0x119: {  	v9 =	vld.idx.msk [tilespmem:v9+s2+$0x0], $0xffff;
	v39 =	vunpack.i.u.bf16.f32 v37;
	v38 =	vadd.s32 $0x5400, v0;
	v15 =	vadd.f32 v16, v15  }
0x11a: {  	v35 =	vld.idx.msk [tilespmem:v48+s15+$0x0], $0xffff;
	v48 =	vadd.s32 $0x7000, v1;
	v1 =	vadd.s32 $0x7800, v1;
	v31 =	vadd.f32 v52, v31  }
0x11b: {  	v61 =	vld.idx.msk [tilespmem:v24+s2+$0x0], $0xffff;
	v33 =	vmul.f32 v63, v49;
	v63 =	vunpack.i.l.bf16.f32 v27;
	v15 =	vadd.f32 v17, v15  }
0x11c: {  	v42 =	vunpack.i.u.bf16.f32 v23;
	v23 =	vunpack.i.l.bf16.f32 v23;
	v13 =	vadd.f32 v13, v31  }
0x11d: {  	v49 =	vunpack.i.l.bf16.f32 v25;
	v25 =	vunpack.i.u.bf16.f32 v25;
	v15 =	vadd.f32 v18, v15  }
0x11e: {  	v11 =	vld.idx.msk [tilespmem:v11+s2+$0x0], $0xffff;
	v41 =	vunpack.i.u.bf16.f32 v9;
	v9 =	vunpack.i.l.bf16.f32 v9;
	v13 =	vadd.f32 v57, v13  }
0x11f: {  	v7 =	vld.idx.msk [tilespmem:v7+s15+$0x0], $0xffff;
	v46 =	vmul.f32 v42, v21;
	v21 =	vmul.f32 v23, v21;
	v15 =	vadd.f32 v33, v15  }
0x120: {  	v51 =	vunpack.i.u.bf16.f32 v61;
	v60 =	vunpack.i.u.bf16.f32 v26;
	v13 =	vadd.f32 v58, v13  }
0x121: {  	v10 =	vld.idx.msk [tilespmem:v10+s15+$0x0], $0xffff;
	v26 =	vmul.f32 v63, v47;
	v25 =	vmul.f32 v25, v51;
	v14 =	vadd.f32 v14, v15  }
0x122: {  	v47 =	vld.idx.msk [tilespmem:v43+s15+$0x0], $0xffff;
	v27 =	vmul.f32 v49, v51;
	v63 =	vunpack.i.l.bf16.f32 v30;
	v13 =	vadd.f32 v19, v13  }
0x123: {  	v30 =	vunpack.i.l.bf16.f32 v11;
	v11 =	vunpack.i.u.bf16.f32 v11;
	v38 =	vld.idx.msk [tilespmem:v38+s15+$0x0], $0xffff;
	v14 =	vadd.f32 v26, v14  }
0x124: {  	v43 =	vunpack.i.l.bf16.f32 v7;
	v16 =	vunpack.i.l.bf16.f32 v61;
	v13 =	vadd.f32 v45, v13  }
0x125: {  	v52 =	vld.idx.msk [tilespmem:v29+s15+$0x0], $0xffff;
	v28 =	vmul.f32 v28, v16;
	v16 =	vmul.f32 v59, v16;
	v14 =	vadd.f32 v21, v14  }
0x126: {  	v7 =	vunpack.i.u.bf16.f32 v7;
	v49 =	vadd.s32 $0xA800, v0;
	v13 =	vadd.f32 v46, v13  }
0x127: {  	v12 =	vld.idx.msk [tilespmem:v12+s2+$0x0], $0xffff;
	v51 =	vadd.s32 $0xB400, v0;
	v32 =	vunpack.i.u.bf16.f32 v10;
	v14 =	vadd.f32 v16, v14  }
0x128: {  	v59 =	vunpack.i.l.bf16.f32 v47;
	v56 =	vunpack.i.l.bf16.f32 v38;
	v13 =	vadd.f32 v28, v13  }
0x129: {  	v54 =	vunpack.i.u.bf16.f32 v38;
	v15 =	vmul.f32 v56, v62;
	v14 =	vadd.f32 v27, v14  }
0x12a: {  	v20 =	vmul.f32 v54, v62;
	v18 =	vunpack.i.l.bf16.f32 v52;
	v13 =	vadd.f32 v25, v13  }
0x12b: {  	v57 =	vunpack.i.u.bf16.f32 v52;
	v18 =	vmul.f32 v18, v60;
	v14 =	vadd.f32 v15, v14  }
0x12c: {  	v58 =	vunpack.i.l.bf16.f32 v12;
	v19 =	vmul.f32 v57, v60;
	v13 =	vadd.f32 v20, v13  }
0x12d: {  	v55 =	vunpack.i.u.bf16.f32 v47;
	v61 =	vmul.f32 v59, v58;
	v14 =	vadd.f32 v18, v14  }
0x12e: {  	v12 =	vunpack.i.u.bf16.f32 v12;
	v60 =	vmul.f32 v55, v58;
	v13 =	vadd.f32 v19, v13  }
0x12f: {  	v29 =	vmul.f32 v53, v12;
	v12 =	vmul.f32 v63, v12;
	v62 =	vld.idx.msk [tilespmem:v40+s2+$0x0], $0xffff;
	v14 =	vadd.f32 v61, v14  }
0x130: {  	v10 =	vunpack.i.l.bf16.f32 v10;
	v42 =	vunpack.i.u.bf16.f32 v35;
	v13 =	vadd.f32 v60, v13  }
0x131: {  	v10 =	vmul.f32 v10, v11;
	v21 =	vmul.f32 v22, v30;
	v12 =	vadd.f32 v12, v14  }
0x132: {  	v3 =	vld.idx.msk [tilespmem:v3+s15+$0x0], $0xffff;
	v47 =	vadd.s32 $0xA200, v0;
	v31 =	vmul.f32 v50, v30;
	v13 =	vadd.f32 v29, v13  }
0x133: {  	v17 =	vmul.f32 v42, v9;
	v50 =	vadd.s32 $0xAE00, v0;
	v12 =	vadd.f32 v21, v12  }
0x134: {  	v33 =	vmul.f32 v32, v11;
	v16 =	vunpack.i.l.bf16.f32 v62;
	v13 =	vadd.f32 v31, v13  }
0x135: {  	v8 =	vld.idx.msk [tilespmem:v8+s15+$0x0], $0xffff;
	v0 =	vadd.s32 $0xBA00, v0;
	v38 =	vmul.f32 v36, v16;
	v10 =	vadd.f32 v10, v12  }
0x136: {  	v5 =	vld.idx.msk [tilespmem:v5+s2+$0x0], $0xffff;
	v34 =	vunpack.i.u.bf16.f32 v62;
	v6 =	vmul.f32 v6, v16;
	v13 =	vadd.f32 v33, v13  }
0x137: {  	v54 =	vunpack.i.u.bf16.f32 v3;
	v40 =	vmul.f32 v44, v34;
	v10 =	vadd.f32 v38, v10  }
0x138: {  	v11 =	vmul.f32 v39, v34;
	v18 =	vunpack.i.l.bf16.f32 v35;
	v6 =	vadd.f32 v6, v13  }
0x139: {  	v3 =	vunpack.i.l.bf16.f32 v3;
	v9 =	vmul.f32 v18, v9;
	v10 =	vadd.f32 v40, v10  }
0x13a: {  	v2 =	vld.idx.msk [tilespmem:v2+s2+$0x0], $0xffff;
	v44 =	vunpack.i.u.bf16.f32 v8;
	v8 =	vunpack.i.l.bf16.f32 v8;
	v6 =	vadd.f32 v11, v6  }
0x13b: {  	v4 =	vld.idx.msk [tilespmem:v4+s15+$0x0], $0xffff;
	v52 =	vunpack.i.l.bf16.f32 v5;
	v8 =	vmul.f32 v8, v41;
	v9 =	vadd.f32 v9, v10  }
0x13c: {  	v5 =	vunpack.i.u.bf16.f32 v5;
	v55 =	vld.idx.msk [tilespmem:v47+s15+$0x0], $0xffff;
	v45 =	vmul.f32 v44, v41;
	v6 =	vadd.f32 v17, v6  }
0x13d: {  	v7 =	vmul.f32 v7, v52;
	v53 =	vmul.f32 v43, v52;
	v57 =	vld.idx.msk [tilespmem:v49+s15+$0x0], $0xffff;
	v8 =	vadd.f32 v8, v9  }
0x13e: {  	v3 =	vmul.f32 v3, v5;
	v56 =	vmul.f32 v54, v5;
	v6 =	vadd.f32 v45, v6  }
0x13f: {  	v58 =	vunpack.i.l.bf16.f32 v2;
	v5 =	vld.idx.msk [tilespmem:v48+s2+$0x0], $0xffff;
	v2 =	vunpack.i.u.bf16.f32 v2;
	v8 =	vadd.f32 v53, v8  }
0x140: {  	v59 =	vld.idx.msk [tilespmem:v51+s15+$0x0], $0xffff;
	v46 =	vunpack.i.l.bf16.f32 v4;
	v4 =	vunpack.i.u.bf16.f32 v4;
	v6 =	vadd.f32 v7, v6  }
0x141: {  	v4 =	vmul.f32 v4, v58;
	v62 =	vld.idx.msk [tilespmem:v1+s2+$0x0], $0xffff;
	v7 =	vmul.f32 v46, v58;
	v3 =	vadd.f32 v3, v8  }
0x142: {  	v1 =	vunpack.i.l.bf16.f32 v57;
	v60 =	vunpack.i.l.bf16.f32 v55;
	v8 =	vld.idx.msk [tilespmem:v50+s15+$0x0], $0xffff;
	v6 =	vadd.f32 v56, v6  }
0x143: {  	v61 =	vunpack.i.u.bf16.f32 v55;
	v3 =	vadd.f32 v7, v3;
	v7 =	vmul.f32 v60, v2  }
0x144: {  	v4 =	vadd.f32 v4, v6;
	v2 =	vmul.f32 v61, v2;
	v6 =	vunpack.i.l.bf16.f32 v5  }
0x145: {  	v0 =	vld.idx.msk [tilespmem:v0+s15+$0x0], $0xffff;
	v63 =	vunpack.i.u.bf16.f32 v59;
	v1 =	vmul.f32 v1, v6  }
0x146: {  	v3 =	vadd.f32 v7, v3;
	v7 =	vunpack.i.u.bf16.f32 v57;
	v4 =	vadd.f32 v2, v4  }
0x147: {  	v2 =	vunpack.i.u.bf16.f32 v5;
	v5 =	vunpack.i.u.bf16.f32 v8;
	v8 =	vunpack.i.l.bf16.f32 v8  }
0x148: {  	v6 =	vmul.f32 v7, v6;
	v3 =	vadd.f32 v1, v3;
	v7 =	vmul.f32 v8, v2  }
0x149: {  	v8 =	vunpack.i.l.bf16.f32 v62;
	v1 =	vmul.f32 v5, v2;
	v5 =	vunpack.i.l.bf16.f32 v59  }
0x14a: {  	v2 =	vunpack.i.l.bf16.f32 v0;
	v3 =	vadd.f32 v7, v3;
	v7 =	vadd.f32 v6, v4  }
0x14b: {  	s22 =	simm.s32 $0x40;
	v6 =	vmul.f32 v5, v8;
	v5 =	vunpack.i.u.bf16.f32 v62;
	v4 =	vmul.f32 v63, v8  }
.LBB2_4:
0x14c: {  	s23 =	sshra.s32 s22, $0x2;
	p0 =	sne.s32 s22, $0x1840;
	s22 =	sadd.s32 $0x40, s22;
	v7 =	vadd.f32 v1, v7;
	v0 =	vunpack.i.u.bf16.f32 v0  }
0x14d: {  	v3 =	vadd.f32 v6, v3;
	v2 =	vmul.f32 v2, v5;
	v1 =	vld [tilespmem:s23+$0x14000];
	v5 =	vmul.f32 v0, v5  }
0x14e: {  	v0 =	vld [tilespmem:s23+$0x14680];
	v4 =	vadd.f32 v4, v7  }
0x14f: {  	v2 =	vadd.f32 v2, v3  }
0x150: {  	v3 =	vadd.f32 v5, v4  }
0x151: {  	[tilespmem:s21+$0x14D00] =	vst v2  }
0x152: {  	v5 =	vadd.s32 $0x800, v1;
	v13 =	vadd.s32 $0x1800, v1;
	v2 =	vadd.s32 $0x6800, v1;
	[tilespmem:s21+$0x15380] =	vst v3;
	s21 =	smov.u32 s23  }
0x153: {  	v16 =	vadd.s32 $0x2000, v1;
	v7 =	vadd.s32 $0x600, v0;
	v8 =	vadd.s32 $0xC00, v0  }
0x154: {  	v10 =	vadd.s32 $0x1000, v1;
	v9 =	vadd.s32 $0x1200, v0;
	v4 =	vadd.s32 $0x9C00, v0  }
0x155: {  	v18 =	vadd.s32 $0x2400, v0;
	v21 =	vadd.s32 $0x2A00, v0;
	v6 =	vadd.s32 $0x7800, v0;
	v15 =	vld.idx.msk [tilespmem:v1+s2+$0x0], $0xffff  }
0x156: {  	v23 =	vadd.s32 $0x2800, v1;
	v22 =	vadd.s32 $0x3600, v0;
	v24 =	vadd.s32 $0x6C00, v0;
	v20 =	vld.idx.msk [tilespmem:v0+s15+$0x0], $0xffff  }
0x157: {  	v19 =	vadd.s32 $0x3000, v1;
	v26 =	vadd.s32 $0x4200, v0;
	v3 =	vadd.s32 $0x9600, v0;
	v25 =	vld.idx.msk [tilespmem:v5+s2+$0x0], $0xffff  }
0x158: {  	v29 =	vadd.s32 $0x3800, v1;
	v28 =	vadd.s32 $0x4E00, v0;
	v5 =	vadd.s32 $0x6000, v1;
	v27 =	vld.idx.msk [tilespmem:v8+s15+$0x0], $0xffff  }
0x159: {  	v12 =	vadd.s32 $0x4000, v1;
	v31 =	vadd.s32 $0x3C00, v0;
	v14 =	vadd.s32 $0x5A00, v0;
	v30 =	vld.idx.msk [tilespmem:v10+s2+$0x0], $0xffff  }
0x15a: {  	v11 =	vadd.s32 $0x4800, v1;
	v17 =	vadd.s32 $0x6600, v0;
	v32 =	vld.idx.msk [tilespmem:v7+s15+$0x0], $0xffff;
	v7 =	vadd.s32 $0x9000, v0  }
0x15b: {  	v10 =	vadd.s32 $0x7200, v0;
	v33 =	vunpack.i.u.bf16.f32 v15;
	v8 =	vunpack.i.l.bf16.f32 v15  }
0x15c: {  	v35 =	vadd.s32 $0x3000, v0;
	v15 =	vunpack.i.u.bf16.f32 v20;
	v20 =	vunpack.i.l.bf16.f32 v20;
	v34 =	vld.idx.msk [tilespmem:v9+s15+$0x0], $0xffff  }
0x15d: {  	v36 =	vmul.f32 v20, v8;
	v8 =	vmul.f32 v15, v8;
	v15 =	vadd.s32 $0x1800, v0;
	v20 =	vld.idx.msk [tilespmem:v24+s15+$0x0], $0xffff  }
0x15e: {  	v37 =	vadd.s32 $0x7E00, v0;
	v9 =	vadd.s32 $0x5800, v1;
	v24 =	vadd.s32 $0x1E00, v0;
	v21 =	vld.idx.msk [tilespmem:v21+s15+$0x0], $0xffff  }
0x15f: {  	v39 =	vunpack.i.l.bf16.f32 v25;
	v36 =	vadd.f32 $0.0e+00, v36;
	v38 =	vadd.f32 $0.0e+00, v8  }
0x160: {  	v41 =	vunpack.i.l.bf16.f32 v27;
	v8 =	vadd.s32 $0x8A00, v0;
	v40 =	vunpack.i.l.bf16.f32 v32;
	v42 =	vld.idx.msk [tilespmem:v18+s15+$0x0], $0xffff  }
0x161: {  	v25 =	vunpack.i.u.bf16.f32 v25;
	v27 =	vunpack.i.u.bf16.f32 v27;
	v18 =	vunpack.i.u.bf16.f32 v32;
	v32 =	vld.idx.msk [tilespmem:v35+s15+$0x0], $0xffff  }
0x162: {  	v44 =	vadd.s32 $0x6000, v0;
	v18 =	vmul.f32 v18, v33;
	v35 =	vunpack.i.l.bf16.f32 v30;
	v43 =	vld.idx.msk [tilespmem:v15+s15+$0x0], $0xffff  }
0x163: {  	v45 =	vadd.s32 $0x4800, v0;
	v46 =	vadd.s32 $0x5400, v0;
	v41 =	vmul.f32 v41, v39;
	v24 =	vld.idx.msk [tilespmem:v24+s15+$0x0], $0xffff  }
0x164: {  	v27 =	vmul.f32 v27, v39;
	v18 =	vadd.f32 v18, v38;
	v38 =	vunpack.i.u.bf16.f32 v34;
	v22 =	vld.idx.msk [tilespmem:v22+s15+$0x0], $0xffff  }
0x165: {  	v33 =	vmul.f32 v40, v33;
	v30 =	vunpack.i.u.bf16.f32 v30;
	v15 =	vadd.s32 $0x5000, v1;
	v31 =	vld.idx.msk [tilespmem:v31+s15+$0x0], $0xffff  }
0x166: {  	v18 =	vadd.f32 v27, v18;
	v27 =	vmul.f32 v38, v25;
	v38 =	vunpack.i.u.bf16.f32 v21;
	v23 =	vld.idx.msk [tilespmem:v23+s2+$0x0], $0xffff  }
0x167: {  	v33 =	vadd.f32 v33, v36;
	v21 =	vunpack.i.l.bf16.f32 v21;
	v39 =	vunpack.i.u.bf16.f32 v32;
	v36 =	vld.idx.msk [tilespmem:v13+s2+$0x0], $0xffff  }
0x168: {  	v34 =	vunpack.i.l.bf16.f32 v34;
	v32 =	vunpack.i.l.bf16.f32 v32;
	v27 =	vadd.f32 v27, v18  }
0x169: {  	v33 =	vadd.f32 v41, v33;
	v18 =	vunpack.i.u.bf16.f32 v43;
	v40 =	vunpack.i.u.bf16.f32 v24;
	v13 =	vld.idx.msk [tilespmem:v37+s15+$0x0], $0xffff  }
0x16a: {  	v41 =	vmul.f32 v18, v35;
	v37 =	vunpack.i.l.bf16.f32 v43;
	v40 =	vmul.f32 v40, v30;
	v43 =	vld.idx.msk [tilespmem:v16+s2+$0x0], $0xffff  }
0x16b: {  	v35 =	vmul.f32 v37, v35;
	v37 =	vunpack.i.l.bf16.f32 v22;
	v47 =	vunpack.i.u.bf16.f32 v31  }
0x16c: {  	v48 =	vunpack.i.u.bf16.f32 v42;
	v18 =	vadd.s32 $0x8400, v0;
	v49 =	vunpack.i.l.bf16.f32 v23  }
0x16d: {  	v27 =	vadd.f32 v41, v27;
	v22 =	vunpack.i.u.bf16.f32 v22;
	v41 =	vunpack.i.u.bf16.f32 v36;
	v29 =	vld.idx.msk [tilespmem:v29+s2+$0x0], $0xffff  }
0x16e: {  	v24 =	vunpack.i.l.bf16.f32 v24;
	v16 =	vunpack.i.l.bf16.f32 v42;
	v36 =	vunpack.i.l.bf16.f32 v36;
	v42 =	vld.idx.msk [tilespmem:v45+s15+$0x0], $0xffff  }
0x16f: {  	v25 =	vmul.f32 v34, v25;
	v34 =	vmul.f32 v16, v36;
	v16 =	vunpack.i.l.bf16.f32 v13  }
0x170: {  	v50 =	vunpack.i.u.bf16.f32 v20;
	v21 =	vmul.f32 v21, v41;
	v45 =	vunpack.i.l.bf16.f32 v43;
	v26 =	vld.idx.msk [tilespmem:v26+s15+$0x0], $0xffff  }
0x171: {  	v25 =	vadd.f32 v25, v33;
	v33 =	vmul.f32 v48, v36;
	v36 =	vmul.f32 v38, v41  }
0x172: {  	v38 =	vunpack.i.u.bf16.f32 v43;
	v32 =	vmul.f32 v32, v45;
	v39 =	vmul.f32 v39, v45;
	v28 =	vld.idx.msk [tilespmem:v28+s15+$0x0], $0xffff  }
0x173: {  	v24 =	vmul.f32 v24, v30;
	v23 =	vunpack.i.u.bf16.f32 v23;
	v25 =	vadd.f32 v35, v25  }
0x174: {  	v22 =	vmul.f32 v22, v38;
	v35 =	vunpack.i.u.bf16.f32 v29;
	v30 =	vunpack.i.l.bf16.f32 v42;
	v19 =	vld.idx.msk [tilespmem:v19+s2+$0x0], $0xffff  }
0x175: {  	v24 =	vadd.f32 v24, v25;
	v25 =	vmul.f32 v37, v38;
	v29 =	vunpack.i.l.bf16.f32 v29  }
0x176: {  	v31 =	vunpack.i.l.bf16.f32 v31;
	v38 =	vmul.f32 v47, v49;
	v37 =	vunpack.i.u.bf16.f32 v26;
	v41 =	vld.idx.msk [tilespmem:v46+s15+$0x0], $0xffff  }
0x177: {  	v27 =	vadd.f32 v40, v27;
	v31 =	vmul.f32 v31, v49;
	v40 =	vunpack.i.u.bf16.f32 v42;
	v17 =	vld.idx.msk [tilespmem:v17+s15+$0x0], $0xffff  }
0x178: {  	v24 =	vadd.f32 v34, v24;
	v26 =	vunpack.i.l.bf16.f32 v26;
	v34 =	vmul.f32 v37, v23;
	v37 =	vld.idx.msk [tilespmem:v44+s15+$0x0], $0xffff  }
0x179: {  	v20 =	vunpack.i.l.bf16.f32 v20;
	v23 =	vmul.f32 v26, v23;
	v26 =	vunpack.i.l.bf16.f32 v28  }
0x17a: {  	v27 =	vadd.f32 v33, v27;
	v33 =	vunpack.i.u.bf16.f32 v19;
	v19 =	vunpack.i.l.bf16.f32 v19;
	v14 =	vld.idx.msk [tilespmem:v14+s15+$0x0], $0xffff  }
0x17b: {  	v21 =	vadd.f32 v21, v24;
	v24 =	vunpack.i.u.bf16.f32 v28;
	v28 =	vmul.f32 v40, v19  }
0x17c: {  	v27 =	vadd.f32 v36, v27;
	v19 =	vmul.f32 v30, v19;
	v24 =	vmul.f32 v24, v33;
	v12 =	vld.idx.msk [tilespmem:v12+s2+$0x0], $0xffff  }
0x17d: {  	v21 =	vadd.f32 v32, v21;
	v26 =	vmul.f32 v26, v33;
	v30 =	vunpack.i.u.bf16.f32 v17  }
0x17e: {  	v27 =	vadd.f32 v39, v27;
	v32 =	vunpack.i.u.bf16.f32 v41;
	v33 =	vunpack.i.u.bf16.f32 v37  }
0x17f: {  	v21 =	vadd.f32 v25, v21;
	v25 =	vunpack.i.l.bf16.f32 v41;
	v32 =	vmul.f32 v32, v29  }
0x180: {  	v22 =	vadd.f32 v22, v27;
	v25 =	vmul.f32 v25, v29;
	v27 =	vunpack.i.u.bf16.f32 v14;
	v11 =	vld.idx.msk [tilespmem:v11+s2+$0x0], $0xffff  }
0x181: {  	v21 =	vadd.f32 v31, v21;
	v14 =	vunpack.i.l.bf16.f32 v14;
	v27 =	vmul.f32 v27, v35  }
0x182: {  	v22 =	vadd.f32 v38, v22;
	v14 =	vmul.f32 v14, v35;
	v29 =	vunpack.i.l.bf16.f32 v12;
	v10 =	vld.idx.msk [tilespmem:v10+s15+$0x0], $0xffff  }
0x183: {  	v21 =	vadd.f32 v23, v21;
	v23 =	vunpack.i.l.bf16.f32 v37;
	v31 =	vmul.f32 v33, v29  }
0x184: {  	v22 =	vadd.f32 v34, v22;
	v12 =	vunpack.i.u.bf16.f32 v12;
	v23 =	vmul.f32 v23, v29;
	v15 =	vld.idx.msk [tilespmem:v15+s2+$0x0], $0xffff  }
0x185: {  	v19 =	vadd.f32 v19, v21;
	v17 =	vunpack.i.l.bf16.f32 v17;
	v21 =	vmul.f32 v30, v12;
	v6 =	vld.idx.msk [tilespmem:v6+s15+$0x0], $0xffff  }
0x186: {  	v22 =	vadd.f32 v28, v22;
	v12 =	vmul.f32 v17, v12;
	v17 =	vunpack.i.l.bf16.f32 v11  }
0x187: {  	v19 =	vadd.f32 v26, v19;
	v11 =	vunpack.i.u.bf16.f32 v11;
	v26 =	vmul.f32 v50, v17  }
0x188: {  	v22 =	vadd.f32 v24, v22;
	v17 =	vmul.f32 v20, v17;
	v24 =	vunpack.i.u.bf16.f32 v10;
	v7 =	vld.idx.msk [tilespmem:v7+s15+$0x0], $0xffff  }
0x189: {  	v19 =	vadd.f32 v25, v19;
	v10 =	vunpack.i.l.bf16.f32 v10;
	v20 =	vmul.f32 v24, v11;
	v9 =	vld.idx.msk [tilespmem:v9+s2+$0x0], $0xffff  }
0x18a: {  	v22 =	vadd.f32 v32, v22;
	v10 =	vmul.f32 v10, v11;
	v11 =	vunpack.i.u.bf16.f32 v15;
	v18 =	vld.idx.msk [tilespmem:v18+s15+$0x0], $0xffff  }
0x18b: {  	v14 =	vadd.f32 v14, v19;
	v15 =	vunpack.i.l.bf16.f32 v15;
	v19 =	vunpack.i.l.bf16.f32 v6  }
0x18c: {  	v22 =	vadd.f32 v27, v22;
	v6 =	vunpack.i.u.bf16.f32 v6;
	v19 =	vmul.f32 v19, v15;
	v8 =	vld.idx.msk [tilespmem:v8+s15+$0x0], $0xffff  }
0x18d: {  	v13 =	vunpack.i.u.bf16.f32 v13;
	v14 =	vadd.f32 v23, v14;
	v6 =	vmul.f32 v6, v15  }
0x18e: {  	v16 =	vmul.f32 v16, v11;
	v11 =	vmul.f32 v13, v11;
	v15 =	vadd.f32 v31, v22  }
0x18f: {  	v12 =	vadd.f32 v12, v14;
	v13 =	vunpack.i.u.bf16.f32 v9;
	v9 =	vunpack.i.l.bf16.f32 v9;
	v4 =	vld.idx.msk [tilespmem:v4+s15+$0x0], $0xffff  }
0x190: {  	v14 =	vadd.f32 v21, v15;
	v21 =	vunpack.i.l.bf16.f32 v7;
	v15 =	vunpack.i.u.bf16.f32 v18  }
0x191: {  	v12 =	vadd.f32 v17, v12;
	v17 =	vunpack.i.l.bf16.f32 v18;
	v15 =	vmul.f32 v15, v9  }
0x192: {  	v14 =	vadd.f32 v26, v14;
	v9 =	vmul.f32 v17, v9;
	v18 =	vunpack.i.u.bf16.f32 v8;
	v5 =	vld.idx.msk [tilespmem:v5+s2+$0x0], $0xffff  }
0x193: {  	v10 =	vadd.f32 v10, v12;
	v8 =	vunpack.i.l.bf16.f32 v8;
	v12 =	vmul.f32 v18, v13  }
0x194: {  	v7 =	vunpack.i.u.bf16.f32 v7;
	v14 =	vadd.f32 v20, v14;
	v8 =	vmul.f32 v8, v13;
	v3 =	vld.idx.msk [tilespmem:v3+s15+$0x0], $0xffff  }
0x195: {  	v10 =	vadd.f32 v19, v10;
	v17 =	vadd.s32 $0xA200, v0;
	v13 =	vunpack.i.l.bf16.f32 v4  }
0x196: {  	v18 =	vadd.s32 $0xA800, v0;
	v6 =	vadd.f32 v6, v14;
	v14 =	vadd.s32 $0x7000, v1;
	v2 =	vld.idx.msk [tilespmem:v2+s2+$0x0], $0xffff  }
0x197: {  	v19 =	vadd.s32 $0xB400, v0;
	v10 =	vadd.f32 v16, v10;
	v16 =	vadd.s32 $0xAE00, v0  }
0x198: {  	v1 =	vadd.s32 $0x7800, v1;
	v6 =	vadd.f32 v11, v6;
	v11 =	vunpack.i.l.bf16.f32 v5  }
0x199: {  	v9 =	vadd.f32 v9, v10;
	v5 =	vunpack.i.u.bf16.f32 v5;
	v10 =	vmul.f32 v21, v11  }
0x19a: {  	v6 =	vadd.f32 v15, v6;
	v7 =	vmul.f32 v7, v11;
	v15 =	vunpack.i.u.bf16.f32 v3;
	v11 =	vld.idx.msk [tilespmem:v17+s15+$0x0], $0xffff  }
0x19b: {  	v8 =	vadd.f32 v8, v9;
	v3 =	vunpack.i.l.bf16.f32 v3;
	v9 =	vmul.f32 v15, v5;
	v15 =	vld.idx.msk [tilespmem:v18+s15+$0x0], $0xffff  }
0x19c: {  	v0 =	vadd.s32 $0xBA00, v0;
	v6 =	vadd.f32 v12, v6;
	v12 =	vunpack.i.l.bf16.f32 v2;
	v17 =	vld.idx.msk [tilespmem:v19+s15+$0x0], $0xffff  }
0x19d: {  	v4 =	vunpack.i.u.bf16.f32 v4;
	v8 =	vadd.f32 v10, v8;
	v3 =	vmul.f32 v3, v5;
	v5 =	vld.idx.msk [tilespmem:v14+s2+$0x0], $0xffff  }
0x19e: {  	v6 =	vadd.f32 v7, v6;
	v4 =	vmul.f32 v4, v12;
	v10 =	vld.idx.msk [tilespmem:v1+s2+$0x0], $0xffff  }
0x19f: {  	v2 =	vunpack.i.u.bf16.f32 v2;
	v1 =	vadd.f32 v3, v8;
	v3 =	vmul.f32 v13, v12;
	v7 =	vld.idx.msk [tilespmem:v16+s15+$0x0], $0xffff  }
0x1a0: {  	v6 =	vadd.f32 v9, v6;
	v8 =	vunpack.i.u.bf16.f32 v11;
	v9 =	vunpack.i.l.bf16.f32 v11  }
0x1a1: {  	v1 =	vadd.f32 v3, v1;
	v3 =	vmul.f32 v9, v2;
	v9 =	vunpack.i.l.bf16.f32 v15;
	v0 =	vld.idx.msk [tilespmem:v0+s15+$0x0], $0xffff  }
0x1a2: {  	v4 =	vadd.f32 v4, v6;
	v2 =	vmul.f32 v8, v2;
	v8 =	vunpack.i.u.bf16.f32 v17  }
0x1a3: {  	v6 =	vunpack.i.u.bf16.f32 v15;
	v1 =	vadd.f32 v3, v1;
	v3 =	vunpack.i.l.bf16.f32 v5  }
0x1a4: {  	v4 =	vadd.f32 v2, v4;
	v2 =	vunpack.i.u.bf16.f32 v5;
	v5 =	vmul.f32 v9, v3  }
.Ltmp1:
0x1a5: {  	v6 =	vmul.f32 v6, v3;
	v9 =	vunpack.i.u.bf16.f32 v7;
	v7 =	vunpack.i.l.bf16.f32 v7;
	(pc) =	sbr.rel @p0 .LBB2_4-.Ltmp1, $4  }
0x1a6: {  	v11 =	vunpack.i.l.bf16.f32 v10;
	v3 =	vadd.f32 v5, v1;
	v5 =	vmul.f32 v7, v2  }
0x1a7: {  	v1 =	vmul.f32 v9, v2;
	v9 =	vunpack.i.l.bf16.f32 v17;
	v2 =	vunpack.i.l.bf16.f32 v0  }
0x1a8: {  	v7 =	vadd.f32 v6, v4;
	v6 =	vmul.f32 v9, v11;
	v3 =	vadd.f32 v5, v3  }
0x1a9: {  	v4 =	vmul.f32 v8, v11;
	v5 =	vunpack.i.u.bf16.f32 v10  }
0x1aa: {  	v1 =	vadd.f32 v1, v7  }
0x1ab: {  	v0 =	vunpack.i.u.bf16.f32 v0;
	v3 =	vadd.f32 v6, v3;
	v2 =	vmul.f32 v2, v5  }
0x1ac: {  	v0 =	vmul.f32 v0, v5;
	v1 =	vadd.f32 v4, v1  }
0x1ad: {  	v2 =	vadd.f32 v2, v3  }
0x1ae: {  	v0 =	vadd.f32 v0, v1  }
0x1af: {  	[tilespmem:s21+$0x14D00] =	vst v2  }
0x1b0: {  	[tilespmem:s21+$0x15380] =	vst v0  }
0x1b1: {  	[hbm4b:s11+s2] =	stream.linear.scatter [tilespmem:s18], [sflag:$0x1], $0x620, $0x38;
	[tilespmem:$0x15A00] =	vst v63  }
0x1b2: {  	s20 =	sadd.s32 $0x1, s20;
	_ =	swait.ge [sflag:s14], $0x620  }
0x1b3: {  	p0 =	sne.s32 s20, s13;
	[sflag:s14] =	ssyncset.done $0x0  }
.Ltmp2:
0x1b4: {  	[sflag:s14] =	ssyncadd.s32 $0xFFFFF9E0;
	(pc) =	sbr.rel @p0 .LBB2_1-.Ltmp2, $4  }
0x1b5: {  	[hbm4b:s12+s2] =	stream.linear.scatter [tilespmem:s19], [sflag:$0x1], $0x620, $0x38;
	[tilespmem:$0x15A00] =	vst v63  }
0x1b6: {  	_ =	swait.ge [sflag:s14], $0x620  }
0x1b7: {  	[sflag:s14] =	ssyncset.done $0x0  }
0x1b8: {  	[sflag:s14] =	ssyncadd.s32 $0xFFFFF9E0  }
0x1b9: {  	_ =	sfence.sel $0x180000  }
0x1ba: {  	[bflag:$0x0] =	sbarrier.arrive $0xFFFF  }
0x1bb: {  	p0 =	sne.s32 s1, $0x0;
	_ =	strace $0x90000047  }
0x1bc: {  	s0 =	sadd.s32 @!p0 $0x100000, s0;
	[bflag:$0x2] =	sbarrier.arrive $0xFFFF  }
0x1bd: {  	[sflag:s0] =	ssyncadd.tile.s32 @!p0 $0x1;
	_ =	shalt  }
.Lfunc_end2:
_tile_overlayer_lowered:
.L_overlay_start_2:
0x1be: {  	(tag) =	ssettag $0x2  }
0x1bf: {  	s0 =	rddreg [dreg:$0x0];
	s2 =	stileid.u32  }
0x1c0: {  	s1 =	rddreg [dreg:$0x1];
	p0 =	sne.s32 s2, $0x0  }
0x1c1: {  	s3 =	rddreg [dreg:$0x2];
	[bflag:$0x3] =	sbarrier.arrive $0xFFFF;
	s2 =	simm.s32 @!p0 $0x1C01  }
0x1c2: {  	[timem:s3], [sflag:s2] =	dma.local @!p0 [hbm:s0], s1  }
0x1c3: {  	s0 =	simm.s32 @!p0 $0x1  }
0x1c4: {  	_ =	swait.ge @!p0 [sflag:s0], s1  }
0x1c5: {  	s1 =	ssub.s32 @!p0 $0x0, s1;
	[sflag:s0] =	ssyncset.done @!p0 $0x0  }
0x1c6: {  	[sflag:s0] =	ssyncadd.s32 @!p0 s1  }
0x1c7: {  	[bflag:$0x3] =	sbarrier.arrive $0xFFFF  }
0x1c8: {  	_ =	shalt  }

</sc_bundles>
